<compile_context>
chip_gen: v7x
topology: tpu7x:2x2x1
jax: 0.10.2.dev20260603
libtpu: 0.0.44.dev20260713+nightly
codegen_flags: <defaults>
</compile_context>

<pallas_src>
import jax
import jax.numpy as jnp
from jax import lax
from jax.experimental import pallas as pl
from jax.experimental.pallas import tpu as pltpu
from jax.experimental.pallas import tpu_sc as plsc

N = 10000
D = 128
DH = 64
E = 320000

NC = 2
NS = 16
NW = NC * NS

C = 128
G = 160
G2 = G // 4
NBUF = 2
EPT = G * C
E_PAD = NS * EPT

RPT = 640
N_PAD = NS * RPT

_mesh = plsc.VectorSubcoreMesh(core_axis_name="c", subcore_axis_name="s")


def _agg_body(feat, srcr, dstr, zrows, part0, part1,
              feat_sh, agg_sh, src_v, dst_v, rows0, rows1,
              sem0, sem1):
  cid = lax.axis_index("c")
  sid = lax.axis_index("s")
  row0 = sid * RPT

  bufs = (rows0, rows1)
  sems = (sem0, sem1)

  pltpu.sync_copy(feat.at[cid, pl.ds(row0, RPT)],
                  feat_sh.at[pl.ds(row0, RPT)])
  pltpu.sync_copy(zrows, agg_sh.at[pl.ds(row0, RPT)])
  plsc.subcore_barrier()

  def start_g(g, buf, sem):
    pltpu.async_copy(feat_sh.at[src_v.at[g]], buf, sem)

  def wait_g(g, buf, sem):
    pltpu.make_async_copy(feat_sh.at[src_v.at[g]], buf, sem).wait()

  def accum(g, buf):
    pltpu.sync_copy(buf, agg_sh.at[dst_v.at[g]], add=True)

  def run_slab(h):
    pltpu.sync_copy(srcr.at[sid, pl.ds(h * G2, G2)], src_v)
    pltpu.sync_copy(dstr.at[sid, pl.ds(h * G2, G2)], dst_v)

    for k in range(NBUF):
      start_g(k, bufs[k], sems[k])

    @pl.loop(0, G2, step=NBUF)
    def _(g):
      for k in range(NBUF):
        wait_g(g + k, bufs[k], sems[k])
        accum(g + k, bufs[k])

        @pl.when(g + k + NBUF < G2)
        def _():
          start_g(g + k + NBUF, bufs[k], sems[k])

  run_slab(0)
  run_slab(1)
  run_slab(2)
  run_slab(3)

  plsc.subcore_barrier()

  @pl.when(cid == 0)
  def _():
    pltpu.sync_copy(agg_sh.at[pl.ds(row0, RPT)], part0.at[pl.ds(row0, RPT)])

  @pl.when(cid == 1)
  def _():
    pltpu.sync_copy(agg_sh.at[pl.ds(row0, RPT)], part1.at[pl.ds(row0, RPT)])


_agg_half = pl.kernel(
    _agg_body,
    out_type=[jax.ShapeDtypeStruct((N_PAD, DH), jnp.float32),
              jax.ShapeDtypeStruct((N_PAD, DH), jnp.float32)],
    mesh=_mesh,
    scratch_types=[
        pltpu.VMEM_SHARED((N_PAD, DH), jnp.float32),
        pltpu.VMEM_SHARED((N_PAD, DH), jnp.float32),
        pltpu.VMEM((G2, C), jnp.int32),
        pltpu.VMEM((G2, C), jnp.int32),
        pltpu.VMEM((C, DH), jnp.float32),
        pltpu.VMEM((C, DH), jnp.float32),
        pltpu.SemaphoreType.DMA,
        pltpu.SemaphoreType.DMA,
    ],
)



CD = 128
GD = 80
ED_PAD = NW * GD * CD


def _deg_body(dstr, zdeg, ones1, deg0, deg1, deg_sh, dst_v, ones_v):
  cid = lax.axis_index("c")
  sid = lax.axis_index("s")
  wid = sid * NC + cid
  row0 = sid * RPT

  pltpu.sync_copy(zdeg, deg_sh.at[pl.ds(row0, RPT)])
  pltpu.sync_copy(ones1, ones_v)
  pltpu.sync_copy(dstr.at[wid], dst_v)

  plsc.subcore_barrier()

  @pl.loop(0, GD)
  def _(g):
    pltpu.sync_copy(ones_v, deg_sh.at[dst_v.at[g]], add=True)

  plsc.subcore_barrier()

  @pl.when(cid == 0)
  def _():
    pltpu.sync_copy(deg_sh.at[pl.ds(row0, RPT)], deg0.at[pl.ds(row0, RPT)])

  @pl.when(cid == 1)
  def _():
    pltpu.sync_copy(deg_sh.at[pl.ds(row0, RPT)], deg1.at[pl.ds(row0, RPT)])


_deg_kernel = pl.kernel(
    _deg_body,
    out_type=[jax.ShapeDtypeStruct((N_PAD,), jnp.float32),
              jax.ShapeDtypeStruct((N_PAD,), jnp.float32)],
    mesh=_mesh,
    scratch_types=[
        pltpu.VMEM_SHARED((N_PAD,), jnp.float32),
        pltpu.VMEM((GD, CD), jnp.int32),
        pltpu.VMEM((CD,), jnp.float32),
    ],
)


BN = 1000


def _halves_dot(xs, wl, wr):
  xl = xs[0]
  xr = xs[1]
  h = lax.dot_general(xl, wl, (((1,), (1,)), ((), ())),
                      preferred_element_type=jnp.float32)
  return h + lax.dot_general(xr, wr, (((1,), (1,)), ((), ())),
                             preferred_element_type=jnp.float32)


def _layer_body(a0, a1, d0, d1, xs, wll, wlr, bl, wrl, wrr, outs):
  deg = jnp.maximum(d0[...] + d1[...], 1.0)
  aggs = jnp.stack([a0[...] / deg, a1[...] / deg])
  h = _halves_dot(aggs, wll[...], wlr[...])
  h = h + bl[...] + _halves_dot(xs[...], wrl[...], wrr[...])
  h = jnp.maximum(h, 0.0)
  outs[...] = jnp.stack([h[:, :DH], h[:, DH:]])


def _layer2_body(a0, a1, d0, d1, xs, wll, wlr, bl, wrl, wrr, wc, bc, out):
  deg = jnp.maximum(d0[...] + d1[...], 1.0)
  aggs = jnp.stack([a0[...] / deg, a1[...] / deg])
  h = _halves_dot(aggs, wll[...], wlr[...])
  h = h + bl[...] + _halves_dot(xs[...], wrl[...], wrr[...])
  h = jnp.maximum(h, 0.0)
  o = lax.dot_general(h, wc[...], (((1,), (0,)), ((), ())),
                      preferred_element_type=jnp.float32)
  out[...] = o + bc[...]


_half_spec = pl.BlockSpec((BN, DH), lambda i: (i, 0))
_deg_spec = pl.BlockSpec((BN, 1), lambda i: (i, 0))
_stk_spec = pl.BlockSpec((2, BN, DH), lambda i: (0, i, 0))
_wh_spec = pl.BlockSpec((D, DH), lambda i: (0, 0))
_b_spec = pl.BlockSpec((1, D), lambda i: (0, 0))

_layer_tc = pl.pallas_call(
    _layer_body,
    grid=(N // BN,),
    in_specs=[_half_spec, _half_spec, _deg_spec, _deg_spec, _stk_spec,
              _wh_spec, _wh_spec, _b_spec, _wh_spec, _wh_spec],
    out_specs=_stk_spec,
    out_shape=jax.ShapeDtypeStruct((2, N_PAD, DH), jnp.float32),
)

_layer2_tc = pl.pallas_call(
    _layer2_body,
    grid=(N // BN,),
    in_specs=[_half_spec, _half_spec, _deg_spec, _deg_spec, _stk_spec,
              _wh_spec, _wh_spec, _b_spec, _wh_spec, _wh_spec,
              pl.BlockSpec((D, 1), lambda i: (0, 0)),
              pl.BlockSpec((1, 1), lambda i: (0, 0))],
    out_specs=pl.BlockSpec((BN, 1), lambda i: (i, 0)),
    out_shape=jax.ShapeDtypeStruct((N, 1), jnp.float32),
)


def kernel(x, edge_index, W1_l, b1_l, W1_r, W2_l, b2_l, W2_r, Wc, bc):
  ei = edge_index.astype(jnp.int32)

  pad_a = E_PAD - E
  src_a = jnp.concatenate([ei[0], jnp.zeros((pad_a,), jnp.int32)])
  dst_a = jnp.concatenate([ei[1], jnp.full((pad_a,), N, jnp.int32)])
  srcr = src_a.reshape(NS, G, C)
  dstr = dst_a.reshape(NS, G, C)

  pad_d = ED_PAD - E
  dst_d = jnp.concatenate([ei[1], jnp.full((pad_d,), N, jnp.int32)])
  dstr_d = dst_d.reshape(NW, GD, CD)

  zrows = jnp.zeros((RPT, DH), jnp.float32)
  zdeg = jnp.zeros((RPT,), jnp.float32)
  ones1 = jnp.ones((CD,), jnp.float32)

  g0, g1 = _deg_kernel(dstr_d, zdeg, ones1)
  g0 = g0.reshape(N_PAD, 1)
  g1 = g1.reshape(N_PAD, 1)

  xp = jnp.pad(x, ((0, N_PAD - N), (0, 0)))
  xs = jnp.stack([xp[:, :DH], xp[:, DH:]])
  p0, p1 = _agg_half(xs, srcr, dstr, zrows)

  w1ll, w1lr = W1_l[:, :DH], W1_l[:, DH:]
  w1rl, w1rr = W1_r[:, :DH], W1_r[:, DH:]
  hs = _layer_tc(p0, p1, g0, g1, xs,
                 w1ll, w1lr, b1_l.reshape(1, D), w1rl, w1rr)

  q0, q1 = _agg_half(hs, srcr, dstr, zrows)

  w2ll, w2lr = W2_l[:, :DH], W2_l[:, DH:]
  w2rl, w2rr = W2_r[:, :DH], W2_r[:, DH:]
  out = _layer2_tc(q0, q1, g0, g1, hs,
                   w2ll, w2lr, b2_l.reshape(1, D), w2rl, w2rr,
                   Wc.reshape(D, 1), bc.reshape(1, 1))
  return jnp.squeeze(out, axis=-1)

# --- scband reference (transcript-rebuilt; emitter-appended) ---
"""Pipeline reference for scband-graph-sageclassifier-75737453298298 (READ-ONLY COPY).

The authoritative reference and input builder live on the scoring server;
editing this copy changes nothing except your own understanding.
"""

import jax, jax.numpy as jnp
import numpy as np

N = 10000
E = 320000
D_IN = 128
D_H = 128


def _sage_conv(x, edge_index, W_l, b_l, W_r):
    # PyG-style SAGEConv with mean aggregation:
    # out = lin_l(mean_{j in N(i)} x_j) + lin_r(x_i)
    src = edge_index[0]
    dst = edge_index[1]
    msg = jnp.take(x, src, axis=0)
    agg = jax.ops.segment_sum(msg, dst, num_segments=x.shape[0])
    deg = jax.ops.segment_sum(jnp.ones((edge_index.shape[1],), dtype=x.dtype), dst, num_segments=x.shape[0])
    agg = agg / jnp.clip(deg, 1.0)[:, None]
    return agg @ W_l.T + b_l + x @ W_r.T


def setup_inputs(seed: int = 0) -> dict:
    key = jax.random.key(seed)
    ks = jax.random.split(key, 12)
    x = jax.random.normal(ks[0], (N, D_IN), dtype=jnp.float32)
    edge_index = jax.random.randint(ks[1], (2, E), 0, N, dtype=jnp.int64)
    s1 = 1.0 / np.sqrt(D_IN)
    s2 = 1.0 / np.sqrt(D_H)
    W1_l = jax.random.uniform(ks[2], (D_H, D_IN), jnp.float32, -s1, s1)
    b1_l = jax.random.uniform(ks[3], (D_H,), jnp.float32, -s1, s1)
    W1_r = jax.random.uniform(ks[4], (D_H, D_IN), jnp.float32, -s1, s1)
    W2_l = jax.random.uniform(ks[5], (D_H, D_H), jnp.float32, -s2, s2)
    b2_l = jax.random.uniform(ks[6], (D_H,), jnp.float32, -s2, s2)
    W2_r = jax.random.uniform(ks[7], (D_H, D_H), jnp.float32, -s2, s2)
    Wc = jax.random.uniform(ks[8], (1, D_H), jnp.float32, -s2, s2)
    bc = jax.random.uniform(ks[9], (1,), jnp.float32, -s2, s2)
    return {"x": x, "edge_index": edge_index, "W1_l": W1_l, "b1_l": b1_l, "W1_r": W1_r,
            "W2_l": W2_l, "b2_l": b2_l, "W2_r": W2_r, "Wc": Wc, "bc": bc}


def reference(x, edge_index, W1_l, b1_l, W1_r, W2_l, b2_l, W2_r, Wc, bc):
    # Inference mode: dropout is identity.
    h = _sage_conv(x, edge_index, W1_l, b1_l, W1_r)
    h = jax.nn.relu(h)
    h = _sage_conv(h, edge_index, W2_l, b2_l, W2_r)
    h = jax.nn.relu(h)
    out = h @ Wc.T + bc
    return jnp.squeeze(out, axis=-1)

if __name__ == "__main__":
    import jax
    _d = setup_inputs()
    print(jax.jit(kernel)(*tuple(_d.values())))

</pallas_src>

<mosaic_0001>
#map = affine_map<(d0, d1) -> (0, 0, 0)>
#map1 = affine_map<(d0, d1) -> (0)>
module attributes {stable_mosaic.version = 14 : i64} {
  func.func @_deg_body(%arg0: i32, %arg1: i32, %arg2: memref<32x80x128xi32, #tpu.memory_space<hbm>>, %arg3: memref<640xf32, #tpu.memory_space<hbm>>, %arg4: memref<128xf32, #tpu.memory_space<hbm>>, %arg5: memref<10240xf32, #tpu.memory_space<hbm>>, %arg6: memref<10240xf32, #tpu.memory_space<hbm>>, %arg7: memref<10240xf32, #tpu.memory_space<vmem_shared>>, %arg8: memref<80x128xi32, #tpu.memory_space<vmem>>, %arg9: memref<128xf32, #tpu.memory_space<vmem>>) attributes {dimension_semantics = [#tpu.dimension_semantics<core_parallel>, #tpu.dimension_semantics<subcore_parallel>], iteration_bounds = array<i64: 2, 16>, scalar_prefetch = 0 : i64, scratch_operands = 3 : i64, tpu.core_type = #tpu.core_type<sc_vector_subcore>, window_params = [{transform_indices = #map}, {transform_indices = #map1}, {transform_indices = #map1}, {transform_indices = #map1}, {transform_indices = #map1}]} {
    %mul3A = arith.constant 2 : i32
    %mul3A_0 = arith.muli %arg1, %mul3A : i32
    %add3A = arith.addi %mul3A_0, %arg0 : i32
    %mul3A_1 = arith.constant 640 : i32
    %mul3A_2 = arith.muli %arg1, %mul3A_1 : i32
    "tpu.region"() ({
      %run_scoped3A = tpu.sem_alloc : memref<!tpu.dma_semaphore, #tpu.memory_space<semaphore_mem>>
      %dma_start3A = tpu.memref_slice %arg7[%mul3A_2] : memref<10240xf32, #tpu.memory_space<vmem_shared>> -> memref<640xf32, #tpu.memory_space<vmem_shared>>
      tpu.enqueue_dma source(%arg3 : memref<640xf32, #tpu.memory_space<hbm>>) target(%dma_start3A : memref<640xf32, #tpu.memory_space<vmem_shared>>) target_semaphore(%run_scoped3A : memref<!tpu.dma_semaphore, #tpu.memory_space<semaphore_mem>>)
      %dma_wait3A = tpu.memref_slice %arg7[%mul3A_2] : memref<10240xf32, #tpu.memory_space<vmem_shared>> -> memref<640xf32, #tpu.memory_space<vmem_shared>>
      tpu.wait_dma2 semaphore(%run_scoped3A : memref<!tpu.dma_semaphore, #tpu.memory_space<semaphore_mem>>) src(%arg3 : memref<640xf32, #tpu.memory_space<hbm>>) dst(%dma_wait3A : memref<640xf32, #tpu.memory_space<vmem_shared>>)
      tpu.yield
    }) : () -> ()
    "tpu.region"() ({
      %run_scoped3A = tpu.sem_alloc : memref<!tpu.dma_semaphore, #tpu.memory_space<semaphore_mem>>
      tpu.enqueue_dma source(%arg4 : memref<128xf32, #tpu.memory_space<hbm>>) target(%arg9 : memref<128xf32, #tpu.memory_space<vmem>>) target_semaphore(%run_scoped3A : memref<!tpu.dma_semaphore, #tpu.memory_space<semaphore_mem>>)
      tpu.wait_dma2 semaphore(%run_scoped3A : memref<!tpu.dma_semaphore, #tpu.memory_space<semaphore_mem>>) src(%arg4 : memref<128xf32, #tpu.memory_space<hbm>>) dst(%arg9 : memref<128xf32, #tpu.memory_space<vmem>>)
      tpu.yield
    }) : () -> ()
    "tpu.region"() ({
      %run_scoped3A = tpu.sem_alloc : memref<!tpu.dma_semaphore, #tpu.memory_space<semaphore_mem>>
      %dma_start3A = arith.constant 0 : i32
      %dma_start3A_15 = arith.constant 0 : i32
      %dma_start3A_16 = tpu.memref_slice %arg2[%add3A, %dma_start3A, %dma_start3A_15] : memref<32x80x128xi32, #tpu.memory_space<hbm>> -> memref<1x80x128xi32, #tpu.memory_space<hbm>>
      %dma_start3A_17 = tpu.memref_squeeze %dma_start3A_16 : memref<1x80x128xi32, #tpu.memory_space<hbm>> -> memref<80x128xi32, #tpu.memory_space<hbm>>
      %dma_start3A_18 = arith.constant 0 : i32
      %dma_start3A_19 = arith.constant 0 : i32
      %dma_start3A_20 = tpu.memref_slice %arg2[%add3A, %dma_start3A_18, %dma_start3A_19] : memref<32x80x128xi32, #tpu.memory_space<hbm>> -> memref<1x80x128xi32, #tpu.memory_space<hbm>>
      %dma_start3A_21 = tpu.memref_squeeze %dma_start3A_20 : memref<1x80x128xi32, #tpu.memory_space<hbm>> -> memref<80x128xi32, #tpu.memory_space<hbm>>
      tpu.enqueue_dma source(%dma_start3A_21 : memref<80x128xi32, #tpu.memory_space<hbm>>) target(%arg8 : memref<80x128xi32, #tpu.memory_space<vmem>>) target_semaphore(%run_scoped3A : memref<!tpu.dma_semaphore, #tpu.memory_space<semaphore_mem>>)
      %dma_wait3A = arith.constant 0 : i32
      %dma_wait3A_22 = arith.constant 0 : i32
      %dma_wait3A_23 = tpu.memref_slice %arg2[%add3A, %dma_wait3A, %dma_wait3A_22] : memref<32x80x128xi32, #tpu.memory_space<hbm>> -> memref<1x80x128xi32, #tpu.memory_space<hbm>>
      %dma_wait3A_24 = tpu.memref_squeeze %dma_wait3A_23 : memref<1x80x128xi32, #tpu.memory_space<hbm>> -> memref<80x128xi32, #tpu.memory_space<hbm>>
      %dma_wait3A_25 = arith.constant 0 : i32
      %dma_wait3A_26 = arith.constant 0 : i32
      %dma_wait3A_27 = tpu.memref_slice %arg2[%add3A, %dma_wait3A_25, %dma_wait3A_26] : memref<32x80x128xi32, #tpu.memory_space<hbm>> -> memref<1x80x128xi32, #tpu.memory_space<hbm>>
      %dma_wait3A_28 = tpu.memref_squeeze %dma_wait3A_27 : memref<1x80x128xi32, #tpu.memory_space<hbm>> -> memref<80x128xi32, #tpu.memory_space<hbm>>
      tpu.wait_dma2 semaphore(%run_scoped3A : memref<!tpu.dma_semaphore, #tpu.memory_space<semaphore_mem>>) src(%dma_wait3A_28 : memref<80x128xi32, #tpu.memory_space<hbm>>) dst(%arg8 : memref<80x128xi32, #tpu.memory_space<vmem>>)
      tpu.yield
    }) : () -> ()
    %barrier3A = arith.constant 0 : index
    tpu.barrier barrier_id(%barrier3A)
    %scan3A = arith.constant 0 : i32
    %scan3A_3 = arith.constant 80 : i32
    %scan3A_4 = arith.addi %scan3A, %scan3A_3 : i32
    %scan3A_5 = arith.constant 1 : i32
    scf.for %scan3A_15 = %scan3A to %scan3A_4 step %scan3A_5  : i32 {
      %mul3A_16 = arith.constant 1 : i32
      %mul3A_17 = arith.muli %scan3A_15, %mul3A_16 : i32
      %add3A_18 = arith.constant 0 : i32
      %add3A_19 = arith.addi %add3A_18, %mul3A_17 : i32
      "tpu.region"() ({
        %run_scoped3A = tpu.sem_alloc : memref<!tpu.dma_semaphore, #tpu.memory_space<semaphore_mem>>
        %dma_start3A = arith.constant 0 : i32
        %dma_start3A_20 = tpu.memref_slice %arg8[%add3A_19, %dma_start3A] : memref<80x128xi32, #tpu.memory_space<vmem>> -> memref<1x128xi32, #tpu.memory_space<vmem>>
        %dma_start3A_21 = tpu.memref_squeeze %dma_start3A_20 : memref<1x128xi32, #tpu.memory_space<vmem>> -> memref<128xi32, #tpu.memory_space<vmem>>
        %dma_start3A_22 = arith.constant 0 : i32
        %dma_start3A_23 = tpu.memref_slice %arg7[%dma_start3A_22] : memref<10240xf32, #tpu.memory_space<vmem_shared>> -> memref<10240xf32, #tpu.memory_space<vmem_shared>>
        tpu.enqueue_indirect_dma source(%arg9 : memref<128xf32, #tpu.memory_space<vmem>>) target(%dma_start3A_23 : memref<10240xf32, #tpu.memory_space<vmem_shared>>) offsets(%dma_start3A_21 : memref<128xi32, #tpu.memory_space<vmem>>) semaphore(%run_scoped3A : memref<!tpu.dma_semaphore, #tpu.memory_space<semaphore_mem>>) {add = true}
        %dma_wait3A = arith.constant 0 : i32
        %dma_wait3A_24 = tpu.memref_slice %arg8[%add3A_19, %dma_wait3A] : memref<80x128xi32, #tpu.memory_space<vmem>> -> memref<1x128xi32, #tpu.memory_space<vmem>>
        %dma_wait3A_25 = tpu.memref_squeeze %dma_wait3A_24 : memref<1x128xi32, #tpu.memory_space<vmem>> -> memref<128xi32, #tpu.memory_space<vmem>>
        %dma_wait3A_26 = arith.constant 0 : i32
        %dma_wait3A_27 = tpu.memref_slice %arg7[%dma_wait3A_26] : memref<10240xf32, #tpu.memory_space<vmem_shared>> -> memref<10240xf32, #tpu.memory_space<vmem_shared>>
        tpu.wait_indirect_dma semaphore(%run_scoped3A : memref<!tpu.dma_semaphore, #tpu.memory_space<semaphore_mem>>) src(%arg9 : memref<128xf32, #tpu.memory_space<vmem>>) dst(%dma_wait3A_27 : memref<10240xf32, #tpu.memory_space<vmem_shared>>)
        tpu.yield
      }) : () -> ()
    }
    %scan3A_6 = arith.constant 80 : i32
    %barrier3A_7 = arith.constant 0 : index
    tpu.barrier barrier_id(%barrier3A_7)
    %eq3A = arith.constant 0 : i32
    %eq3A_8 = arith.cmpi eq, %arg0, %eq3A : i32
    %convert_element_type3A = arith.extui %eq3A_8 : i1 to i32
    %cond3A = arith.constant 0 : i32
    %cond3A_9 = arith.cmpi ne, %convert_element_type3A, %cond3A : i32
    scf.if %cond3A_9 {
      "tpu.region"() ({
        %run_scoped3A = tpu.sem_alloc : memref<!tpu.dma_semaphore, #tpu.memory_space<semaphore_mem>>
        %dma_start3A = tpu.memref_slice %arg5[%mul3A_2] : memref<10240xf32, #tpu.memory_space<hbm>> -> memref<640xf32, #tpu.memory_space<hbm>>
        %dma_start3A_15 = tpu.memref_slice %arg7[%mul3A_2] : memref<10240xf32, #tpu.memory_space<vmem_shared>> -> memref<640xf32, #tpu.memory_space<vmem_shared>>
        tpu.enqueue_dma source(%dma_start3A_15 : memref<640xf32, #tpu.memory_space<vmem_shared>>) target(%dma_start3A : memref<640xf32, #tpu.memory_space<hbm>>) target_semaphore(%run_scoped3A : memref<!tpu.dma_semaphore, #tpu.memory_space<semaphore_mem>>)
        %dma_wait3A = tpu.memref_slice %arg5[%mul3A_2] : memref<10240xf32, #tpu.memory_space<hbm>> -> memref<640xf32, #tpu.memory_space<hbm>>
        %dma_wait3A_16 = tpu.memref_slice %arg7[%mul3A_2] : memref<10240xf32, #tpu.memory_space<vmem_shared>> -> memref<640xf32, #tpu.memory_space<vmem_shared>>
        tpu.wait_dma2 semaphore(%run_scoped3A : memref<!tpu.dma_semaphore, #tpu.memory_space<semaphore_mem>>) src(%dma_wait3A_16 : memref<640xf32, #tpu.memory_space<vmem_shared>>) dst(%dma_wait3A : memref<640xf32, #tpu.memory_space<hbm>>)
        tpu.yield
      }) : () -> ()
    } else {
    }
    %eq3A_10 = arith.constant 1 : i32
    %eq3A_11 = arith.cmpi eq, %arg0, %eq3A_10 : i32
    %convert_element_type3A_12 = arith.extui %eq3A_11 : i1 to i32
    %cond3A_13 = arith.constant 0 : i32
    %cond3A_14 = arith.cmpi ne, %convert_element_type3A_12, %cond3A_13 : i32
    scf.if %cond3A_14 {
      "tpu.region"() ({
        %run_scoped3A = tpu.sem_alloc : memref<!tpu.dma_semaphore, #tpu.memory_space<semaphore_mem>>
        %dma_start3A = tpu.memref_slice %arg6[%mul3A_2] : memref<10240xf32, #tpu.memory_space<hbm>> -> memref<640xf32, #tpu.memory_space<hbm>>
        %dma_start3A_15 = tpu.memref_slice %arg7[%mul3A_2] : memref<10240xf32, #tpu.memory_space<vmem_shared>> -> memref<640xf32, #tpu.memory_space<vmem_shared>>
        tpu.enqueue_dma source(%dma_start3A_15 : memref<640xf32, #tpu.memory_space<vmem_shared>>) target(%dma_start3A : memref<640xf32, #tpu.memory_space<hbm>>) target_semaphore(%run_scoped3A : memref<!tpu.dma_semaphore, #tpu.memory_space<semaphore_mem>>)
        %dma_wait3A = tpu.memref_slice %arg6[%mul3A_2] : memref<10240xf32, #tpu.memory_space<hbm>> -> memref<640xf32, #tpu.memory_space<hbm>>
        %dma_wait3A_16 = tpu.memref_slice %arg7[%mul3A_2] : memref<10240xf32, #tpu.memory_space<vmem_shared>> -> memref<640xf32, #tpu.memory_space<vmem_shared>>
        tpu.wait_dma2 semaphore(%run_scoped3A : memref<!tpu.dma_semaphore, #tpu.memory_space<semaphore_mem>>) src(%dma_wait3A_16 : memref<640xf32, #tpu.memory_space<vmem_shared>>) dst(%dma_wait3A : memref<640xf32, #tpu.memory_space<hbm>>)
        tpu.yield
      }) : () -> ()
    } else {
    }
    return
  }
}

#map = affine_map<(d0, d1) -> (0, 0, 0)>
#map1 = affine_map<(d0, d1) -> (0, 0)>
module attributes {stable_mosaic.version = 14 : i64} {
  func.func @_agg_body(%arg0: i32, %arg1: i32, %arg2: memref<2x10240x64xf32, #tpu.memory_space<hbm>>, %arg3: memref<16x160x128xi32, #tpu.memory_space<hbm>>, %arg4: memref<16x160x128xi32, #tpu.memory_space<hbm>>, %arg5: memref<640x64xf32, #tpu.memory_space<hbm>>, %arg6: memref<10240x64xf32, #tpu.memory_space<hbm>>, %arg7: memref<10240x64xf32, #tpu.memory_space<hbm>>, %arg8: memref<10240x64xf32, #tpu.memory_space<vmem_shared>>, %arg9: memref<10240x64xf32, #tpu.memory_space<vmem_shared>>, %arg10: memref<40x128xi32, #tpu.memory_space<vmem>>, %arg11: memref<40x128xi32, #tpu.memory_space<vmem>>, %arg12: memref<128x64xf32, #tpu.memory_space<vmem>>, %arg13: memref<128x64xf32, #tpu.memory_space<vmem>>, %arg14: memref<!tpu.dma_semaphore, #tpu.memory_space<semaphore_mem>>, %arg15: memref<!tpu.dma_semaphore, #tpu.memory_space<semaphore_mem>>) attributes {dimension_semantics = [#tpu.dimension_semantics<core_parallel>, #tpu.dimension_semantics<subcore_parallel>], iteration_bounds = array<i64: 2, 16>, scalar_prefetch = 0 : i64, scratch_operands = 8 : i64, tpu.core_type = #tpu.core_type<sc_vector_subcore>, window_params = [{transform_indices = #map}, {transform_indices = #map}, {transform_indices = #map}, {transform_indices = #map1}, {transform_indices = #map1}, {transform_indices = #map1}]} {
    %mul3A = arith.constant 640 : i32
    %mul3A_0 = arith.muli %arg1, %mul3A : i32
    "tpu.region"() ({
      %run_scoped3A = tpu.sem_alloc : memref<!tpu.dma_semaphore, #tpu.memory_space<semaphore_mem>>
      %dma_start3A_83 = arith.constant 0 : i32
      %dma_start3A_84 = tpu.memref_slice %arg8[%mul3A_0, %dma_start3A_83] : memref<10240x64xf32, #tpu.memory_space<vmem_shared>> -> memref<640x64xf32, #tpu.memory_space<vmem_shared>>
      %dma_start3A_85 = arith.constant 0 : i32
      %dma_start3A_86 = tpu.memref_slice %arg2[%arg0, %mul3A_0, %dma_start3A_85] : memref<2x10240x64xf32, #tpu.memory_space<hbm>> -> memref<1x640x64xf32, #tpu.memory_space<hbm>>
      %dma_start3A_87 = tpu.memref_squeeze %dma_start3A_86 : memref<1x640x64xf32, #tpu.memory_space<hbm>> -> memref<640x64xf32, #tpu.memory_space<hbm>>
      tpu.enqueue_dma source(%dma_start3A_87 : memref<640x64xf32, #tpu.memory_space<hbm>>) target(%dma_start3A_84 : memref<640x64xf32, #tpu.memory_space<vmem_shared>>) target_semaphore(%run_scoped3A : memref<!tpu.dma_semaphore, #tpu.memory_space<semaphore_mem>>)
      %dma_wait3A = arith.constant 0 : i32
      %dma_wait3A_88 = tpu.memref_slice %arg8[%mul3A_0, %dma_wait3A] : memref<10240x64xf32, #tpu.memory_space<vmem_shared>> -> memref<640x64xf32, #tpu.memory_space<vmem_shared>>
      %dma_wait3A_89 = arith.constant 0 : i32
      %dma_wait3A_90 = tpu.memref_slice %arg2[%arg0, %mul3A_0, %dma_wait3A_89] : memref<2x10240x64xf32, #tpu.memory_space<hbm>> -> memref<1x640x64xf32, #tpu.memory_space<hbm>>
      %dma_wait3A_91 = tpu.memref_squeeze %dma_wait3A_90 : memref<1x640x64xf32, #tpu.memory_space<hbm>> -> memref<640x64xf32, #tpu.memory_space<hbm>>
      tpu.wait_dma2 semaphore(%run_scoped3A : memref<!tpu.dma_semaphore, #tpu.memory_space<semaphore_mem>>) src(%dma_wait3A_91 : memref<640x64xf32, #tpu.memory_space<hbm>>) dst(%dma_wait3A_88 : memref<640x64xf32, #tpu.memory_space<vmem_shared>>)
      tpu.yield
    }) : () -> ()
    "tpu.region"() ({
      %run_scoped3A = tpu.sem_alloc : memref<!tpu.dma_semaphore, #tpu.memory_space<semaphore_mem>>
      %dma_start3A_83 = arith.constant 0 : i32
      %dma_start3A_84 = tpu.memref_slice %arg9[%mul3A_0, %dma_start3A_83] : memref<10240x64xf32, #tpu.memory_space<vmem_shared>> -> memref<640x64xf32, #tpu.memory_space<vmem_shared>>
      tpu.enqueue_dma source(%arg5 : memref<640x64xf32, #tpu.memory_space<hbm>>) target(%dma_start3A_84 : memref<640x64xf32, #tpu.memory_space<vmem_shared>>) target_semaphore(%run_scoped3A : memref<!tpu.dma_semaphore, #tpu.memory_space<semaphore_mem>>)
      %dma_wait3A = arith.constant 0 : i32
      %dma_wait3A_85 = tpu.memref_slice %arg9[%mul3A_0, %dma_wait3A] : memref<10240x64xf32, #tpu.memory_space<vmem_shared>> -> memref<640x64xf32, #tpu.memory_space<vmem_shared>>
      tpu.wait_dma2 semaphore(%run_scoped3A : memref<!tpu.dma_semaphore, #tpu.memory_space<semaphore_mem>>) src(%arg5 : memref<640x64xf32, #tpu.memory_space<hbm>>) dst(%dma_wait3A_85 : memref<640x64xf32, #tpu.memory_space<vmem_shared>>)
      tpu.yield
    }) : () -> ()
    %barrier3A = arith.constant 0 : index
    tpu.barrier barrier_id(%barrier3A)
    "tpu.region"() ({
      %run_scoped3A = tpu.sem_alloc : memref<!tpu.dma_semaphore, #tpu.memory_space<semaphore_mem>>
      %dma_start3A_83 = arith.constant 0 : i32
      %dma_start3A_84 = arith.constant 0 : i32
      %dma_start3A_85 = tpu.memref_slice %arg3[%arg1, %dma_start3A_83, %dma_start3A_84] : memref<16x160x128xi32, #tpu.memory_space<hbm>> -> memref<1x40x128xi32, #tpu.memory_space<hbm>>
      %dma_start3A_86 = tpu.memref_squeeze %dma_start3A_85 : memref<1x40x128xi32, #tpu.memory_space<hbm>> -> memref<40x128xi32, #tpu.memory_space<hbm>>
      %dma_start3A_87 = arith.constant 0 : i32
      %dma_start3A_88 = arith.constant 0 : i32
      %dma_start3A_89 = tpu.memref_slice %arg3[%arg1, %dma_start3A_87, %dma_start3A_88] : memref<16x160x128xi32, #tpu.memory_space<hbm>> -> memref<1x40x128xi32, #tpu.memory_space<hbm>>
      %dma_start3A_90 = tpu.memref_squeeze %dma_start3A_89 : memref<1x40x128xi32, #tpu.memory_space<hbm>> -> memref<40x128xi32, #tpu.memory_space<hbm>>
      tpu.enqueue_dma source(%dma_start3A_90 : memref<40x128xi32, #tpu.memory_space<hbm>>) target(%arg10 : memref<40x128xi32, #tpu.memory_space<vmem>>) target_semaphore(%run_scoped3A : memref<!tpu.dma_semaphore, #tpu.memory_space<semaphore_mem>>)
      %dma_wait3A = arith.constant 0 : i32
      %dma_wait3A_91 = arith.constant 0 : i32
      %dma_wait3A_92 = tpu.memref_slice %arg3[%arg1, %dma_wait3A, %dma_wait3A_91] : memref<16x160x128xi32, #tpu.memory_space<hbm>> -> memref<1x40x128xi32, #tpu.memory_space<hbm>>
      %dma_wait3A_93 = tpu.memref_squeeze %dma_wait3A_92 : memref<1x40x128xi32, #tpu.memory_space<hbm>> -> memref<40x128xi32, #tpu.memory_space<hbm>>
      %dma_wait3A_94 = arith.constant 0 : i32
      %dma_wait3A_95 = arith.constant 0 : i32
      %dma_wait3A_96 = tpu.memref_slice %arg3[%arg1, %dma_wait3A_94, %dma_wait3A_95] : memref<16x160x128xi32, #tpu.memory_space<hbm>> -> memref<1x40x128xi32, #tpu.memory_space<hbm>>
      %dma_wait3A_97 = tpu.memref_squeeze %dma_wait3A_96 : memref<1x40x128xi32, #tpu.memory_space<hbm>> -> memref<40x128xi32, #tpu.memory_space<hbm>>
      tpu.wait_dma2 semaphore(%run_scoped3A : memref<!tpu.dma_semaphore, #tpu.memory_space<semaphore_mem>>) src(%dma_wait3A_97 : memref<40x128xi32, #tpu.memory_space<hbm>>) dst(%arg10 : memref<40x128xi32, #tpu.memory_space<vmem>>)
      tpu.yield
    }) : () -> ()
    "tpu.region"() ({
      %run_scoped3A = tpu.sem_alloc : memref<!tpu.dma_semaphore, #tpu.memory_space<semaphore_mem>>
      %dma_start3A_83 = arith.constant 0 : i32
      %dma_start3A_84 = arith.constant 0 : i32
      %dma_start3A_85 = tpu.memref_slice %arg4[%arg1, %dma_start3A_83, %dma_start3A_84] : memref<16x160x128xi32, #tpu.memory_space<hbm>> -> memref<1x40x128xi32, #tpu.memory_space<hbm>>
      %dma_start3A_86 = tpu.memref_squeeze %dma_start3A_85 : memref<1x40x128xi32, #tpu.memory_space<hbm>> -> memref<40x128xi32, #tpu.memory_space<hbm>>
      %dma_start3A_87 = arith.constant 0 : i32
      %dma_start3A_88 = arith.constant 0 : i32
      %dma_start3A_89 = tpu.memref_slice %arg4[%arg1, %dma_start3A_87, %dma_start3A_88] : memref<16x160x128xi32, #tpu.memory_space<hbm>> -> memref<1x40x128xi32, #tpu.memory_space<hbm>>
      %dma_start3A_90 = tpu.memref_squeeze %dma_start3A_89 : memref<1x40x128xi32, #tpu.memory_space<hbm>> -> memref<40x128xi32, #tpu.memory_space<hbm>>
      tpu.enqueue_dma source(%dma_start3A_90 : memref<40x128xi32, #tpu.memory_space<hbm>>) target(%arg11 : memref<40x128xi32, #tpu.memory_space<vmem>>) target_semaphore(%run_scoped3A : memref<!tpu.dma_semaphore, #tpu.memory_space<semaphore_mem>>)
      %dma_wait3A = arith.constant 0 : i32
      %dma_wait3A_91 = arith.constant 0 : i32
      %dma_wait3A_92 = tpu.memref_slice %arg4[%arg1, %dma_wait3A, %dma_wait3A_91] : memref<16x160x128xi32, #tpu.memory_space<hbm>> -> memref<1x40x128xi32, #tpu.memory_space<hbm>>
      %dma_wait3A_93 = tpu.memref_squeeze %dma_wait3A_92 : memref<1x40x128xi32, #tpu.memory_space<hbm>> -> memref<40x128xi32, #tpu.memory_space<hbm>>
      %dma_wait3A_94 = arith.constant 0 : i32
      %dma_wait3A_95 = arith.constant 0 : i32
      %dma_wait3A_96 = tpu.memref_slice %arg4[%arg1, %dma_wait3A_94, %dma_wait3A_95] : memref<16x160x128xi32, #tpu.memory_space<hbm>> -> memref<1x40x128xi32, #tpu.memory_space<hbm>>
      %dma_wait3A_97 = tpu.memref_squeeze %dma_wait3A_96 : memref<1x40x128xi32, #tpu.memory_space<hbm>> -> memref<40x128xi32, #tpu.memory_space<hbm>>
      tpu.wait_dma2 semaphore(%run_scoped3A : memref<!tpu.dma_semaphore, #tpu.memory_space<semaphore_mem>>) src(%dma_wait3A_97 : memref<40x128xi32, #tpu.memory_space<hbm>>) dst(%arg11 : memref<40x128xi32, #tpu.memory_space<vmem>>)
      tpu.yield
    }) : () -> ()
    %dma_start3A = arith.constant 0 : i32
    %dma_start3A_1 = arith.constant 0 : i32
    %dma_start3A_2 = tpu.memref_slice %arg10[%dma_start3A, %dma_start3A_1] : memref<40x128xi32, #tpu.memory_space<vmem>> -> memref<1x128xi32, #tpu.memory_space<vmem>>
    %dma_start3A_3 = tpu.memref_squeeze %dma_start3A_2 : memref<1x128xi32, #tpu.memory_space<vmem>> -> memref<128xi32, #tpu.memory_space<vmem>>
    %dma_start3A_4 = arith.constant 0 : i32
    %dma_start3A_5 = arith.constant 0 : i32
    %dma_start3A_6 = tpu.memref_slice %arg8[%dma_start3A_4, %dma_start3A_5] : memref<10240x64xf32, #tpu.memory_space<vmem_shared>> -> memref<10240x64xf32, #tpu.memory_space<vmem_shared>>
    tpu.enqueue_indirect_dma source(%dma_start3A_6 : memref<10240x64xf32, #tpu.memory_space<vmem_shared>>) target(%arg12 : memref<128x64xf32, #tpu.memory_space<vmem>>) offsets(%dma_start3A_3 : memref<128xi32, #tpu.memory_space<vmem>>) semaphore(%arg14 : memref<!tpu.dma_semaphore, #tpu.memory_space<semaphore_mem>>)
    %dma_start3A_7 = arith.constant 1 : i32
    %dma_start3A_8 = arith.constant 0 : i32
    %dma_start3A_9 = tpu.memref_slice %arg10[%dma_start3A_7, %dma_start3A_8] : memref<40x128xi32, #tpu.memory_space<vmem>> -> memref<1x128xi32, #tpu.memory_space<vmem>>
    %dma_start3A_10 = tpu.memref_squeeze %dma_start3A_9 : memref<1x128xi32, #tpu.memory_space<vmem>> -> memref<128xi32, #tpu.memory_space<vmem>>
    %dma_start3A_11 = arith.constant 0 : i32
    %dma_start3A_12 = arith.constant 0 : i32
    %dma_start3A_13 = tpu.memref_slice %arg8[%dma_start3A_11, %dma_start3A_12] : memref<10240x64xf32, #tpu.memory_space<vmem_shared>> -> memref<10240x64xf32, #tpu.memory_space<vmem_shared>>
    tpu.enqueue_indirect_dma source(%dma_start3A_13 : memref<10240x64xf32, #tpu.memory_space<vmem_shared>>) target(%arg13 : memref<128x64xf32, #tpu.memory_space<vmem>>) offsets(%dma_start3A_10 : memref<128xi32, #tpu.memory_space<vmem>>) semaphore(%arg15 : memref<!tpu.dma_semaphore, #tpu.memory_space<semaphore_mem>>)
    %scan3A = arith.constant 0 : i32
    %scan3A_14 = arith.constant 20 : i32
    %scan3A_15 = arith.addi %scan3A, %scan3A_14 : i32
    %scan3A_16 = arith.constant 1 : i32
    scf.for %scan3A_83 = %scan3A to %scan3A_15 step %scan3A_16  : i32 {
      %mul3A_84 = arith.constant 2 : i32
      %mul3A_85 = arith.muli %scan3A_83, %mul3A_84 : i32
      %add3A = arith.constant 0 : i32
      %add3A_86 = arith.addi %add3A, %mul3A_85 : i32
      %add3A_87 = arith.constant 0 : i32
      %add3A_88 = arith.addi %add3A_86, %add3A_87 : i32
      %dma_wait3A = arith.constant 0 : i32
      %dma_wait3A_89 = tpu.memref_slice %arg10[%add3A_88, %dma_wait3A] : memref<40x128xi32, #tpu.memory_space<vmem>> -> memref<1x128xi32, #tpu.memory_space<vmem>>
      %dma_wait3A_90 = tpu.memref_squeeze %dma_wait3A_89 : memref<1x128xi32, #tpu.memory_space<vmem>> -> memref<128xi32, #tpu.memory_space<vmem>>
      %dma_wait3A_91 = arith.constant 0 : i32
      %dma_wait3A_92 = arith.constant 0 : i32
      %dma_wait3A_93 = tpu.memref_slice %arg8[%dma_wait3A_91, %dma_wait3A_92] : memref<10240x64xf32, #tpu.memory_space<vmem_shared>> -> memref<10240x64xf32, #tpu.memory_space<vmem_shared>>
      tpu.wait_indirect_dma semaphore(%arg14 : memref<!tpu.dma_semaphore, #tpu.memory_space<semaphore_mem>>) src(%dma_wait3A_93 : memref<10240x64xf32, #tpu.memory_space<vmem_shared>>) dst(%arg12 : memref<128x64xf32, #tpu.memory_space<vmem>>)
      %add3A_94 = arith.constant 0 : i32
      %add3A_95 = arith.addi %add3A_86, %add3A_94 : i32
      "tpu.region"() ({
        %run_scoped3A = tpu.sem_alloc : memref<!tpu.dma_semaphore, #tpu.memory_space<semaphore_mem>>
        %dma_start3A_123 = arith.constant 0 : i32
        %dma_start3A_124 = tpu.memref_slice %arg11[%add3A_95, %dma_start3A_123] : memref<40x128xi32, #tpu.memory_space<vmem>> -> memref<1x128xi32, #tpu.memory_space<vmem>>
        %dma_start3A_125 = tpu.memref_squeeze %dma_start3A_124 : memref<1x128xi32, #tpu.memory_space<vmem>> -> memref<128xi32, #tpu.memory_space<vmem>>
        %dma_start3A_126 = arith.constant 0 : i32
        %dma_start3A_127 = arith.constant 0 : i32
        %dma_start3A_128 = tpu.memref_slice %arg9[%dma_start3A_126, %dma_start3A_127] : memref<10240x64xf32, #tpu.memory_space<vmem_shared>> -> memref<10240x64xf32, #tpu.memory_space<vmem_shared>>
        tpu.enqueue_indirect_dma source(%arg12 : memref<128x64xf32, #tpu.memory_space<vmem>>) target(%dma_start3A_128 : memref<10240x64xf32, #tpu.memory_space<vmem_shared>>) offsets(%dma_start3A_125 : memref<128xi32, #tpu.memory_space<vmem>>) semaphore(%run_scoped3A : memref<!tpu.dma_semaphore, #tpu.memory_space<semaphore_mem>>) {add = true}
        %dma_wait3A_129 = arith.constant 0 : i32
        %dma_wait3A_130 = tpu.memref_slice %arg11[%add3A_95, %dma_wait3A_129] : memref<40x128xi32, #tpu.memory_space<vmem>> -> memref<1x128xi32, #tpu.memory_space<vmem>>
        %dma_wait3A_131 = tpu.memref_squeeze %dma_wait3A_130 : memref<1x128xi32, #tpu.memory_space<vmem>> -> memref<128xi32, #tpu.memory_space<vmem>>
        %dma_wait3A_132 = arith.constant 0 : i32
        %dma_wait3A_133 = arith.constant 0 : i32
        %dma_wait3A_134 = tpu.memref_slice %arg9[%dma_wait3A_132, %dma_wait3A_133] : memref<10240x64xf32, #tpu.memory_space<vmem_shared>> -> memref<10240x64xf32, #tpu.memory_space<vmem_shared>>
        tpu.wait_indirect_dma semaphore(%run_scoped3A : memref<!tpu.dma_semaphore, #tpu.memory_space<semaphore_mem>>) src(%arg12 : memref<128x64xf32, #tpu.memory_space<vmem>>) dst(%dma_wait3A_134 : memref<10240x64xf32, #tpu.memory_space<vmem_shared>>)
        tpu.yield
      }) : () -> ()
      %add3A_96 = arith.constant 0 : i32
      %add3A_97 = arith.addi %add3A_86, %add3A_96 : i32
      %add3A_98 = arith.constant 2 : i32
      %add3A_99 = arith.addi %add3A_97, %add3A_98 : i32
      %lt3A = arith.constant 40 : i32
      %lt3A_100 = arith.cmpi slt, %add3A_99, %lt3A : i32
      %convert_element_type3A_101 = arith.extui %lt3A_100 : i1 to i32
      %cond3A_102 = arith.constant 0 : i32
      %cond3A_103 = arith.cmpi ne, %convert_element_type3A_101, %cond3A_102 : i32
      scf.if %cond3A_103 {
        %add3A_123 = arith.constant 0 : i32
        %add3A_124 = arith.addi %add3A_86, %add3A_123 : i32
        %add3A_125 = arith.constant 2 : i32
        %add3A_126 = arith.addi %add3A_124, %add3A_125 : i32
        %dma_start3A_127 = arith.constant 0 : i32
        %dma_start3A_128 = tpu.memref_slice %arg10[%add3A_126, %dma_start3A_127] : memref<40x128xi32, #tpu.memory_space<vmem>> -> memref<1x128xi32, #tpu.memory_space<vmem>>
        %dma_start3A_129 = tpu.memref_squeeze %dma_start3A_128 : memref<1x128xi32, #tpu.memory_space<vmem>> -> memref<128xi32, #tpu.memory_space<vmem>>
        %dma_start3A_130 = arith.constant 0 : i32
        %dma_start3A_131 = arith.constant 0 : i32
        %dma_start3A_132 = tpu.memref_slice %arg8[%dma_start3A_130, %dma_start3A_131] : memref<10240x64xf32, #tpu.memory_space<vmem_shared>> -> memref<10240x64xf32, #tpu.memory_space<vmem_shared>>
        tpu.enqueue_indirect_dma source(%dma_start3A_132 : memref<10240x64xf32, #tpu.memory_space<vmem_shared>>) target(%arg12 : memref<128x64xf32, #tpu.memory_space<vmem>>) offsets(%dma_start3A_129 : memref<128xi32, #tpu.memory_space<vmem>>) semaphore(%arg14 : memref<!tpu.dma_semaphore, #tpu.memory_space<semaphore_mem>>)
      } else {
      }
      %add3A_104 = arith.constant 1 : i32
      %add3A_105 = arith.addi %add3A_86, %add3A_104 : i32
      %dma_wait3A_106 = arith.constant 0 : i32
      %dma_wait3A_107 = tpu.memref_slice %arg10[%add3A_105, %dma_wait3A_106] : memref<40x128xi32, #tpu.memory_space<vmem>> -> memref<1x128xi32, #tpu.memory_space<vmem>>
      %dma_wait3A_108 = tpu.memref_squeeze %dma_wait3A_107 : memref<1x128xi32, #tpu.memory_space<vmem>> -> memref<128xi32, #tpu.memory_space<vmem>>
      %dma_wait3A_109 = arith.constant 0 : i32
      %dma_wait3A_110 = arith.constant 0 : i32
      %dma_wait3A_111 = tpu.memref_slice %arg8[%dma_wait3A_109, %dma_wait3A_110] : memref<10240x64xf32, #tpu.memory_space<vmem_shared>> -> memref<10240x64xf32, #tpu.memory_space<vmem_shared>>
      tpu.wait_indirect_dma semaphore(%arg15 : memref<!tpu.dma_semaphore, #tpu.memory_space<semaphore_mem>>) src(%dma_wait3A_111 : memref<10240x64xf32, #tpu.memory_space<vmem_shared>>) dst(%arg13 : memref<128x64xf32, #tpu.memory_space<vmem>>)
      %add3A_112 = arith.constant 1 : i32
      %add3A_113 = arith.addi %add3A_86, %add3A_112 : i32
      "tpu.region"() ({
        %run_scoped3A = tpu.sem_alloc : memref<!tpu.dma_semaphore, #tpu.memory_space<semaphore_mem>>
        %dma_start3A_123 = arith.constant 0 : i32
        %dma_start3A_124 = tpu.memref_slice %arg11[%add3A_113, %dma_start3A_123] : memref<40x128xi32, #tpu.memory_space<vmem>> -> memref<1x128xi32, #tpu.memory_space<vmem>>
        %dma_start3A_125 = tpu.memref_squeeze %dma_start3A_124 : memref<1x128xi32, #tpu.memory_space<vmem>> -> memref<128xi32, #tpu.memory_space<vmem>>
        %dma_start3A_126 = arith.constant 0 : i32
        %dma_start3A_127 = arith.constant 0 : i32
        %dma_start3A_128 = tpu.memref_slice %arg9[%dma_start3A_126, %dma_start3A_127] : memref<10240x64xf32, #tpu.memory_space<vmem_shared>> -> memref<10240x64xf32, #tpu.memory_space<vmem_shared>>
        tpu.enqueue_indirect_dma source(%arg13 : memref<128x64xf32, #tpu.memory_space<vmem>>) target(%dma_start3A_128 : memref<10240x64xf32, #tpu.memory_space<vmem_shared>>) offsets(%dma_start3A_125 : memref<128xi32, #tpu.memory_space<vmem>>) semaphore(%run_scoped3A : memref<!tpu.dma_semaphore, #tpu.memory_space<semaphore_mem>>) {add = true}
        %dma_wait3A_129 = arith.constant 0 : i32
        %dma_wait3A_130 = tpu.memref_slice %arg11[%add3A_113, %dma_wait3A_129] : memref<40x128xi32, #tpu.memory_space<vmem>> -> memref<1x128xi32, #tpu.memory_space<vmem>>
        %dma_wait3A_131 = tpu.memref_squeeze %dma_wait3A_130 : memref<1x128xi32, #tpu.memory_space<vmem>> -> memref<128xi32, #tpu.memory_space<vmem>>
        %dma_wait3A_132 = arith.constant 0 : i32
        %dma_wait3A_133 = arith.constant 0 : i32
        %dma_wait3A_134 = tpu.memref_slice %arg9[%dma_wait3A_132, %dma_wait3A_133] : memref<10240x64xf32, #tpu.memory_space<vmem_shared>> -> memref<10240x64xf32, #tpu.memory_space<vmem_shared>>
        tpu.wait_indirect_dma semaphore(%run_scoped3A : memref<!tpu.dma_semaphore, #tpu.memory_space<semaphore_mem>>) src(%arg13 : memref<128x64xf32, #tpu.memory_space<vmem>>) dst(%dma_wait3A_134 : memref<10240x64xf32, #tpu.memory_space<vmem_shared>>)
        tpu.yield
      }) : () -> ()
      %add3A_114 = arith.constant 1 : i32
      %add3A_115 = arith.addi %add3A_86, %add3A_114 : i32
      %add3A_116 = arith.constant 2 : i32
      %add3A_117 = arith.addi %add3A_115, %add3A_116 : i32
      %lt3A_118 = arith.constant 40 : i32
      %lt3A_119 = arith.cmpi slt, %add3A_117, %lt3A_118 : i32
      %convert_element_type3A_120 = arith.extui %lt3A_119 : i1 to i32
      %cond3A_121 = arith.constant 0 : i32
      %cond3A_122 = arith.cmpi ne, %convert_element_type3A_120, %cond3A_121 : i32
      scf.if %cond3A_122 {
        %add3A_123 = arith.constant 1 : i32
        %add3A_124 = arith.addi %add3A_86, %add3A_123 : i32
        %add3A_125 = arith.constant 2 : i32
        %add3A_126 = arith.addi %add3A_124, %add3A_125 : i32
        %dma_start3A_127 = arith.constant 0 : i32
        %dma_start3A_128 = tpu.memref_slice %arg10[%add3A_126, %dma_start3A_127] : memref<40x128xi32, #tpu.memory_space<vmem>> -> memref<1x128xi32, #tpu.memory_space<vmem>>
        %dma_start3A_129 = tpu.memref_squeeze %dma_start3A_128 : memref<1x128xi32, #tpu.memory_space<vmem>> -> memref<128xi32, #tpu.memory_space<vmem>>
        %dma_start3A_130 = arith.constant 0 : i32
        %dma_start3A_131 = arith.constant 0 : i32
        %dma_start3A_132 = tpu.memref_slice %arg8[%dma_start3A_130, %dma_start3A_131] : memref<10240x64xf32, #tpu.memory_space<vmem_shared>> -> memref<10240x64xf32, #tpu.memory_space<vmem_shared>>
        tpu.enqueue_indirect_dma source(%dma_start3A_132 : memref<10240x64xf32, #tpu.memory_space<vmem_shared>>) target(%arg13 : memref<128x64xf32, #tpu.memory_space<vmem>>) offsets(%dma_start3A_129 : memref<128xi32, #tpu.memory_space<vmem>>) semaphore(%arg15 : memref<!tpu.dma_semaphore, #tpu.memory_space<semaphore_mem>>)
      } else {
      }
    }
    %scan3A_17 = arith.constant 20 : i32
    "tpu.region"() ({
      %run_scoped3A = tpu.sem_alloc : memref<!tpu.dma_semaphore, #tpu.memory_space<semaphore_mem>>
      %dma_start3A_83 = arith.constant 40 : i32
      %dma_start3A_84 = arith.constant 0 : i32
      %dma_start3A_85 = tpu.memref_slice %arg3[%arg1, %dma_start3A_83, %dma_start3A_84] : memref<16x160x128xi32, #tpu.memory_space<hbm>> -> memref<1x40x128xi32, #tpu.memory_space<hbm>>
      %dma_start3A_86 = tpu.memref_squeeze %dma_start3A_85 : memref<1x40x128xi32, #tpu.memory_space<hbm>> -> memref<40x128xi32, #tpu.memory_space<hbm>>
      %dma_start3A_87 = arith.constant 40 : i32
      %dma_start3A_88 = arith.constant 0 : i32
      %dma_start3A_89 = tpu.memref_slice %arg3[%arg1, %dma_start3A_87, %dma_start3A_88] : memref<16x160x128xi32, #tpu.memory_space<hbm>> -> memref<1x40x128xi32, #tpu.memory_space<hbm>>
      %dma_start3A_90 = tpu.memref_squeeze %dma_start3A_89 : memref<1x40x128xi32, #tpu.memory_space<hbm>> -> memref<40x128xi32, #tpu.memory_space<hbm>>
      tpu.enqueue_dma source(%dma_start3A_90 : memref<40x128xi32, #tpu.memory_space<hbm>>) target(%arg10 : memref<40x128xi32, #tpu.memory_space<vmem>>) target_semaphore(%run_scoped3A : memref<!tpu.dma_semaphore, #tpu.memory_space<semaphore_mem>>)
      %dma_wait3A = arith.constant 40 : i32
      %dma_wait3A_91 = arith.constant 0 : i32
      %dma_wait3A_92 = tpu.memref_slice %arg3[%arg1, %dma_wait3A, %dma_wait3A_91] : memref<16x160x128xi32, #tpu.memory_space<hbm>> -> memref<1x40x128xi32, #tpu.memory_space<hbm>>
      %dma_wait3A_93 = tpu.memref_squeeze %dma_wait3A_92 : memref<1x40x128xi32, #tpu.memory_space<hbm>> -> memref<40x128xi32, #tpu.memory_space<hbm>>
      %dma_wait3A_94 = arith.constant 40 : i32
      %dma_wait3A_95 = arith.constant 0 : i32
      %dma_wait3A_96 = tpu.memref_slice %arg3[%arg1, %dma_wait3A_94, %dma_wait3A_95] : memref<16x160x128xi32, #tpu.memory_space<hbm>> -> memref<1x40x128xi32, #tpu.memory_space<hbm>>
      %dma_wait3A_97 = tpu.memref_squeeze %dma_wait3A_96 : memref<1x40x128xi32, #tpu.memory_space<hbm>> -> memref<40x128xi32, #tpu.memory_space<hbm>>
      tpu.wait_dma2 semaphore(%run_scoped3A : memref<!tpu.dma_semaphore, #tpu.memory_space<semaphore_mem>>) src(%dma_wait3A_97 : memref<40x128xi32, #tpu.memory_space<hbm>>) dst(%arg10 : memref<40x128xi32, #tpu.memory_space<vmem>>)
      tpu.yield
    }) : () -> ()
    "tpu.region"() ({
      %run_scoped3A = tpu.sem_alloc : memref<!tpu.dma_semaphore, #tpu.memory_space<semaphore_mem>>
      %dma_start3A_83 = arith.constant 40 : i32
      %dma_start3A_84 = arith.constant 0 : i32
      %dma_start3A_85 = tpu.memref_slice %arg4[%arg1, %dma_start3A_83, %dma_start3A_84] : memref<16x160x128xi32, #tpu.memory_space<hbm>> -> memref<1x40x128xi32, #tpu.memory_space<hbm>>
      %dma_start3A_86 = tpu.memref_squeeze %dma_start3A_85 : memref<1x40x128xi32, #tpu.memory_space<hbm>> -> memref<40x128xi32, #tpu.memory_space<hbm>>
      %dma_start3A_87 = arith.constant 40 : i32
      %dma_start3A_88 = arith.constant 0 : i32
      %dma_start3A_89 = tpu.memref_slice %arg4[%arg1, %dma_start3A_87, %dma_start3A_88] : memref<16x160x128xi32, #tpu.memory_space<hbm>> -> memref<1x40x128xi32, #tpu.memory_space<hbm>>
      %dma_start3A_90 = tpu.memref_squeeze %dma_start3A_89 : memref<1x40x128xi32, #tpu.memory_space<hbm>> -> memref<40x128xi32, #tpu.memory_space<hbm>>
      tpu.enqueue_dma source(%dma_start3A_90 : memref<40x128xi32, #tpu.memory_space<hbm>>) target(%arg11 : memref<40x128xi32, #tpu.memory_space<vmem>>) target_semaphore(%run_scoped3A : memref<!tpu.dma_semaphore, #tpu.memory_space<semaphore_mem>>)
      %dma_wait3A = arith.constant 40 : i32
      %dma_wait3A_91 = arith.constant 0 : i32
      %dma_wait3A_92 = tpu.memref_slice %arg4[%arg1, %dma_wait3A, %dma_wait3A_91] : memref<16x160x128xi32, #tpu.memory_space<hbm>> -> memref<1x40x128xi32, #tpu.memory_space<hbm>>
      %dma_wait3A_93 = tpu.memref_squeeze %dma_wait3A_92 : memref<1x40x128xi32, #tpu.memory_space<hbm>> -> memref<40x128xi32, #tpu.memory_space<hbm>>
      %dma_wait3A_94 = arith.constant 40 : i32
      %dma_wait3A_95 = arith.constant 0 : i32
      %dma_wait3A_96 = tpu.memref_slice %arg4[%arg1, %dma_wait3A_94, %dma_wait3A_95] : memref<16x160x128xi32, #tpu.memory_space<hbm>> -> memref<1x40x128xi32, #tpu.memory_space<hbm>>
      %dma_wait3A_97 = tpu.memref_squeeze %dma_wait3A_96 : memref<1x40x128xi32, #tpu.memory_space<hbm>> -> memref<40x128xi32, #tpu.memory_space<hbm>>
      tpu.wait_dma2 semaphore(%run_scoped3A : memref<!tpu.dma_semaphore, #tpu.memory_space<semaphore_mem>>) src(%dma_wait3A_97 : memref<40x128xi32, #tpu.memory_space<hbm>>) dst(%arg11 : memref<40x128xi32, #tpu.memory_space<vmem>>)
      tpu.yield
    }) : () -> ()
    %dma_start3A_18 = arith.constant 0 : i32
    %dma_start3A_19 = arith.constant 0 : i32
    %dma_start3A_20 = tpu.memref_slice %arg10[%dma_start3A_18, %dma_start3A_19] : memref<40x128xi32, #tpu.memory_space<vmem>> -> memref<1x128xi32, #tpu.memory_space<vmem>>
    %dma_start3A_21 = tpu.memref_squeeze %dma_start3A_20 : memref<1x128xi32, #tpu.memory_space<vmem>> -> memref<128xi32, #tpu.memory_space<vmem>>
    %dma_start3A_22 = arith.constant 0 : i32
    %dma_start3A_23 = arith.constant 0 : i32
    %dma_start3A_24 = tpu.memref_slice %arg8[%dma_start3A_22, %dma_start3A_23] : memref<10240x64xf32, #tpu.memory_space<vmem_shared>> -> memref<10240x64xf32, #tpu.memory_space<vmem_shared>>
    tpu.enqueue_indirect_dma source(%dma_start3A_24 : memref<10240x64xf32, #tpu.memory_space<vmem_shared>>) target(%arg12 : memref<128x64xf32, #tpu.memory_space<vmem>>) offsets(%dma_start3A_21 : memref<128xi32, #tpu.memory_space<vmem>>) semaphore(%arg14 : memref<!tpu.dma_semaphore, #tpu.memory_space<semaphore_mem>>)
    %dma_start3A_25 = arith.constant 1 : i32
    %dma_start3A_26 = arith.constant 0 : i32
    %dma_start3A_27 = tpu.memref_slice %arg10[%dma_start3A_25, %dma_start3A_26] : memref<40x128xi32, #tpu.memory_space<vmem>> -> memref<1x128xi32, #tpu.memory_space<vmem>>
    %dma_start3A_28 = tpu.memref_squeeze %dma_start3A_27 : memref<1x128xi32, #tpu.memory_space<vmem>> -> memref<128xi32, #tpu.memory_space<vmem>>
    %dma_start3A_29 = arith.constant 0 : i32
    %dma_start3A_30 = arith.constant 0 : i32
    %dma_start3A_31 = tpu.memref_slice %arg8[%dma_start3A_29, %dma_start3A_30] : memref<10240x64xf32, #tpu.memory_space<vmem_shared>> -> memref<10240x64xf32, #tpu.memory_space<vmem_shared>>
    tpu.enqueue_indirect_dma source(%dma_start3A_31 : memref<10240x64xf32, #tpu.memory_space<vmem_shared>>) target(%arg13 : memref<128x64xf32, #tpu.memory_space<vmem>>) offsets(%dma_start3A_28 : memref<128xi32, #tpu.memory_space<vmem>>) semaphore(%arg15 : memref<!tpu.dma_semaphore, #tpu.memory_space<semaphore_mem>>)
    %scan3A_32 = arith.constant 0 : i32
    %scan3A_33 = arith.constant 20 : i32
    %scan3A_34 = arith.addi %scan3A_32, %scan3A_33 : i32
    %scan3A_35 = arith.constant 1 : i32
    scf.for %scan3A_83 = %scan3A_32 to %scan3A_34 step %scan3A_35  : i32 {
      %mul3A_84 = arith.constant 2 : i32
      %mul3A_85 = arith.muli %scan3A_83, %mul3A_84 : i32
      %add3A = arith.constant 0 : i32
      %add3A_86 = arith.addi %add3A, %mul3A_85 : i32
      %add3A_87 = arith.constant 0 : i32
      %add3A_88 = arith.addi %add3A_86, %add3A_87 : i32
      %dma_wait3A = arith.constant 0 : i32
      %dma_wait3A_89 = tpu.memref_slice %arg10[%add3A_88, %dma_wait3A] : memref<40x128xi32, #tpu.memory_space<vmem>> -> memref<1x128xi32, #tpu.memory_space<vmem>>
      %dma_wait3A_90 = tpu.memref_squeeze %dma_wait3A_89 : memref<1x128xi32, #tpu.memory_space<vmem>> -> memref<128xi32, #tpu.memory_space<vmem>>
      %dma_wait3A_91 = arith.constant 0 : i32
      %dma_wait3A_92 = arith.constant 0 : i32
      %dma_wait3A_93 = tpu.memref_slice %arg8[%dma_wait3A_91, %dma_wait3A_92] : memref<10240x64xf32, #tpu.memory_space<vmem_shared>> -> memref<10240x64xf32, #tpu.memory_space<vmem_shared>>
      tpu.wait_indirect_dma semaphore(%arg14 : memref<!tpu.dma_semaphore, #tpu.memory_space<semaphore_mem>>) src(%dma_wait3A_93 : memref<10240x64xf32, #tpu.memory_space<vmem_shared>>) dst(%arg12 : memref<128x64xf32, #tpu.memory_space<vmem>>)
      %add3A_94 = arith.constant 0 : i32
      %add3A_95 = arith.addi %add3A_86, %add3A_94 : i32
      "tpu.region"() ({
        %run_scoped3A = tpu.sem_alloc : memref<!tpu.dma_semaphore, #tpu.memory_space<semaphore_mem>>
        %dma_start3A_123 = arith.constant 0 : i32
        %dma_start3A_124 = tpu.memref_slice %arg11[%add3A_95, %dma_start3A_123] : memref<40x128xi32, #tpu.memory_space<vmem>> -> memref<1x128xi32, #tpu.memory_space<vmem>>
        %dma_start3A_125 = tpu.memref_squeeze %dma_start3A_124 : memref<1x128xi32, #tpu.memory_space<vmem>> -> memref<128xi32, #tpu.memory_space<vmem>>
        %dma_start3A_126 = arith.constant 0 : i32
        %dma_start3A_127 = arith.constant 0 : i32
        %dma_start3A_128 = tpu.memref_slice %arg9[%dma_start3A_126, %dma_start3A_127] : memref<10240x64xf32, #tpu.memory_space<vmem_shared>> -> memref<10240x64xf32, #tpu.memory_space<vmem_shared>>
        tpu.enqueue_indirect_dma source(%arg12 : memref<128x64xf32, #tpu.memory_space<vmem>>) target(%dma_start3A_128 : memref<10240x64xf32, #tpu.memory_space<vmem_shared>>) offsets(%dma_start3A_125 : memref<128xi32, #tpu.memory_space<vmem>>) semaphore(%run_scoped3A : memref<!tpu.dma_semaphore, #tpu.memory_space<semaphore_mem>>) {add = true}
        %dma_wait3A_129 = arith.constant 0 : i32
        %dma_wait3A_130 = tpu.memref_slice %arg11[%add3A_95, %dma_wait3A_129] : memref<40x128xi32, #tpu.memory_space<vmem>> -> memref<1x128xi32, #tpu.memory_space<vmem>>
        %dma_wait3A_131 = tpu.memref_squeeze %dma_wait3A_130 : memref<1x128xi32, #tpu.memory_space<vmem>> -> memref<128xi32, #tpu.memory_space<vmem>>
        %dma_wait3A_132 = arith.constant 0 : i32
        %dma_wait3A_133 = arith.constant 0 : i32
        %dma_wait3A_134 = tpu.memref_slice %arg9[%dma_wait3A_132, %dma_wait3A_133] : memref<10240x64xf32, #tpu.memory_space<vmem_shared>> -> memref<10240x64xf32, #tpu.memory_space<vmem_shared>>
        tpu.wait_indirect_dma semaphore(%run_scoped3A : memref<!tpu.dma_semaphore, #tpu.memory_space<semaphore_mem>>) src(%arg12 : memref<128x64xf32, #tpu.memory_space<vmem>>) dst(%dma_wait3A_134 : memref<10240x64xf32, #tpu.memory_space<vmem_shared>>)
        tpu.yield
      }) : () -> ()
      %add3A_96 = arith.constant 0 : i32
      %add3A_97 = arith.addi %add3A_86, %add3A_96 : i32
      %add3A_98 = arith.constant 2 : i32
      %add3A_99 = arith.addi %add3A_97, %add3A_98 : i32
      %lt3A = arith.constant 40 : i32
      %lt3A_100 = arith.cmpi slt, %add3A_99, %lt3A : i32
      %convert_element_type3A_101 = arith.extui %lt3A_100 : i1 to i32
      %cond3A_102 = arith.constant 0 : i32
      %cond3A_103 = arith.cmpi ne, %convert_element_type3A_101, %cond3A_102 : i32
      scf.if %cond3A_103 {
        %add3A_123 = arith.constant 0 : i32
        %add3A_124 = arith.addi %add3A_86, %add3A_123 : i32
        %add3A_125 = arith.constant 2 : i32
        %add3A_126 = arith.addi %add3A_124, %add3A_125 : i32
        %dma_start3A_127 = arith.constant 0 : i32
        %dma_start3A_128 = tpu.memref_slice %arg10[%add3A_126, %dma_start3A_127] : memref<40x128xi32, #tpu.memory_space<vmem>> -> memref<1x128xi32, #tpu.memory_space<vmem>>
        %dma_start3A_129 = tpu.memref_squeeze %dma_start3A_128 : memref<1x128xi32, #tpu.memory_space<vmem>> -> memref<128xi32, #tpu.memory_space<vmem>>
        %dma_start3A_130 = arith.constant 0 : i32
        %dma_start3A_131 = arith.constant 0 : i32
        %dma_start3A_132 = tpu.memref_slice %arg8[%dma_start3A_130, %dma_start3A_131] : memref<10240x64xf32, #tpu.memory_space<vmem_shared>> -> memref<10240x64xf32, #tpu.memory_space<vmem_shared>>
        tpu.enqueue_indirect_dma source(%dma_start3A_132 : memref<10240x64xf32, #tpu.memory_space<vmem_shared>>) target(%arg12 : memref<128x64xf32, #tpu.memory_space<vmem>>) offsets(%dma_start3A_129 : memref<128xi32, #tpu.memory_space<vmem>>) semaphore(%arg14 : memref<!tpu.dma_semaphore, #tpu.memory_space<semaphore_mem>>)
      } else {
      }
      %add3A_104 = arith.constant 1 : i32
      %add3A_105 = arith.addi %add3A_86, %add3A_104 : i32
      %dma_wait3A_106 = arith.constant 0 : i32
      %dma_wait3A_107 = tpu.memref_slice %arg10[%add3A_105, %dma_wait3A_106] : memref<40x128xi32, #tpu.memory_space<vmem>> -> memref<1x128xi32, #tpu.memory_space<vmem>>
      %dma_wait3A_108 = tpu.memref_squeeze %dma_wait3A_107 : memref<1x128xi32, #tpu.memory_space<vmem>> -> memref<128xi32, #tpu.memory_space<vmem>>
      %dma_wait3A_109 = arith.constant 0 : i32
      %dma_wait3A_110 = arith.constant 0 : i32
      %dma_wait3A_111 = tpu.memref_slice %arg8[%dma_wait3A_109, %dma_wait3A_110] : memref<10240x64xf32, #tpu.memory_space<vmem_shared>> -> memref<10240x64xf32, #tpu.memory_space<vmem_shared>>
      tpu.wait_indirect_dma semaphore(%arg15 : memref<!tpu.dma_semaphore, #tpu.memory_space<semaphore_mem>>) src(%dma_wait3A_111 : memref<10240x64xf32, #tpu.memory_space<vmem_shared>>) dst(%arg13 : memref<128x64xf32, #tpu.memory_space<vmem>>)
      %add3A_112 = arith.constant 1 : i32
      %add3A_113 = arith.addi %add3A_86, %add3A_112 : i32
      "tpu.region"() ({
        %run_scoped3A = tpu.sem_alloc : memref<!tpu.dma_semaphore, #tpu.memory_space<semaphore_mem>>
        %dma_start3A_123 = arith.constant 0 : i32
        %dma_start3A_124 = tpu.memref_slice %arg11[%add3A_113, %dma_start3A_123] : memref<40x128xi32, #tpu.memory_space<vmem>> -> memref<1x128xi32, #tpu.memory_space<vmem>>
        %dma_start3A_125 = tpu.memref_squeeze %dma_start3A_124 : memref<1x128xi32, #tpu.memory_space<vmem>> -> memref<128xi32, #tpu.memory_space<vmem>>
        %dma_start3A_126 = arith.constant 0 : i32
        %dma_start3A_127 = arith.constant 0 : i32
        %dma_start3A_128 = tpu.memref_slice %arg9[%dma_start3A_126, %dma_start3A_127] : memref<10240x64xf32, #tpu.memory_space<vmem_shared>> -> memref<10240x64xf32, #tpu.memory_space<vmem_shared>>
        tpu.enqueue_indirect_dma source(%arg13 : memref<128x64xf32, #tpu.memory_space<vmem>>) target(%dma_start3A_128 : memref<10240x64xf32, #tpu.memory_space<vmem_shared>>) offsets(%dma_start3A_125 : memref<128xi32, #tpu.memory_space<vmem>>) semaphore(%run_scoped3A : memref<!tpu.dma_semaphore, #tpu.memory_space<semaphore_mem>>) {add = true}
        %dma_wait3A_129 = arith.constant 0 : i32
        %dma_wait3A_130 = tpu.memref_slice %arg11[%add3A_113, %dma_wait3A_129] : memref<40x128xi32, #tpu.memory_space<vmem>> -> memref<1x128xi32, #tpu.memory_space<vmem>>
        %dma_wait3A_131 = tpu.memref_squeeze %dma_wait3A_130 : memref<1x128xi32, #tpu.memory_space<vmem>> -> memref<128xi32, #tpu.memory_space<vmem>>
        %dma_wait3A_132 = arith.constant 0 : i32
        %dma_wait3A_133 = arith.constant 0 : i32
        %dma_wait3A_134 = tpu.memref_slice %arg9[%dma_wait3A_132, %dma_wait3A_133] : memref<10240x64xf32, #tpu.memory_space<vmem_shared>> -> memref<10240x64xf32, #tpu.memory_space<vmem_shared>>
        tpu.wait_indirect_dma semaphore(%run_scoped3A : memref<!tpu.dma_semaphore, #tpu.memory_space<semaphore_mem>>) src(%arg13 : memref<128x64xf32, #tpu.memory_space<vmem>>) dst(%dma_wait3A_134 : memref<10240x64xf32, #tpu.memory_space<vmem_shared>>)
        tpu.yield
      }) : () -> ()
      %add3A_114 = arith.constant 1 : i32
      %add3A_115 = arith.addi %add3A_86, %add3A_114 : i32
      %add3A_116 = arith.constant 2 : i32
      %add3A_117 = arith.addi %add3A_115, %add3A_116 : i32
      %lt3A_118 = arith.constant 40 : i32
      %lt3A_119 = arith.cmpi slt, %add3A_117, %lt3A_118 : i32
      %convert_element_type3A_120 = arith.extui %lt3A_119 : i1 to i32
      %cond3A_121 = arith.constant 0 : i32
      %cond3A_122 = arith.cmpi ne, %convert_element_type3A_120, %cond3A_121 : i32
      scf.if %cond3A_122 {
        %add3A_123 = arith.constant 1 : i32
        %add3A_124 = arith.addi %add3A_86, %add3A_123 : i32
        %add3A_125 = arith.constant 2 : i32
        %add3A_126 = arith.addi %add3A_124, %add3A_125 : i32
        %dma_start3A_127 = arith.constant 0 : i32
        %dma_start3A_128 = tpu.memref_slice %arg10[%add3A_126, %dma_start3A_127] : memref<40x128xi32, #tpu.memory_space<vmem>> -> memref<1x128xi32, #tpu.memory_space<vmem>>
        %dma_start3A_129 = tpu.memref_squeeze %dma_start3A_128 : memref<1x128xi32, #tpu.memory_space<vmem>> -> memref<128xi32, #tpu.memory_space<vmem>>
        %dma_start3A_130 = arith.constant 0 : i32
        %dma_start3A_131 = arith.constant 0 : i32
        %dma_start3A_132 = tpu.memref_slice %arg8[%dma_start3A_130, %dma_start3A_131] : memref<10240x64xf32, #tpu.memory_space<vmem_shared>> -> memref<10240x64xf32, #tpu.memory_space<vmem_shared>>
        tpu.enqueue_indirect_dma source(%dma_start3A_132 : memref<10240x64xf32, #tpu.memory_space<vmem_shared>>) target(%arg13 : memref<128x64xf32, #tpu.memory_space<vmem>>) offsets(%dma_start3A_129 : memref<128xi32, #tpu.memory_space<vmem>>) semaphore(%arg15 : memref<!tpu.dma_semaphore, #tpu.memory_space<semaphore_mem>>)
      } else {
      }
    }
    %scan3A_36 = arith.constant 20 : i32
    "tpu.region"() ({
      %run_scoped3A = tpu.sem_alloc : memref<!tpu.dma_semaphore, #tpu.memory_space<semaphore_mem>>
      %dma_start3A_83 = arith.constant 80 : i32
      %dma_start3A_84 = arith.constant 0 : i32
      %dma_start3A_85 = tpu.memref_slice %arg3[%arg1, %dma_start3A_83, %dma_start3A_84] : memref<16x160x128xi32, #tpu.memory_space<hbm>> -> memref<1x40x128xi32, #tpu.memory_space<hbm>>
      %dma_start3A_86 = tpu.memref_squeeze %dma_start3A_85 : memref<1x40x128xi32, #tpu.memory_space<hbm>> -> memref<40x128xi32, #tpu.memory_space<hbm>>
      %dma_start3A_87 = arith.constant 80 : i32
      %dma_start3A_88 = arith.constant 0 : i32
      %dma_start3A_89 = tpu.memref_slice %arg3[%arg1, %dma_start3A_87, %dma_start3A_88] : memref<16x160x128xi32, #tpu.memory_space<hbm>> -> memref<1x40x128xi32, #tpu.memory_space<hbm>>
      %dma_start3A_90 = tpu.memref_squeeze %dma_start3A_89 : memref<1x40x128xi32, #tpu.memory_space<hbm>> -> memref<40x128xi32, #tpu.memory_space<hbm>>
      tpu.enqueue_dma source(%dma_start3A_90 : memref<40x128xi32, #tpu.memory_space<hbm>>) target(%arg10 : memref<40x128xi32, #tpu.memory_space<vmem>>) target_semaphore(%run_scoped3A : memref<!tpu.dma_semaphore, #tpu.memory_space<semaphore_mem>>)
      %dma_wait3A = arith.constant 80 : i32
      %dma_wait3A_91 = arith.constant 0 : i32
      %dma_wait3A_92 = tpu.memref_slice %arg3[%arg1, %dma_wait3A, %dma_wait3A_91] : memref<16x160x128xi32, #tpu.memory_space<hbm>> -> memref<1x40x128xi32, #tpu.memory_space<hbm>>
      %dma_wait3A_93 = tpu.memref_squeeze %dma_wait3A_92 : memref<1x40x128xi32, #tpu.memory_space<hbm>> -> memref<40x128xi32, #tpu.memory_space<hbm>>
      %dma_wait3A_94 = arith.constant 80 : i32
      %dma_wait3A_95 = arith.constant 0 : i32
      %dma_wait3A_96 = tpu.memref_slice %arg3[%arg1, %dma_wait3A_94, %dma_wait3A_95] : memref<16x160x128xi32, #tpu.memory_space<hbm>> -> memref<1x40x128xi32, #tpu.memory_space<hbm>>
      %dma_wait3A_97 = tpu.memref_squeeze %dma_wait3A_96 : memref<1x40x128xi32, #tpu.memory_space<hbm>> -> memref<40x128xi32, #tpu.memory_space<hbm>>
      tpu.wait_dma2 semaphore(%run_scoped3A : memref<!tpu.dma_semaphore, #tpu.memory_space<semaphore_mem>>) src(%dma_wait3A_97 : memref<40x128xi32, #tpu.memory_space<hbm>>) dst(%arg10 : memref<40x128xi32, #tpu.memory_space<vmem>>)
      tpu.yield
    }) : () -> ()
    "tpu.region"() ({
      %run_scoped3A = tpu.sem_alloc : memref<!tpu.dma_semaphore, #tpu.memory_space<semaphore_mem>>
      %dma_start3A_83 = arith.constant 80 : i32
      %dma_start3A_84 = arith.constant 0 : i32
      %dma_start3A_85 = tpu.memref_slice %arg4[%arg1, %dma_start3A_83, %dma_start3A_84] : memref<16x160x128xi32, #tpu.memory_space<hbm>> -> memref<1x40x128xi32, #tpu.memory_space<hbm>>
      %dma_start3A_86 = tpu.memref_squeeze %dma_start3A_85 : memref<1x40x128xi32, #tpu.memory_space<hbm>> -> memref<40x128xi32, #tpu.memory_space<hbm>>
      %dma_start3A_87 = arith.constant 80 : i32
      %dma_start3A_88 = arith.constant 0 : i32
      %dma_start3A_89 = tpu.memref_slice %arg4[%arg1, %dma_start3A_87, %dma_start3A_88] : memref<16x160x128xi32, #tpu.memory_space<hbm>> -> memref<1x40x128xi32, #tpu.memory_space<hbm>>
      %dma_start3A_90 = tpu.memref_squeeze %dma_start3A_89 : memref<1x40x128xi32, #tpu.memory_space<hbm>> -> memref<40x128xi32, #tpu.memory_space<hbm>>
      tpu.enqueue_dma source(%dma_start3A_90 : memref<40x128xi32, #tpu.memory_space<hbm>>) target(%arg11 : memref<40x128xi32, #tpu.memory_space<vmem>>) target_semaphore(%run_scoped3A : memref<!tpu.dma_semaphore, #tpu.memory_space<semaphore_mem>>)
      %dma_wait3A = arith.constant 80 : i32
      %dma_wait3A_91 = arith.constant 0 : i32
      %dma_wait3A_92 = tpu.memref_slice %arg4[%arg1, %dma_wait3A, %dma_wait3A_91] : memref<16x160x128xi32, #tpu.memory_space<hbm>> -> memref<1x40x128xi32, #tpu.memory_space<hbm>>
      %dma_wait3A_93 = tpu.memref_squeeze %dma_wait3A_92 : memref<1x40x128xi32, #tpu.memory_space<hbm>> -> memref<40x128xi32, #tpu.memory_space<hbm>>
      %dma_wait3A_94 = arith.constant 80 : i32
      %dma_wait3A_95 = arith.constant 0 : i32
      %dma_wait3A_96 = tpu.memref_slice %arg4[%arg1, %dma_wait3A_94, %dma_wait3A_95] : memref<16x160x128xi32, #tpu.memory_space<hbm>> -> memref<1x40x128xi32, #tpu.memory_space<hbm>>
      %dma_wait3A_97 = tpu.memref_squeeze %dma_wait3A_96 : memref<1x40x128xi32, #tpu.memory_space<hbm>> -> memref<40x128xi32, #tpu.memory_space<hbm>>
      tpu.wait_dma2 semaphore(%run_scoped3A : memref<!tpu.dma_semaphore, #tpu.memory_space<semaphore_mem>>) src(%dma_wait3A_97 : memref<40x128xi32, #tpu.memory_space<hbm>>) dst(%arg11 : memref<40x128xi32, #tpu.memory_space<vmem>>)
      tpu.yield
    }) : () -> ()
    %dma_start3A_37 = arith.constant 0 : i32
    %dma_start3A_38 = arith.constant 0 : i32
    %dma_start3A_39 = tpu.memref_slice %arg10[%dma_start3A_37, %dma_start3A_38] : memref<40x128xi32, #tpu.memory_space<vmem>> -> memref<1x128xi32, #tpu.memory_space<vmem>>
    %dma_start3A_40 = tpu.memref_squeeze %dma_start3A_39 : memref<1x128xi32, #tpu.memory_space<vmem>> -> memref<128xi32, #tpu.memory_space<vmem>>
    %dma_start3A_41 = arith.constant 0 : i32
    %dma_start3A_42 = arith.constant 0 : i32
    %dma_start3A_43 = tpu.memref_slice %arg8[%dma_start3A_41, %dma_start3A_42] : memref<10240x64xf32, #tpu.memory_space<vmem_shared>> -> memref<10240x64xf32, #tpu.memory_space<vmem_shared>>
    tpu.enqueue_indirect_dma source(%dma_start3A_43 : memref<10240x64xf32, #tpu.memory_space<vmem_shared>>) target(%arg12 : memref<128x64xf32, #tpu.memory_space<vmem>>) offsets(%dma_start3A_40 : memref<128xi32, #tpu.memory_space<vmem>>) semaphore(%arg14 : memref<!tpu.dma_semaphore, #tpu.memory_space<semaphore_mem>>)
    %dma_start3A_44 = arith.constant 1 : i32
    %dma_start3A_45 = arith.constant 0 : i32
    %dma_start3A_46 = tpu.memref_slice %arg10[%dma_start3A_44, %dma_start3A_45] : memref<40x128xi32, #tpu.memory_space<vmem>> -> memref<1x128xi32, #tpu.memory_space<vmem>>
    %dma_start3A_47 = tpu.memref_squeeze %dma_start3A_46 : memref<1x128xi32, #tpu.memory_space<vmem>> -> memref<128xi32, #tpu.memory_space<vmem>>
    %dma_start3A_48 = arith.constant 0 : i32
    %dma_start3A_49 = arith.constant 0 : i32
    %dma_start3A_50 = tpu.memref_slice %arg8[%dma_start3A_48, %dma_start3A_49] : memref<10240x64xf32, #tpu.memory_space<vmem_shared>> -> memref<10240x64xf32, #tpu.memory_space<vmem_shared>>
    tpu.enqueue_indirect_dma source(%dma_start3A_50 : memref<10240x64xf32, #tpu.memory_space<vmem_shared>>) target(%arg13 : memref<128x64xf32, #tpu.memory_space<vmem>>) offsets(%dma_start3A_47 : memref<128xi32, #tpu.memory_space<vmem>>) semaphore(%arg15 : memref<!tpu.dma_semaphore, #tpu.memory_space<semaphore_mem>>)
    %scan3A_51 = arith.constant 0 : i32
    %scan3A_52 = arith.constant 20 : i32
    %scan3A_53 = arith.addi %scan3A_51, %scan3A_52 : i32
    %scan3A_54 = arith.constant 1 : i32
    scf.for %scan3A_83 = %scan3A_51 to %scan3A_53 step %scan3A_54  : i32 {
      %mul3A_84 = arith.constant 2 : i32
      %mul3A_85 = arith.muli %scan3A_83, %mul3A_84 : i32
      %add3A = arith.constant 0 : i32
      %add3A_86 = arith.addi %add3A, %mul3A_85 : i32
      %add3A_87 = arith.constant 0 : i32
      %add3A_88 = arith.addi %add3A_86, %add3A_87 : i32
      %dma_wait3A = arith.constant 0 : i32
      %dma_wait3A_89 = tpu.memref_slice %arg10[%add3A_88, %dma_wait3A] : memref<40x128xi32, #tpu.memory_space<vmem>> -> memref<1x128xi32, #tpu.memory_space<vmem>>
      %dma_wait3A_90 = tpu.memref_squeeze %dma_wait3A_89 : memref<1x128xi32, #tpu.memory_space<vmem>> -> memref<128xi32, #tpu.memory_space<vmem>>
      %dma_wait3A_91 = arith.constant 0 : i32
      %dma_wait3A_92 = arith.constant 0 : i32
      %dma_wait3A_93 = tpu.memref_slice %arg8[%dma_wait3A_91, %dma_wait3A_92] : memref<10240x64xf32, #tpu.memory_space<vmem_shared>> -> memref<10240x64xf32, #tpu.memory_space<vmem_shared>>
      tpu.wait_indirect_dma semaphore(%arg14 : memref<!tpu.dma_semaphore, #tpu.memory_space<semaphore_mem>>) src(%dma_wait3A_93 : memref<10240x64xf32, #tpu.memory_space<vmem_shared>>) dst(%arg12 : memref<128x64xf32, #tpu.memory_space<vmem>>)
      %add3A_94 = arith.constant 0 : i32
      %add3A_95 = arith.addi %add3A_86, %add3A_94 : i32
      "tpu.region"() ({
        %run_scoped3A = tpu.sem_alloc : memref<!tpu.dma_semaphore, #tpu.memory_space<semaphore_mem>>
        %dma_start3A_123 = arith.constant 0 : i32
        %dma_start3A_124 = tpu.memref_slice %arg11[%add3A_95, %dma_start3A_123] : memref<40x128xi32, #tpu.memory_space<vmem>> -> memref<1x128xi32, #tpu.memory_space<vmem>>
        %dma_start3A_125 = tpu.memref_squeeze %dma_start3A_124 : memref<1x128xi32, #tpu.memory_space<vmem>> -> memref<128xi32, #tpu.memory_space<vmem>>
        %dma_start3A_126 = arith.constant 0 : i32
        %dma_start3A_127 = arith.constant 0 : i32
        %dma_start3A_128 = tpu.memref_slice %arg9[%dma_start3A_126, %dma_start3A_127] : memref<10240x64xf32, #tpu.memory_space<vmem_shared>> -> memref<10240x64xf32, #tpu.memory_space<vmem_shared>>
        tpu.enqueue_indirect_dma source(%arg12 : memref<128x64xf32, #tpu.memory_space<vmem>>) target(%dma_start3A_128 : memref<10240x64xf32, #tpu.memory_space<vmem_shared>>) offsets(%dma_start3A_125 : memref<128xi32, #tpu.memory_space<vmem>>) semaphore(%run_scoped3A : memref<!tpu.dma_semaphore, #tpu.memory_space<semaphore_mem>>) {add = true}
        %dma_wait3A_129 = arith.constant 0 : i32
        %dma_wait3A_130 = tpu.memref_slice %arg11[%add3A_95, %dma_wait3A_129] : memref<40x128xi32, #tpu.memory_space<vmem>> -> memref<1x128xi32, #tpu.memory_space<vmem>>
        %dma_wait3A_131 = tpu.memref_squeeze %dma_wait3A_130 : memref<1x128xi32, #tpu.memory_space<vmem>> -> memref<128xi32, #tpu.memory_space<vmem>>
        %dma_wait3A_132 = arith.constant 0 : i32
        %dma_wait3A_133 = arith.constant 0 : i32
        %dma_wait3A_134 = tpu.memref_slice %arg9[%dma_wait3A_132, %dma_wait3A_133] : memref<10240x64xf32, #tpu.memory_space<vmem_shared>> -> memref<10240x64xf32, #tpu.memory_space<vmem_shared>>
        tpu.wait_indirect_dma semaphore(%run_scoped3A : memref<!tpu.dma_semaphore, #tpu.memory_space<semaphore_mem>>) src(%arg12 : memref<128x64xf32, #tpu.memory_space<vmem>>) dst(%dma_wait3A_134 : memref<10240x64xf32, #tpu.memory_space<vmem_shared>>)
        tpu.yield
      }) : () -> ()
      %add3A_96 = arith.constant 0 : i32
      %add3A_97 = arith.addi %add3A_86, %add3A_96 : i32
      %add3A_98 = arith.constant 2 : i32
      %add3A_99 = arith.addi %add3A_97, %add3A_98 : i32
      %lt3A = arith.constant 40 : i32
      %lt3A_100 = arith.cmpi slt, %add3A_99, %lt3A : i32
      %convert_element_type3A_101 = arith.extui %lt3A_100 : i1 to i32
      %cond3A_102 = arith.constant 0 : i32
      %cond3A_103 = arith.cmpi ne, %convert_element_type3A_101, %cond3A_102 : i32
      scf.if %cond3A_103 {
        %add3A_123 = arith.constant 0 : i32
        %add3A_124 = arith.addi %add3A_86, %add3A_123 : i32
        %add3A_125 = arith.constant 2 : i32
        %add3A_126 = arith.addi %add3A_124, %add3A_125 : i32
        %dma_start3A_127 = arith.constant 0 : i32
        %dma_start3A_128 = tpu.memref_slice %arg10[%add3A_126, %dma_start3A_127] : memref<40x128xi32, #tpu.memory_space<vmem>> -> memref<1x128xi32, #tpu.memory_space<vmem>>
        %dma_start3A_129 = tpu.memref_squeeze %dma_start3A_128 : memref<1x128xi32, #tpu.memory_space<vmem>> -> memref<128xi32, #tpu.memory_space<vmem>>
        %dma_start3A_130 = arith.constant 0 : i32
        %dma_start3A_131 = arith.constant 0 : i32
        %dma_start3A_132 = tpu.memref_slice %arg8[%dma_start3A_130, %dma_start3A_131] : memref<10240x64xf32, #tpu.memory_space<vmem_shared>> -> memref<10240x64xf32, #tpu.memory_space<vmem_shared>>
        tpu.enqueue_indirect_dma source(%dma_start3A_132 : memref<10240x64xf32, #tpu.memory_space<vmem_shared>>) target(%arg12 : memref<128x64xf32, #tpu.memory_space<vmem>>) offsets(%dma_start3A_129 : memref<128xi32, #tpu.memory_space<vmem>>) semaphore(%arg14 : memref<!tpu.dma_semaphore, #tpu.memory_space<semaphore_mem>>)
      } else {
      }
      %add3A_104 = arith.constant 1 : i32
      %add3A_105 = arith.addi %add3A_86, %add3A_104 : i32
      %dma_wait3A_106 = arith.constant 0 : i32
      %dma_wait3A_107 = tpu.memref_slice %arg10[%add3A_105, %dma_wait3A_106] : memref<40x128xi32, #tpu.memory_space<vmem>> -> memref<1x128xi32, #tpu.memory_space<vmem>>
      %dma_wait3A_108 = tpu.memref_squeeze %dma_wait3A_107 : memref<1x128xi32, #tpu.memory_space<vmem>> -> memref<128xi32, #tpu.memory_space<vmem>>
      %dma_wait3A_109 = arith.constant 0 : i32
      %dma_wait3A_110 = arith.constant 0 : i32
      %dma_wait3A_111 = tpu.memref_slice %arg8[%dma_wait3A_109, %dma_wait3A_110] : memref<10240x64xf32, #tpu.memory_space<vmem_shared>> -> memref<10240x64xf32, #tpu.memory_space<vmem_shared>>
      tpu.wait_indirect_dma semaphore(%arg15 : memref<!tpu.dma_semaphore, #tpu.memory_space<semaphore_mem>>) src(%dma_wait3A_111 : memref<10240x64xf32, #tpu.memory_space<vmem_shared>>) dst(%arg13 : memref<128x64xf32, #tpu.memory_space<vmem>>)
      %add3A_112 = arith.constant 1 : i32
      %add3A_113 = arith.addi %add3A_86, %add3A_112 : i32
      "tpu.region"() ({
        %run_scoped3A = tpu.sem_alloc : memref<!tpu.dma_semaphore, #tpu.memory_space<semaphore_mem>>
        %dma_start3A_123 = arith.constant 0 : i32
        %dma_start3A_124 = tpu.memref_slice %arg11[%add3A_113, %dma_start3A_123] : memref<40x128xi32, #tpu.memory_space<vmem>> -> memref<1x128xi32, #tpu.memory_space<vmem>>
        %dma_start3A_125 = tpu.memref_squeeze %dma_start3A_124 : memref<1x128xi32, #tpu.memory_space<vmem>> -> memref<128xi32, #tpu.memory_space<vmem>>
        %dma_start3A_126 = arith.constant 0 : i32
        %dma_start3A_127 = arith.constant 0 : i32
        %dma_start3A_128 = tpu.memref_slice %arg9[%dma_start3A_126, %dma_start3A_127] : memref<10240x64xf32, #tpu.memory_space<vmem_shared>> -> memref<10240x64xf32, #tpu.memory_space<vmem_shared>>
        tpu.enqueue_indirect_dma source(%arg13 : memref<128x64xf32, #tpu.memory_space<vmem>>) target(%dma_start3A_128 : memref<10240x64xf32, #tpu.memory_space<vmem_shared>>) offsets(%dma_start3A_125 : memref<128xi32, #tpu.memory_space<vmem>>) semaphore(%run_scoped3A : memref<!tpu.dma_semaphore, #tpu.memory_space<semaphore_mem>>) {add = true}
        %dma_wait3A_129 = arith.constant 0 : i32
        %dma_wait3A_130 = tpu.memref_slice %arg11[%add3A_113, %dma_wait3A_129] : memref<40x128xi32, #tpu.memory_space<vmem>> -> memref<1x128xi32, #tpu.memory_space<vmem>>
        %dma_wait3A_131 = tpu.memref_squeeze %dma_wait3A_130 : memref<1x128xi32, #tpu.memory_space<vmem>> -> memref<128xi32, #tpu.memory_space<vmem>>
        %dma_wait3A_132 = arith.constant 0 : i32
        %dma_wait3A_133 = arith.constant 0 : i32
        %dma_wait3A_134 = tpu.memref_slice %arg9[%dma_wait3A_132, %dma_wait3A_133] : memref<10240x64xf32, #tpu.memory_space<vmem_shared>> -> memref<10240x64xf32, #tpu.memory_space<vmem_shared>>
        tpu.wait_indirect_dma semaphore(%run_scoped3A : memref<!tpu.dma_semaphore, #tpu.memory_space<semaphore_mem>>) src(%arg13 : memref<128x64xf32, #tpu.memory_space<vmem>>) dst(%dma_wait3A_134 : memref<10240x64xf32, #tpu.memory_space<vmem_shared>>)
        tpu.yield
      }) : () -> ()
      %add3A_114 = arith.constant 1 : i32
      %add3A_115 = arith.addi %add3A_86, %add3A_114 : i32
      %add3A_116 = arith.constant 2 : i32
      %add3A_117 = arith.addi %add3A_115, %add3A_116 : i32
      %lt3A_118 = arith.constant 40 : i32
      %lt3A_119 = arith.cmpi slt, %add3A_117, %lt3A_118 : i32
      %convert_element_type3A_120 = arith.extui %lt3A_119 : i1 to i32
      %cond3A_121 = arith.constant 0 : i32
      %cond3A_122 = arith.cmpi ne, %convert_element_type3A_120, %cond3A_121 : i32
      scf.if %cond3A_122 {
        %add3A_123 = arith.constant 1 : i32
        %add3A_124 = arith.addi %add3A_86, %add3A_123 : i32
        %add3A_125 = arith.constant 2 : i32
        %add3A_126 = arith.addi %add3A_124, %add3A_125 : i32
        %dma_start3A_127 = arith.constant 0 : i32
        %dma_start3A_128 = tpu.memref_slice %arg10[%add3A_126, %dma_start3A_127] : memref<40x128xi32, #tpu.memory_space<vmem>> -> memref<1x128xi32, #tpu.memory_space<vmem>>
        %dma_start3A_129 = tpu.memref_squeeze %dma_start3A_128 : memref<1x128xi32, #tpu.memory_space<vmem>> -> memref<128xi32, #tpu.memory_space<vmem>>
        %dma_start3A_130 = arith.constant 0 : i32
        %dma_start3A_131 = arith.constant 0 : i32
        %dma_start3A_132 = tpu.memref_slice %arg8[%dma_start3A_130, %dma_start3A_131] : memref<10240x64xf32, #tpu.memory_space<vmem_shared>> -> memref<10240x64xf32, #tpu.memory_space<vmem_shared>>
        tpu.enqueue_indirect_dma source(%dma_start3A_132 : memref<10240x64xf32, #tpu.memory_space<vmem_shared>>) target(%arg13 : memref<128x64xf32, #tpu.memory_space<vmem>>) offsets(%dma_start3A_129 : memref<128xi32, #tpu.memory_space<vmem>>) semaphore(%arg15 : memref<!tpu.dma_semaphore, #tpu.memory_space<semaphore_mem>>)
      } else {
      }
    }
    %scan3A_55 = arith.constant 20 : i32
    "tpu.region"() ({
      %run_scoped3A = tpu.sem_alloc : memref<!tpu.dma_semaphore, #tpu.memory_space<semaphore_mem>>
      %dma_start3A_83 = arith.constant 120 : i32
      %dma_start3A_84 = arith.constant 0 : i32
      %dma_start3A_85 = tpu.memref_slice %arg3[%arg1, %dma_start3A_83, %dma_start3A_84] : memref<16x160x128xi32, #tpu.memory_space<hbm>> -> memref<1x40x128xi32, #tpu.memory_space<hbm>>
      %dma_start3A_86 = tpu.memref_squeeze %dma_start3A_85 : memref<1x40x128xi32, #tpu.memory_space<hbm>> -> memref<40x128xi32, #tpu.memory_space<hbm>>
      %dma_start3A_87 = arith.constant 120 : i32
      %dma_start3A_88 = arith.constant 0 : i32
      %dma_start3A_89 = tpu.memref_slice %arg3[%arg1, %dma_start3A_87, %dma_start3A_88] : memref<16x160x128xi32, #tpu.memory_space<hbm>> -> memref<1x40x128xi32, #tpu.memory_space<hbm>>
      %dma_start3A_90 = tpu.memref_squeeze %dma_start3A_89 : memref<1x40x128xi32, #tpu.memory_space<hbm>> -> memref<40x128xi32, #tpu.memory_space<hbm>>
      tpu.enqueue_dma source(%dma_start3A_90 : memref<40x128xi32, #tpu.memory_space<hbm>>) target(%arg10 : memref<40x128xi32, #tpu.memory_space<vmem>>) target_semaphore(%run_scoped3A : memref<!tpu.dma_semaphore, #tpu.memory_space<semaphore_mem>>)
      %dma_wait3A = arith.constant 120 : i32
      %dma_wait3A_91 = arith.constant 0 : i32
      %dma_wait3A_92 = tpu.memref_slice %arg3[%arg1, %dma_wait3A, %dma_wait3A_91] : memref<16x160x128xi32, #tpu.memory_space<hbm>> -> memref<1x40x128xi32, #tpu.memory_space<hbm>>
      %dma_wait3A_93 = tpu.memref_squeeze %dma_wait3A_92 : memref<1x40x128xi32, #tpu.memory_space<hbm>> -> memref<40x128xi32, #tpu.memory_space<hbm>>
      %dma_wait3A_94 = arith.constant 120 : i32
      %dma_wait3A_95 = arith.constant 0 : i32
      %dma_wait3A_96 = tpu.memref_slice %arg3[%arg1, %dma_wait3A_94, %dma_wait3A_95] : memref<16x160x128xi32, #tpu.memory_space<hbm>> -> memref<1x40x128xi32, #tpu.memory_space<hbm>>
      %dma_wait3A_97 = tpu.memref_squeeze %dma_wait3A_96 : memref<1x40x128xi32, #tpu.memory_space<hbm>> -> memref<40x128xi32, #tpu.memory_space<hbm>>
      tpu.wait_dma2 semaphore(%run_scoped3A : memref<!tpu.dma_semaphore, #tpu.memory_space<semaphore_mem>>) src(%dma_wait3A_97 : memref<40x128xi32, #tpu.memory_space<hbm>>) dst(%arg10 : memref<40x128xi32, #tpu.memory_space<vmem>>)
      tpu.yield
    }) : () -> ()
    "tpu.region"() ({
      %run_scoped3A = tpu.sem_alloc : memref<!tpu.dma_semaphore, #tpu.memory_space<semaphore_mem>>
      %dma_start3A_83 = arith.constant 120 : i32
      %dma_start3A_84 = arith.constant 0 : i32
      %dma_start3A_85 = tpu.memref_slice %arg4[%arg1, %dma_start3A_83, %dma_start3A_84] : memref<16x160x128xi32, #tpu.memory_space<hbm>> -> memref<1x40x128xi32, #tpu.memory_space<hbm>>
      %dma_start3A_86 = tpu.memref_squeeze %dma_start3A_85 : memref<1x40x128xi32, #tpu.memory_space<hbm>> -> memref<40x128xi32, #tpu.memory_space<hbm>>
      %dma_start3A_87 = arith.constant 120 : i32
      %dma_start3A_88 = arith.constant 0 : i32
      %dma_start3A_89 = tpu.memref_slice %arg4[%arg1, %dma_start3A_87, %dma_start3A_88] : memref<16x160x128xi32, #tpu.memory_space<hbm>> -> memref<1x40x128xi32, #tpu.memory_space<hbm>>
      %dma_start3A_90 = tpu.memref_squeeze %dma_start3A_89 : memref<1x40x128xi32, #tpu.memory_space<hbm>> -> memref<40x128xi32, #tpu.memory_space<hbm>>
      tpu.enqueue_dma source(%dma_start3A_90 : memref<40x128xi32, #tpu.memory_space<hbm>>) target(%arg11 : memref<40x128xi32, #tpu.memory_space<vmem>>) target_semaphore(%run_scoped3A : memref<!tpu.dma_semaphore, #tpu.memory_space<semaphore_mem>>)
      %dma_wait3A = arith.constant 120 : i32
      %dma_wait3A_91 = arith.constant 0 : i32
      %dma_wait3A_92 = tpu.memref_slice %arg4[%arg1, %dma_wait3A, %dma_wait3A_91] : memref<16x160x128xi32, #tpu.memory_space<hbm>> -> memref<1x40x128xi32, #tpu.memory_space<hbm>>
      %dma_wait3A_93 = tpu.memref_squeeze %dma_wait3A_92 : memref<1x40x128xi32, #tpu.memory_space<hbm>> -> memref<40x128xi32, #tpu.memory_space<hbm>>
      %dma_wait3A_94 = arith.constant 120 : i32
      %dma_wait3A_95 = arith.constant 0 : i32
      %dma_wait3A_96 = tpu.memref_slice %arg4[%arg1, %dma_wait3A_94, %dma_wait3A_95] : memref<16x160x128xi32, #tpu.memory_space<hbm>> -> memref<1x40x128xi32, #tpu.memory_space<hbm>>
      %dma_wait3A_97 = tpu.memref_squeeze %dma_wait3A_96 : memref<1x40x128xi32, #tpu.memory_space<hbm>> -> memref<40x128xi32, #tpu.memory_space<hbm>>
      tpu.wait_dma2 semaphore(%run_scoped3A : memref<!tpu.dma_semaphore, #tpu.memory_space<semaphore_mem>>) src(%dma_wait3A_97 : memref<40x128xi32, #tpu.memory_space<hbm>>) dst(%arg11 : memref<40x128xi32, #tpu.memory_space<vmem>>)
      tpu.yield
    }) : () -> ()
    %dma_start3A_56 = arith.constant 0 : i32
    %dma_start3A_57 = arith.constant 0 : i32
    %dma_start3A_58 = tpu.memref_slice %arg10[%dma_start3A_56, %dma_start3A_57] : memref<40x128xi32, #tpu.memory_space<vmem>> -> memref<1x128xi32, #tpu.memory_space<vmem>>
    %dma_start3A_59 = tpu.memref_squeeze %dma_start3A_58 : memref<1x128xi32, #tpu.memory_space<vmem>> -> memref<128xi32, #tpu.memory_space<vmem>>
    %dma_start3A_60 = arith.constant 0 : i32
    %dma_start3A_61 = arith.constant 0 : i32
    %dma_start3A_62 = tpu.memref_slice %arg8[%dma_start3A_60, %dma_start3A_61] : memref<10240x64xf32, #tpu.memory_space<vmem_shared>> -> memref<10240x64xf32, #tpu.memory_space<vmem_shared>>
    tpu.enqueue_indirect_dma source(%dma_start3A_62 : memref<10240x64xf32, #tpu.memory_space<vmem_shared>>) target(%arg12 : memref<128x64xf32, #tpu.memory_space<vmem>>) offsets(%dma_start3A_59 : memref<128xi32, #tpu.memory_space<vmem>>) semaphore(%arg14 : memref<!tpu.dma_semaphore, #tpu.memory_space<semaphore_mem>>)
    %dma_start3A_63 = arith.constant 1 : i32
    %dma_start3A_64 = arith.constant 0 : i32
    %dma_start3A_65 = tpu.memref_slice %arg10[%dma_start3A_63, %dma_start3A_64] : memref<40x128xi32, #tpu.memory_space<vmem>> -> memref<1x128xi32, #tpu.memory_space<vmem>>
    %dma_start3A_66 = tpu.memref_squeeze %dma_start3A_65 : memref<1x128xi32, #tpu.memory_space<vmem>> -> memref<128xi32, #tpu.memory_space<vmem>>
    %dma_start3A_67 = arith.constant 0 : i32
    %dma_start3A_68 = arith.constant 0 : i32
    %dma_start3A_69 = tpu.memref_slice %arg8[%dma_start3A_67, %dma_start3A_68] : memref<10240x64xf32, #tpu.memory_space<vmem_shared>> -> memref<10240x64xf32, #tpu.memory_space<vmem_shared>>
    tpu.enqueue_indirect_dma source(%dma_start3A_69 : memref<10240x64xf32, #tpu.memory_space<vmem_shared>>) target(%arg13 : memref<128x64xf32, #tpu.memory_space<vmem>>) offsets(%dma_start3A_66 : memref<128xi32, #tpu.memory_space<vmem>>) semaphore(%arg15 : memref<!tpu.dma_semaphore, #tpu.memory_space<semaphore_mem>>)
    %scan3A_70 = arith.constant 0 : i32
    %scan3A_71 = arith.constant 20 : i32
    %scan3A_72 = arith.addi %scan3A_70, %scan3A_71 : i32
    %scan3A_73 = arith.constant 1 : i32
    scf.for %scan3A_83 = %scan3A_70 to %scan3A_72 step %scan3A_73  : i32 {
      %mul3A_84 = arith.constant 2 : i32
      %mul3A_85 = arith.muli %scan3A_83, %mul3A_84 : i32
      %add3A = arith.constant 0 : i32
      %add3A_86 = arith.addi %add3A, %mul3A_85 : i32
      %add3A_87 = arith.constant 0 : i32
      %add3A_88 = arith.addi %add3A_86, %add3A_87 : i32
      %dma_wait3A = arith.constant 0 : i32
      %dma_wait3A_89 = tpu.memref_slice %arg10[%add3A_88, %dma_wait3A] : memref<40x128xi32, #tpu.memory_space<vmem>> -> memref<1x128xi32, #tpu.memory_space<vmem>>
      %dma_wait3A_90 = tpu.memref_squeeze %dma_wait3A_89 : memref<1x128xi32, #tpu.memory_space<vmem>> -> memref<128xi32, #tpu.memory_space<vmem>>
      %dma_wait3A_91 = arith.constant 0 : i32
      %dma_wait3A_92 = arith.constant 0 : i32
      %dma_wait3A_93 = tpu.memref_slice %arg8[%dma_wait3A_91, %dma_wait3A_92] : memref<10240x64xf32, #tpu.memory_space<vmem_shared>> -> memref<10240x64xf32, #tpu.memory_space<vmem_shared>>
      tpu.wait_indirect_dma semaphore(%arg14 : memref<!tpu.dma_semaphore, #tpu.memory_space<semaphore_mem>>) src(%dma_wait3A_93 : memref<10240x64xf32, #tpu.memory_space<vmem_shared>>) dst(%arg12 : memref<128x64xf32, #tpu.memory_space<vmem>>)
      %add3A_94 = arith.constant 0 : i32
      %add3A_95 = arith.addi %add3A_86, %add3A_94 : i32
      "tpu.region"() ({
        %run_scoped3A = tpu.sem_alloc : memref<!tpu.dma_semaphore, #tpu.memory_space<semaphore_mem>>
        %dma_start3A_123 = arith.constant 0 : i32
        %dma_start3A_124 = tpu.memref_slice %arg11[%add3A_95, %dma_start3A_123] : memref<40x128xi32, #tpu.memory_space<vmem>> -> memref<1x128xi32, #tpu.memory_space<vmem>>
        %dma_start3A_125 = tpu.memref_squeeze %dma_start3A_124 : memref<1x128xi32, #tpu.memory_space<vmem>> -> memref<128xi32, #tpu.memory_space<vmem>>
        %dma_start3A_126 = arith.constant 0 : i32
        %dma_start3A_127 = arith.constant 0 : i32
        %dma_start3A_128 = tpu.memref_slice %arg9[%dma_start3A_126, %dma_start3A_127] : memref<10240x64xf32, #tpu.memory_space<vmem_shared>> -> memref<10240x64xf32, #tpu.memory_space<vmem_shared>>
        tpu.enqueue_indirect_dma source(%arg12 : memref<128x64xf32, #tpu.memory_space<vmem>>) target(%dma_start3A_128 : memref<10240x64xf32, #tpu.memory_space<vmem_shared>>) offsets(%dma_start3A_125 : memref<128xi32, #tpu.memory_space<vmem>>) semaphore(%run_scoped3A : memref<!tpu.dma_semaphore, #tpu.memory_space<semaphore_mem>>) {add = true}
        %dma_wait3A_129 = arith.constant 0 : i32
        %dma_wait3A_130 = tpu.memref_slice %arg11[%add3A_95, %dma_wait3A_129] : memref<40x128xi32, #tpu.memory_space<vmem>> -> memref<1x128xi32, #tpu.memory_space<vmem>>
        %dma_wait3A_131 = tpu.memref_squeeze %dma_wait3A_130 : memref<1x128xi32, #tpu.memory_space<vmem>> -> memref<128xi32, #tpu.memory_space<vmem>>
        %dma_wait3A_132 = arith.constant 0 : i32
        %dma_wait3A_133 = arith.constant 0 : i32
        %dma_wait3A_134 = tpu.memref_slice %arg9[%dma_wait3A_132, %dma_wait3A_133] : memref<10240x64xf32, #tpu.memory_space<vmem_shared>> -> memref<10240x64xf32, #tpu.memory_space<vmem_shared>>
        tpu.wait_indirect_dma semaphore(%run_scoped3A : memref<!tpu.dma_semaphore, #tpu.memory_space<semaphore_mem>>) src(%arg12 : memref<128x64xf32, #tpu.memory_space<vmem>>) dst(%dma_wait3A_134 : memref<10240x64xf32, #tpu.memory_space<vmem_shared>>)
        tpu.yield
      }) : () -> ()
      %add3A_96 = arith.constant 0 : i32
      %add3A_97 = arith.addi %add3A_86, %add3A_96 : i32
      %add3A_98 = arith.constant 2 : i32
      %add3A_99 = arith.addi %add3A_97, %add3A_98 : i32
      %lt3A = arith.constant 40 : i32
      %lt3A_100 = arith.cmpi slt, %add3A_99, %lt3A : i32
      %convert_element_type3A_101 = arith.extui %lt3A_100 : i1 to i32
      %cond3A_102 = arith.constant 0 : i32
      %cond3A_103 = arith.cmpi ne, %convert_element_type3A_101, %cond3A_102 : i32
      scf.if %cond3A_103 {
        %add3A_123 = arith.constant 0 : i32
        %add3A_124 = arith.addi %add3A_86, %add3A_123 : i32
        %add3A_125 = arith.constant 2 : i32
        %add3A_126 = arith.addi %add3A_124, %add3A_125 : i32
        %dma_start3A_127 = arith.constant 0 : i32
        %dma_start3A_128 = tpu.memref_slice %arg10[%add3A_126, %dma_start3A_127] : memref<40x128xi32, #tpu.memory_space<vmem>> -> memref<1x128xi32, #tpu.memory_space<vmem>>
        %dma_start3A_129 = tpu.memref_squeeze %dma_start3A_128 : memref<1x128xi32, #tpu.memory_space<vmem>> -> memref<128xi32, #tpu.memory_space<vmem>>
        %dma_start3A_130 = arith.constant 0 : i32
        %dma_start3A_131 = arith.constant 0 : i32
        %dma_start3A_132 = tpu.memref_slice %arg8[%dma_start3A_130, %dma_start3A_131] : memref<10240x64xf32, #tpu.memory_space<vmem_shared>> -> memref<10240x64xf32, #tpu.memory_space<vmem_shared>>
        tpu.enqueue_indirect_dma source(%dma_start3A_132 : memref<10240x64xf32, #tpu.memory_space<vmem_shared>>) target(%arg12 : memref<128x64xf32, #tpu.memory_space<vmem>>) offsets(%dma_start3A_129 : memref<128xi32, #tpu.memory_space<vmem>>) semaphore(%arg14 : memref<!tpu.dma_semaphore, #tpu.memory_space<semaphore_mem>>)
      } else {
      }
      %add3A_104 = arith.constant 1 : i32
      %add3A_105 = arith.addi %add3A_86, %add3A_104 : i32
      %dma_wait3A_106 = arith.constant 0 : i32
      %dma_wait3A_107 = tpu.memref_slice %arg10[%add3A_105, %dma_wait3A_106] : memref<40x128xi32, #tpu.memory_space<vmem>> -> memref<1x128xi32, #tpu.memory_space<vmem>>
      %dma_wait3A_108 = tpu.memref_squeeze %dma_wait3A_107 : memref<1x128xi32, #tpu.memory_space<vmem>> -> memref<128xi32, #tpu.memory_space<vmem>>
      %dma_wait3A_109 = arith.constant 0 : i32
      %dma_wait3A_110 = arith.constant 0 : i32
      %dma_wait3A_111 = tpu.memref_slice %arg8[%dma_wait3A_109, %dma_wait3A_110] : memref<10240x64xf32, #tpu.memory_space<vmem_shared>> -> memref<10240x64xf32, #tpu.memory_space<vmem_shared>>
      tpu.wait_indirect_dma semaphore(%arg15 : memref<!tpu.dma_semaphore, #tpu.memory_space<semaphore_mem>>) src(%dma_wait3A_111 : memref<10240x64xf32, #tpu.memory_space<vmem_shared>>) dst(%arg13 : memref<128x64xf32, #tpu.memory_space<vmem>>)
      %add3A_112 = arith.constant 1 : i32
      %add3A_113 = arith.addi %add3A_86, %add3A_112 : i32
      "tpu.region"() ({
        %run_scoped3A = tpu.sem_alloc : memref<!tpu.dma_semaphore, #tpu.memory_space<semaphore_mem>>
        %dma_start3A_123 = arith.constant 0 : i32
        %dma_start3A_124 = tpu.memref_slice %arg11[%add3A_113, %dma_start3A_123] : memref<40x128xi32, #tpu.memory_space<vmem>> -> memref<1x128xi32, #tpu.memory_space<vmem>>
        %dma_start3A_125 = tpu.memref_squeeze %dma_start3A_124 : memref<1x128xi32, #tpu.memory_space<vmem>> -> memref<128xi32, #tpu.memory_space<vmem>>
        %dma_start3A_126 = arith.constant 0 : i32
        %dma_start3A_127 = arith.constant 0 : i32
        %dma_start3A_128 = tpu.memref_slice %arg9[%dma_start3A_126, %dma_start3A_127] : memref<10240x64xf32, #tpu.memory_space<vmem_shared>> -> memref<10240x64xf32, #tpu.memory_space<vmem_shared>>
        tpu.enqueue_indirect_dma source(%arg13 : memref<128x64xf32, #tpu.memory_space<vmem>>) target(%dma_start3A_128 : memref<10240x64xf32, #tpu.memory_space<vmem_shared>>) offsets(%dma_start3A_125 : memref<128xi32, #tpu.memory_space<vmem>>) semaphore(%run_scoped3A : memref<!tpu.dma_semaphore, #tpu.memory_space<semaphore_mem>>) {add = true}
        %dma_wait3A_129 = arith.constant 0 : i32
        %dma_wait3A_130 = tpu.memref_slice %arg11[%add3A_113, %dma_wait3A_129] : memref<40x128xi32, #tpu.memory_space<vmem>> -> memref<1x128xi32, #tpu.memory_space<vmem>>
        %dma_wait3A_131 = tpu.memref_squeeze %dma_wait3A_130 : memref<1x128xi32, #tpu.memory_space<vmem>> -> memref<128xi32, #tpu.memory_space<vmem>>
        %dma_wait3A_132 = arith.constant 0 : i32
        %dma_wait3A_133 = arith.constant 0 : i32
        %dma_wait3A_134 = tpu.memref_slice %arg9[%dma_wait3A_132, %dma_wait3A_133] : memref<10240x64xf32, #tpu.memory_space<vmem_shared>> -> memref<10240x64xf32, #tpu.memory_space<vmem_shared>>
        tpu.wait_indirect_dma semaphore(%run_scoped3A : memref<!tpu.dma_semaphore, #tpu.memory_space<semaphore_mem>>) src(%arg13 : memref<128x64xf32, #tpu.memory_space<vmem>>) dst(%dma_wait3A_134 : memref<10240x64xf32, #tpu.memory_space<vmem_shared>>)
        tpu.yield
      }) : () -> ()
      %add3A_114 = arith.constant 1 : i32
      %add3A_115 = arith.addi %add3A_86, %add3A_114 : i32
      %add3A_116 = arith.constant 2 : i32
      %add3A_117 = arith.addi %add3A_115, %add3A_116 : i32
      %lt3A_118 = arith.constant 40 : i32
      %lt3A_119 = arith.cmpi slt, %add3A_117, %lt3A_118 : i32
      %convert_element_type3A_120 = arith.extui %lt3A_119 : i1 to i32
      %cond3A_121 = arith.constant 0 : i32
      %cond3A_122 = arith.cmpi ne, %convert_element_type3A_120, %cond3A_121 : i32
      scf.if %cond3A_122 {
        %add3A_123 = arith.constant 1 : i32
        %add3A_124 = arith.addi %add3A_86, %add3A_123 : i32
        %add3A_125 = arith.constant 2 : i32
        %add3A_126 = arith.addi %add3A_124, %add3A_125 : i32
        %dma_start3A_127 = arith.constant 0 : i32
        %dma_start3A_128 = tpu.memref_slice %arg10[%add3A_126, %dma_start3A_127] : memref<40x128xi32, #tpu.memory_space<vmem>> -> memref<1x128xi32, #tpu.memory_space<vmem>>
        %dma_start3A_129 = tpu.memref_squeeze %dma_start3A_128 : memref<1x128xi32, #tpu.memory_space<vmem>> -> memref<128xi32, #tpu.memory_space<vmem>>
        %dma_start3A_130 = arith.constant 0 : i32
        %dma_start3A_131 = arith.constant 0 : i32
        %dma_start3A_132 = tpu.memref_slice %arg8[%dma_start3A_130, %dma_start3A_131] : memref<10240x64xf32, #tpu.memory_space<vmem_shared>> -> memref<10240x64xf32, #tpu.memory_space<vmem_shared>>
        tpu.enqueue_indirect_dma source(%dma_start3A_132 : memref<10240x64xf32, #tpu.memory_space<vmem_shared>>) target(%arg13 : memref<128x64xf32, #tpu.memory_space<vmem>>) offsets(%dma_start3A_129 : memref<128xi32, #tpu.memory_space<vmem>>) semaphore(%arg15 : memref<!tpu.dma_semaphore, #tpu.memory_space<semaphore_mem>>)
      } else {
      }
    }
    %scan3A_74 = arith.constant 20 : i32
    %barrier3A_75 = arith.constant 0 : index
    tpu.barrier barrier_id(%barrier3A_75)
    %eq3A = arith.constant 0 : i32
    %eq3A_76 = arith.cmpi eq, %arg0, %eq3A : i32
    %convert_element_type3A = arith.extui %eq3A_76 : i1 to i32
    %cond3A = arith.constant 0 : i32
    %cond3A_77 = arith.cmpi ne, %convert_element_type3A, %cond3A : i32
    scf.if %cond3A_77 {
      "tpu.region"() ({
        %run_scoped3A = tpu.sem_alloc : memref<!tpu.dma_semaphore, #tpu.memory_space<semaphore_mem>>
        %dma_start3A_83 = arith.constant 0 : i32
        %dma_start3A_84 = tpu.memref_slice %arg6[%mul3A_0, %dma_start3A_83] : memref<10240x64xf32, #tpu.memory_space<hbm>> -> memref<640x64xf32, #tpu.memory_space<hbm>>
        %dma_start3A_85 = arith.constant 0 : i32
        %dma_start3A_86 = tpu.memref_slice %arg9[%mul3A_0, %dma_start3A_85] : memref<10240x64xf32, #tpu.memory_space<vmem_shared>> -> memref<640x64xf32, #tpu.memory_space<vmem_shared>>
        tpu.enqueue_dma source(%dma_start3A_86 : memref<640x64xf32, #tpu.memory_space<vmem_shared>>) target(%dma_start3A_84 : memref<640x64xf32, #tpu.memory_space<hbm>>) target_semaphore(%run_scoped3A : memref<!tpu.dma_semaphore, #tpu.memory_space<semaphore_mem>>)
        %dma_wait3A = arith.constant 0 : i32
        %dma_wait3A_87 = tpu.memref_slice %arg6[%mul3A_0, %dma_wait3A] : memref<10240x64xf32, #tpu.memory_space<hbm>> -> memref<640x64xf32, #tpu.memory_space<hbm>>
        %dma_wait3A_88 = arith.constant 0 : i32
        %dma_wait3A_89 = tpu.memref_slice %arg9[%mul3A_0, %dma_wait3A_88] : memref<10240x64xf32, #tpu.memory_space<vmem_shared>> -> memref<640x64xf32, #tpu.memory_space<vmem_shared>>
        tpu.wait_dma2 semaphore(%run_scoped3A : memref<!tpu.dma_semaphore, #tpu.memory_space<semaphore_mem>>) src(%dma_wait3A_89 : memref<640x64xf32, #tpu.memory_space<vmem_shared>>) dst(%dma_wait3A_87 : memref<640x64xf32, #tpu.memory_space<hbm>>)
        tpu.yield
      }) : () -> ()
    } else {
    }
    %eq3A_78 = arith.constant 1 : i32
    %eq3A_79 = arith.cmpi eq, %arg0, %eq3A_78 : i32
    %convert_element_type3A_80 = arith.extui %eq3A_79 : i1 to i32
    %cond3A_81 = arith.constant 0 : i32
    %cond3A_82 = arith.cmpi ne, %convert_element_type3A_80, %cond3A_81 : i32
    scf.if %cond3A_82 {
      "tpu.region"() ({
        %run_scoped3A = tpu.sem_alloc : memref<!tpu.dma_semaphore, #tpu.memory_space<semaphore_mem>>
        %dma_start3A_83 = arith.constant 0 : i32
        %dma_start3A_84 = tpu.memref_slice %arg7[%mul3A_0, %dma_start3A_83] : memref<10240x64xf32, #tpu.memory_space<hbm>> -> memref<640x64xf32, #tpu.memory_space<hbm>>
        %dma_start3A_85 = arith.constant 0 : i32
        %dma_start3A_86 = tpu.memref_slice %arg9[%mul3A_0, %dma_start3A_85] : memref<10240x64xf32, #tpu.memory_space<vmem_shared>> -> memref<640x64xf32, #tpu.memory_space<vmem_shared>>
        tpu.enqueue_dma source(%dma_start3A_86 : memref<640x64xf32, #tpu.memory_space<vmem_shared>>) target(%dma_start3A_84 : memref<640x64xf32, #tpu.memory_space<hbm>>) target_semaphore(%run_scoped3A : memref<!tpu.dma_semaphore, #tpu.memory_space<semaphore_mem>>)
        %dma_wait3A = arith.constant 0 : i32
        %dma_wait3A_87 = tpu.memref_slice %arg7[%mul3A_0, %dma_wait3A] : memref<10240x64xf32, #tpu.memory_space<hbm>> -> memref<640x64xf32, #tpu.memory_space<hbm>>
        %dma_wait3A_88 = arith.constant 0 : i32
        %dma_wait3A_89 = tpu.memref_slice %arg9[%mul3A_0, %dma_wait3A_88] : memref<10240x64xf32, #tpu.memory_space<vmem_shared>> -> memref<640x64xf32, #tpu.memory_space<vmem_shared>>
        tpu.wait_dma2 semaphore(%run_scoped3A : memref<!tpu.dma_semaphore, #tpu.memory_space<semaphore_mem>>) src(%dma_wait3A_89 : memref<640x64xf32, #tpu.memory_space<vmem_shared>>) dst(%dma_wait3A_87 : memref<640x64xf32, #tpu.memory_space<hbm>>)
        tpu.yield
      }) : () -> ()
    } else {
    }
    return
  }
}

#map = affine_map<(d0, d1) -> (0, 0, 0)>
#map1 = affine_map<(d0, d1) -> (0, 0)>
module attributes {stable_mosaic.version = 14 : i64} {
  func.func @_agg_body(%arg0: i32, %arg1: i32, %arg2: memref<2x10240x64xf32, #tpu.memory_space<hbm>>, %arg3: memref<16x160x128xi32, #tpu.memory_space<hbm>>, %arg4: memref<16x160x128xi32, #tpu.memory_space<hbm>>, %arg5: memref<640x64xf32, #tpu.memory_space<hbm>>, %arg6: memref<10240x64xf32, #tpu.memory_space<hbm>>, %arg7: memref<10240x64xf32, #tpu.memory_space<hbm>>, %arg8: memref<10240x64xf32, #tpu.memory_space<vmem_shared>>, %arg9: memref<10240x64xf32, #tpu.memory_space<vmem_shared>>, %arg10: memref<40x128xi32, #tpu.memory_space<vmem>>, %arg11: memref<40x128xi32, #tpu.memory_space<vmem>>, %arg12: memref<128x64xf32, #tpu.memory_space<vmem>>, %arg13: memref<128x64xf32, #tpu.memory_space<vmem>>, %arg14: memref<!tpu.dma_semaphore, #tpu.memory_space<semaphore_mem>>, %arg15: memref<!tpu.dma_semaphore, #tpu.memory_space<semaphore_mem>>) attributes {dimension_semantics = [#tpu.dimension_semantics<core_parallel>, #tpu.dimension_semantics<subcore_parallel>], iteration_bounds = array<i64: 2, 16>, scalar_prefetch = 0 : i64, scratch_operands = 8 : i64, tpu.core_type = #tpu.core_type<sc_vector_subcore>, window_params = [{transform_indices = #map}, {transform_indices = #map}, {transform_indices = #map}, {transform_indices = #map1}, {transform_indices = #map1}, {transform_indices = #map1}]} {
    %mul3A = arith.constant 640 : i32
    %mul3A_0 = arith.muli %arg1, %mul3A : i32
    "tpu.region"() ({
      %run_scoped3A = tpu.sem_alloc : memref<!tpu.dma_semaphore, #tpu.memory_space<semaphore_mem>>
      %dma_start3A_83 = arith.constant 0 : i32
      %dma_start3A_84 = tpu.memref_slice %arg8[%mul3A_0, %dma_start3A_83] : memref<10240x64xf32, #tpu.memory_space<vmem_shared>> -> memref<640x64xf32, #tpu.memory_space<vmem_shared>>
      %dma_start3A_85 = arith.constant 0 : i32
      %dma_start3A_86 = tpu.memref_slice %arg2[%arg0, %mul3A_0, %dma_start3A_85] : memref<2x10240x64xf32, #tpu.memory_space<hbm>> -> memref<1x640x64xf32, #tpu.memory_space<hbm>>
      %dma_start3A_87 = tpu.memref_squeeze %dma_start3A_86 : memref<1x640x64xf32, #tpu.memory_space<hbm>> -> memref<640x64xf32, #tpu.memory_space<hbm>>
      tpu.enqueue_dma source(%dma_start3A_87 : memref<640x64xf32, #tpu.memory_space<hbm>>) target(%dma_start3A_84 : memref<640x64xf32, #tpu.memory_space<vmem_shared>>) target_semaphore(%run_scoped3A : memref<!tpu.dma_semaphore, #tpu.memory_space<semaphore_mem>>)
      %dma_wait3A = arith.constant 0 : i32
      %dma_wait3A_88 = tpu.memref_slice %arg8[%mul3A_0, %dma_wait3A] : memref<10240x64xf32, #tpu.memory_space<vmem_shared>> -> memref<640x64xf32, #tpu.memory_space<vmem_shared>>
      %dma_wait3A_89 = arith.constant 0 : i32
      %dma_wait3A_90 = tpu.memref_slice %arg2[%arg0, %mul3A_0, %dma_wait3A_89] : memref<2x10240x64xf32, #tpu.memory_space<hbm>> -> memref<1x640x64xf32, #tpu.memory_space<hbm>>
      %dma_wait3A_91 = tpu.memref_squeeze %dma_wait3A_90 : memref<1x640x64xf32, #tpu.memory_space<hbm>> -> memref<640x64xf32, #tpu.memory_space<hbm>>
      tpu.wait_dma2 semaphore(%run_scoped3A : memref<!tpu.dma_semaphore, #tpu.memory_space<semaphore_mem>>) src(%dma_wait3A_91 : memref<640x64xf32, #tpu.memory_space<hbm>>) dst(%dma_wait3A_88 : memref<640x64xf32, #tpu.memory_space<vmem_shared>>)
      tpu.yield
    }) : () -> ()
    "tpu.region"() ({
      %run_scoped3A = tpu.sem_alloc : memref<!tpu.dma_semaphore, #tpu.memory_space<semaphore_mem>>
      %dma_start3A_83 = arith.constant 0 : i32
      %dma_start3A_84 = tpu.memref_slice %arg9[%mul3A_0, %dma_start3A_83] : memref<10240x64xf32, #tpu.memory_space<vmem_shared>> -> memref<640x64xf32, #tpu.memory_space<vmem_shared>>
      tpu.enqueue_dma source(%arg5 : memref<640x64xf32, #tpu.memory_space<hbm>>) target(%dma_start3A_84 : memref<640x64xf32, #tpu.memory_space<vmem_shared>>) target_semaphore(%run_scoped3A : memref<!tpu.dma_semaphore, #tpu.memory_space<semaphore_mem>>)
      %dma_wait3A = arith.constant 0 : i32
      %dma_wait3A_85 = tpu.memref_slice %arg9[%mul3A_0, %dma_wait3A] : memref<10240x64xf32, #tpu.memory_space<vmem_shared>> -> memref<640x64xf32, #tpu.memory_space<vmem_shared>>
      tpu.wait_dma2 semaphore(%run_scoped3A : memref<!tpu.dma_semaphore, #tpu.memory_space<semaphore_mem>>) src(%arg5 : memref<640x64xf32, #tpu.memory_space<hbm>>) dst(%dma_wait3A_85 : memref<640x64xf32, #tpu.memory_space<vmem_shared>>)
      tpu.yield
    }) : () -> ()
    %barrier3A = arith.constant 0 : index
    tpu.barrier barrier_id(%barrier3A)
    "tpu.region"() ({
      %run_scoped3A = tpu.sem_alloc : memref<!tpu.dma_semaphore, #tpu.memory_space<semaphore_mem>>
      %dma_start3A_83 = arith.constant 0 : i32
      %dma_start3A_84 = arith.constant 0 : i32
      %dma_start3A_85 = tpu.memref_slice %arg3[%arg1, %dma_start3A_83, %dma_start3A_84] : memref<16x160x128xi32, #tpu.memory_space<hbm>> -> memref<1x40x128xi32, #tpu.memory_space<hbm>>
      %dma_start3A_86 = tpu.memref_squeeze %dma_start3A_85 : memref<1x40x128xi32, #tpu.memory_space<hbm>> -> memref<40x128xi32, #tpu.memory_space<hbm>>
      %dma_start3A_87 = arith.constant 0 : i32
      %dma_start3A_88 = arith.constant 0 : i32
      %dma_start3A_89 = tpu.memref_slice %arg3[%arg1, %dma_start3A_87, %dma_start3A_88] : memref<16x160x128xi32, #tpu.memory_space<hbm>> -> memref<1x40x128xi32, #tpu.memory_space<hbm>>
      %dma_start3A_90 = tpu.memref_squeeze %dma_start3A_89 : memref<1x40x128xi32, #tpu.memory_space<hbm>> -> memref<40x128xi32, #tpu.memory_space<hbm>>
      tpu.enqueue_dma source(%dma_start3A_90 : memref<40x128xi32, #tpu.memory_space<hbm>>) target(%arg10 : memref<40x128xi32, #tpu.memory_space<vmem>>) target_semaphore(%run_scoped3A : memref<!tpu.dma_semaphore, #tpu.memory_space<semaphore_mem>>)
      %dma_wait3A = arith.constant 0 : i32
      %dma_wait3A_91 = arith.constant 0 : i32
      %dma_wait3A_92 = tpu.memref_slice %arg3[%arg1, %dma_wait3A, %dma_wait3A_91] : memref<16x160x128xi32, #tpu.memory_space<hbm>> -> memref<1x40x128xi32, #tpu.memory_space<hbm>>
      %dma_wait3A_93 = tpu.memref_squeeze %dma_wait3A_92 : memref<1x40x128xi32, #tpu.memory_space<hbm>> -> memref<40x128xi32, #tpu.memory_space<hbm>>
      %dma_wait3A_94 = arith.constant 0 : i32
      %dma_wait3A_95 = arith.constant 0 : i32
      %dma_wait3A_96 = tpu.memref_slice %arg3[%arg1, %dma_wait3A_94, %dma_wait3A_95] : memref<16x160x128xi32, #tpu.memory_space<hbm>> -> memref<1x40x128xi32, #tpu.memory_space<hbm>>
      %dma_wait3A_97 = tpu.memref_squeeze %dma_wait3A_96 : memref<1x40x128xi32, #tpu.memory_space<hbm>> -> memref<40x128xi32, #tpu.memory_space<hbm>>
      tpu.wait_dma2 semaphore(%run_scoped3A : memref<!tpu.dma_semaphore, #tpu.memory_space<semaphore_mem>>) src(%dma_wait3A_97 : memref<40x128xi32, #tpu.memory_space<hbm>>) dst(%arg10 : memref<40x128xi32, #tpu.memory_space<vmem>>)
      tpu.yield
    }) : () -> ()
    "tpu.region"() ({
      %run_scoped3A = tpu.sem_alloc : memref<!tpu.dma_semaphore, #tpu.memory_space<semaphore_mem>>
      %dma_start3A_83 = arith.constant 0 : i32
      %dma_start3A_84 = arith.constant 0 : i32
      %dma_start3A_85 = tpu.memref_slice %arg4[%arg1, %dma_start3A_83, %dma_start3A_84] : memref<16x160x128xi32, #tpu.memory_space<hbm>> -> memref<1x40x128xi32, #tpu.memory_space<hbm>>
      %dma_start3A_86 = tpu.memref_squeeze %dma_start3A_85 : memref<1x40x128xi32, #tpu.memory_space<hbm>> -> memref<40x128xi32, #tpu.memory_space<hbm>>
      %dma_start3A_87 = arith.constant 0 : i32
      %dma_start3A_88 = arith.constant 0 : i32
      %dma_start3A_89 = tpu.memref_slice %arg4[%arg1, %dma_start3A_87, %dma_start3A_88] : memref<16x160x128xi32, #tpu.memory_space<hbm>> -> memref<1x40x128xi32, #tpu.memory_space<hbm>>
      %dma_start3A_90 = tpu.memref_squeeze %dma_start3A_89 : memref<1x40x128xi32, #tpu.memory_space<hbm>> -> memref<40x128xi32, #tpu.memory_space<hbm>>
      tpu.enqueue_dma source(%dma_start3A_90 : memref<40x128xi32, #tpu.memory_space<hbm>>) target(%arg11 : memref<40x128xi32, #tpu.memory_space<vmem>>) target_semaphore(%run_scoped3A : memref<!tpu.dma_semaphore, #tpu.memory_space<semaphore_mem>>)
      %dma_wait3A = arith.constant 0 : i32
      %dma_wait3A_91 = arith.constant 0 : i32
      %dma_wait3A_92 = tpu.memref_slice %arg4[%arg1, %dma_wait3A, %dma_wait3A_91] : memref<16x160x128xi32, #tpu.memory_space<hbm>> -> memref<1x40x128xi32, #tpu.memory_space<hbm>>
      %dma_wait3A_93 = tpu.memref_squeeze %dma_wait3A_92 : memref<1x40x128xi32, #tpu.memory_space<hbm>> -> memref<40x128xi32, #tpu.memory_space<hbm>>
      %dma_wait3A_94 = arith.constant 0 : i32
      %dma_wait3A_95 = arith.constant 0 : i32
      %dma_wait3A_96 = tpu.memref_slice %arg4[%arg1, %dma_wait3A_94, %dma_wait3A_95] : memref<16x160x128xi32, #tpu.memory_space<hbm>> -> memref<1x40x128xi32, #tpu.memory_space<hbm>>
      %dma_wait3A_97 = tpu.memref_squeeze %dma_wait3A_96 : memref<1x40x128xi32, #tpu.memory_space<hbm>> -> memref<40x128xi32, #tpu.memory_space<hbm>>
      tpu.wait_dma2 semaphore(%run_scoped3A : memref<!tpu.dma_semaphore, #tpu.memory_space<semaphore_mem>>) src(%dma_wait3A_97 : memref<40x128xi32, #tpu.memory_space<hbm>>) dst(%arg11 : memref<40x128xi32, #tpu.memory_space<vmem>>)
      tpu.yield
    }) : () -> ()
    %dma_start3A = arith.constant 0 : i32
    %dma_start3A_1 = arith.constant 0 : i32
    %dma_start3A_2 = tpu.memref_slice %arg10[%dma_start3A, %dma_start3A_1] : memref<40x128xi32, #tpu.memory_space<vmem>> -> memref<1x128xi32, #tpu.memory_space<vmem>>
    %dma_start3A_3 = tpu.memref_squeeze %dma_start3A_2 : memref<1x128xi32, #tpu.memory_space<vmem>> -> memref<128xi32, #tpu.memory_space<vmem>>
    %dma_start3A_4 = arith.constant 0 : i32
    %dma_start3A_5 = arith.constant 0 : i32
    %dma_start3A_6 = tpu.memref_slice %arg8[%dma_start3A_4, %dma_start3A_5] : memref<10240x64xf32, #tpu.memory_space<vmem_shared>> -> memref<10240x64xf32, #tpu.memory_space<vmem_shared>>
    tpu.enqueue_indirect_dma source(%dma_start3A_6 : memref<10240x64xf32, #tpu.memory_space<vmem_shared>>) target(%arg12 : memref<128x64xf32, #tpu.memory_space<vmem>>) offsets(%dma_start3A_3 : memref<128xi32, #tpu.memory_space<vmem>>) semaphore(%arg14 : memref<!tpu.dma_semaphore, #tpu.memory_space<semaphore_mem>>)
    %dma_start3A_7 = arith.constant 1 : i32
    %dma_start3A_8 = arith.constant 0 : i32
    %dma_start3A_9 = tpu.memref_slice %arg10[%dma_start3A_7, %dma_start3A_8] : memref<40x128xi32, #tpu.memory_space<vmem>> -> memref<1x128xi32, #tpu.memory_space<vmem>>
    %dma_start3A_10 = tpu.memref_squeeze %dma_start3A_9 : memref<1x128xi32, #tpu.memory_space<vmem>> -> memref<128xi32, #tpu.memory_space<vmem>>
    %dma_start3A_11 = arith.constant 0 : i32
    %dma_start3A_12 = arith.constant 0 : i32
    %dma_start3A_13 = tpu.memref_slice %arg8[%dma_start3A_11, %dma_start3A_12] : memref<10240x64xf32, #tpu.memory_space<vmem_shared>> -> memref<10240x64xf32, #tpu.memory_space<vmem_shared>>
    tpu.enqueue_indirect_dma source(%dma_start3A_13 : memref<10240x64xf32, #tpu.memory_space<vmem_shared>>) target(%arg13 : memref<128x64xf32, #tpu.memory_space<vmem>>) offsets(%dma_start3A_10 : memref<128xi32, #tpu.memory_space<vmem>>) semaphore(%arg15 : memref<!tpu.dma_semaphore, #tpu.memory_space<semaphore_mem>>)
    %scan3A = arith.constant 0 : i32
    %scan3A_14 = arith.constant 20 : i32
    %scan3A_15 = arith.addi %scan3A, %scan3A_14 : i32
    %scan3A_16 = arith.constant 1 : i32
    scf.for %scan3A_83 = %scan3A to %scan3A_15 step %scan3A_16  : i32 {
      %mul3A_84 = arith.constant 2 : i32
      %mul3A_85 = arith.muli %scan3A_83, %mul3A_84 : i32
      %add3A = arith.constant 0 : i32
      %add3A_86 = arith.addi %add3A, %mul3A_85 : i32
      %add3A_87 = arith.constant 0 : i32
      %add3A_88 = arith.addi %add3A_86, %add3A_87 : i32
      %dma_wait3A = arith.constant 0 : i32
      %dma_wait3A_89 = tpu.memref_slice %arg10[%add3A_88, %dma_wait3A] : memref<40x128xi32, #tpu.memory_space<vmem>> -> memref<1x128xi32, #tpu.memory_space<vmem>>
      %dma_wait3A_90 = tpu.memref_squeeze %dma_wait3A_89 : memref<1x128xi32, #tpu.memory_space<vmem>> -> memref<128xi32, #tpu.memory_space<vmem>>
      %dma_wait3A_91 = arith.constant 0 : i32
      %dma_wait3A_92 = arith.constant 0 : i32
      %dma_wait3A_93 = tpu.memref_slice %arg8[%dma_wait3A_91, %dma_wait3A_92] : memref<10240x64xf32, #tpu.memory_space<vmem_shared>> -> memref<10240x64xf32, #tpu.memory_space<vmem_shared>>
      tpu.wait_indirect_dma semaphore(%arg14 : memref<!tpu.dma_semaphore, #tpu.memory_space<semaphore_mem>>) src(%dma_wait3A_93 : memref<10240x64xf32, #tpu.memory_space<vmem_shared>>) dst(%arg12 : memref<128x64xf32, #tpu.memory_space<vmem>>)
      %add3A_94 = arith.constant 0 : i32
      %add3A_95 = arith.addi %add3A_86, %add3A_94 : i32
      "tpu.region"() ({
        %run_scoped3A = tpu.sem_alloc : memref<!tpu.dma_semaphore, #tpu.memory_space<semaphore_mem>>
        %dma_start3A_123 = arith.constant 0 : i32
        %dma_start3A_124 = tpu.memref_slice %arg11[%add3A_95, %dma_start3A_123] : memref<40x128xi32, #tpu.memory_space<vmem>> -> memref<1x128xi32, #tpu.memory_space<vmem>>
        %dma_start3A_125 = tpu.memref_squeeze %dma_start3A_124 : memref<1x128xi32, #tpu.memory_space<vmem>> -> memref<128xi32, #tpu.memory_space<vmem>>
        %dma_start3A_126 = arith.constant 0 : i32
        %dma_start3A_127 = arith.constant 0 : i32
        %dma_start3A_128 = tpu.memref_slice %arg9[%dma_start3A_126, %dma_start3A_127] : memref<10240x64xf32, #tpu.memory_space<vmem_shared>> -> memref<10240x64xf32, #tpu.memory_space<vmem_shared>>
        tpu.enqueue_indirect_dma source(%arg12 : memref<128x64xf32, #tpu.memory_space<vmem>>) target(%dma_start3A_128 : memref<10240x64xf32, #tpu.memory_space<vmem_shared>>) offsets(%dma_start3A_125 : memref<128xi32, #tpu.memory_space<vmem>>) semaphore(%run_scoped3A : memref<!tpu.dma_semaphore, #tpu.memory_space<semaphore_mem>>) {add = true}
        %dma_wait3A_129 = arith.constant 0 : i32
        %dma_wait3A_130 = tpu.memref_slice %arg11[%add3A_95, %dma_wait3A_129] : memref<40x128xi32, #tpu.memory_space<vmem>> -> memref<1x128xi32, #tpu.memory_space<vmem>>
        %dma_wait3A_131 = tpu.memref_squeeze %dma_wait3A_130 : memref<1x128xi32, #tpu.memory_space<vmem>> -> memref<128xi32, #tpu.memory_space<vmem>>
        %dma_wait3A_132 = arith.constant 0 : i32
        %dma_wait3A_133 = arith.constant 0 : i32
        %dma_wait3A_134 = tpu.memref_slice %arg9[%dma_wait3A_132, %dma_wait3A_133] : memref<10240x64xf32, #tpu.memory_space<vmem_shared>> -> memref<10240x64xf32, #tpu.memory_space<vmem_shared>>
        tpu.wait_indirect_dma semaphore(%run_scoped3A : memref<!tpu.dma_semaphore, #tpu.memory_space<semaphore_mem>>) src(%arg12 : memref<128x64xf32, #tpu.memory_space<vmem>>) dst(%dma_wait3A_134 : memref<10240x64xf32, #tpu.memory_space<vmem_shared>>)
        tpu.yield
      }) : () -> ()
      %add3A_96 = arith.constant 0 : i32
      %add3A_97 = arith.addi %add3A_86, %add3A_96 : i32
      %add3A_98 = arith.constant 2 : i32
      %add3A_99 = arith.addi %add3A_97, %add3A_98 : i32
      %lt3A = arith.constant 40 : i32
      %lt3A_100 = arith.cmpi slt, %add3A_99, %lt3A : i32
      %convert_element_type3A_101 = arith.extui %lt3A_100 : i1 to i32
      %cond3A_102 = arith.constant 0 : i32
      %cond3A_103 = arith.cmpi ne, %convert_element_type3A_101, %cond3A_102 : i32
      scf.if %cond3A_103 {
        %add3A_123 = arith.constant 0 : i32
        %add3A_124 = arith.addi %add3A_86, %add3A_123 : i32
        %add3A_125 = arith.constant 2 : i32
        %add3A_126 = arith.addi %add3A_124, %add3A_125 : i32
        %dma_start3A_127 = arith.constant 0 : i32
        %dma_start3A_128 = tpu.memref_slice %arg10[%add3A_126, %dma_start3A_127] : memref<40x128xi32, #tpu.memory_space<vmem>> -> memref<1x128xi32, #tpu.memory_space<vmem>>
        %dma_start3A_129 = tpu.memref_squeeze %dma_start3A_128 : memref<1x128xi32, #tpu.memory_space<vmem>> -> memref<128xi32, #tpu.memory_space<vmem>>
        %dma_start3A_130 = arith.constant 0 : i32
        %dma_start3A_131 = arith.constant 0 : i32
        %dma_start3A_132 = tpu.memref_slice %arg8[%dma_start3A_130, %dma_start3A_131] : memref<10240x64xf32, #tpu.memory_space<vmem_shared>> -> memref<10240x64xf32, #tpu.memory_space<vmem_shared>>
        tpu.enqueue_indirect_dma source(%dma_start3A_132 : memref<10240x64xf32, #tpu.memory_space<vmem_shared>>) target(%arg12 : memref<128x64xf32, #tpu.memory_space<vmem>>) offsets(%dma_start3A_129 : memref<128xi32, #tpu.memory_space<vmem>>) semaphore(%arg14 : memref<!tpu.dma_semaphore, #tpu.memory_space<semaphore_mem>>)
      } else {
      }
      %add3A_104 = arith.constant 1 : i32
      %add3A_105 = arith.addi %add3A_86, %add3A_104 : i32
      %dma_wait3A_106 = arith.constant 0 : i32
      %dma_wait3A_107 = tpu.memref_slice %arg10[%add3A_105, %dma_wait3A_106] : memref<40x128xi32, #tpu.memory_space<vmem>> -> memref<1x128xi32, #tpu.memory_space<vmem>>
      %dma_wait3A_108 = tpu.memref_squeeze %dma_wait3A_107 : memref<1x128xi32, #tpu.memory_space<vmem>> -> memref<128xi32, #tpu.memory_space<vmem>>
      %dma_wait3A_109 = arith.constant 0 : i32
      %dma_wait3A_110 = arith.constant 0 : i32
      %dma_wait3A_111 = tpu.memref_slice %arg8[%dma_wait3A_109, %dma_wait3A_110] : memref<10240x64xf32, #tpu.memory_space<vmem_shared>> -> memref<10240x64xf32, #tpu.memory_space<vmem_shared>>
      tpu.wait_indirect_dma semaphore(%arg15 : memref<!tpu.dma_semaphore, #tpu.memory_space<semaphore_mem>>) src(%dma_wait3A_111 : memref<10240x64xf32, #tpu.memory_space<vmem_shared>>) dst(%arg13 : memref<128x64xf32, #tpu.memory_space<vmem>>)
      %add3A_112 = arith.constant 1 : i32
      %add3A_113 = arith.addi %add3A_86, %add3A_112 : i32
      "tpu.region"() ({
        %run_scoped3A = tpu.sem_alloc : memref<!tpu.dma_semaphore, #tpu.memory_space<semaphore_mem>>
        %dma_start3A_123 = arith.constant 0 : i32
        %dma_start3A_124 = tpu.memref_slice %arg11[%add3A_113, %dma_start3A_123] : memref<40x128xi32, #tpu.memory_space<vmem>> -> memref<1x128xi32, #tpu.memory_space<vmem>>
        %dma_start3A_125 = tpu.memref_squeeze %dma_start3A_124 : memref<1x128xi32, #tpu.memory_space<vmem>> -> memref<128xi32, #tpu.memory_space<vmem>>
        %dma_start3A_126 = arith.constant 0 : i32
        %dma_start3A_127 = arith.constant 0 : i32
        %dma_start3A_128 = tpu.memref_slice %arg9[%dma_start3A_126, %dma_start3A_127] : memref<10240x64xf32, #tpu.memory_space<vmem_shared>> -> memref<10240x64xf32, #tpu.memory_space<vmem_shared>>
        tpu.enqueue_indirect_dma source(%arg13 : memref<128x64xf32, #tpu.memory_space<vmem>>) target(%dma_start3A_128 : memref<10240x64xf32, #tpu.memory_space<vmem_shared>>) offsets(%dma_start3A_125 : memref<128xi32, #tpu.memory_space<vmem>>) semaphore(%run_scoped3A : memref<!tpu.dma_semaphore, #tpu.memory_space<semaphore_mem>>) {add = true}
        %dma_wait3A_129 = arith.constant 0 : i32
        %dma_wait3A_130 = tpu.memref_slice %arg11[%add3A_113, %dma_wait3A_129] : memref<40x128xi32, #tpu.memory_space<vmem>> -> memref<1x128xi32, #tpu.memory_space<vmem>>
        %dma_wait3A_131 = tpu.memref_squeeze %dma_wait3A_130 : memref<1x128xi32, #tpu.memory_space<vmem>> -> memref<128xi32, #tpu.memory_space<vmem>>
        %dma_wait3A_132 = arith.constant 0 : i32
        %dma_wait3A_133 = arith.constant 0 : i32
        %dma_wait3A_134 = tpu.memref_slice %arg9[%dma_wait3A_132, %dma_wait3A_133] : memref<10240x64xf32, #tpu.memory_space<vmem_shared>> -> memref<10240x64xf32, #tpu.memory_space<vmem_shared>>
        tpu.wait_indirect_dma semaphore(%run_scoped3A : memref<!tpu.dma_semaphore, #tpu.memory_space<semaphore_mem>>) src(%arg13 : memref<128x64xf32, #tpu.memory_space<vmem>>) dst(%dma_wait3A_134 : memref<10240x64xf32, #tpu.memory_space<vmem_shared>>)
        tpu.yield
      }) : () -> ()
      %add3A_114 = arith.constant 1 : i32
      %add3A_115 = arith.addi %add3A_86, %add3A_114 : i32
      %add3A_116 = arith.constant 2 : i32
      %add3A_117 = arith.addi %add3A_115, %add3A_116 : i32
      %lt3A_118 = arith.constant 40 : i32
      %lt3A_119 = arith.cmpi slt, %add3A_117, %lt3A_118 : i32
      %convert_element_type3A_120 = arith.extui %lt3A_119 : i1 to i32
      %cond3A_121 = arith.constant 0 : i32
      %cond3A_122 = arith.cmpi ne, %convert_element_type3A_120, %cond3A_121 : i32
      scf.if %cond3A_122 {
        %add3A_123 = arith.constant 1 : i32
        %add3A_124 = arith.addi %add3A_86, %add3A_123 : i32
        %add3A_125 = arith.constant 2 : i32
        %add3A_126 = arith.addi %add3A_124, %add3A_125 : i32
        %dma_start3A_127 = arith.constant 0 : i32
        %dma_start3A_128 = tpu.memref_slice %arg10[%add3A_126, %dma_start3A_127] : memref<40x128xi32, #tpu.memory_space<vmem>> -> memref<1x128xi32, #tpu.memory_space<vmem>>
        %dma_start3A_129 = tpu.memref_squeeze %dma_start3A_128 : memref<1x128xi32, #tpu.memory_space<vmem>> -> memref<128xi32, #tpu.memory_space<vmem>>
        %dma_start3A_130 = arith.constant 0 : i32
        %dma_start3A_131 = arith.constant 0 : i32
        %dma_start3A_132 = tpu.memref_slice %arg8[%dma_start3A_130, %dma_start3A_131] : memref<10240x64xf32, #tpu.memory_space<vmem_shared>> -> memref<10240x64xf32, #tpu.memory_space<vmem_shared>>
        tpu.enqueue_indirect_dma source(%dma_start3A_132 : memref<10240x64xf32, #tpu.memory_space<vmem_shared>>) target(%arg13 : memref<128x64xf32, #tpu.memory_space<vmem>>) offsets(%dma_start3A_129 : memref<128xi32, #tpu.memory_space<vmem>>) semaphore(%arg15 : memref<!tpu.dma_semaphore, #tpu.memory_space<semaphore_mem>>)
      } else {
      }
    }
    %scan3A_17 = arith.constant 20 : i32
    "tpu.region"() ({
      %run_scoped3A = tpu.sem_alloc : memref<!tpu.dma_semaphore, #tpu.memory_space<semaphore_mem>>
      %dma_start3A_83 = arith.constant 40 : i32
      %dma_start3A_84 = arith.constant 0 : i32
      %dma_start3A_85 = tpu.memref_slice %arg3[%arg1, %dma_start3A_83, %dma_start3A_84] : memref<16x160x128xi32, #tpu.memory_space<hbm>> -> memref<1x40x128xi32, #tpu.memory_space<hbm>>
      %dma_start3A_86 = tpu.memref_squeeze %dma_start3A_85 : memref<1x40x128xi32, #tpu.memory_space<hbm>> -> memref<40x128xi32, #tpu.memory_space<hbm>>
      %dma_start3A_87 = arith.constant 40 : i32
      %dma_start3A_88 = arith.constant 0 : i32
      %dma_start3A_89 = tpu.memref_slice %arg3[%arg1, %dma_start3A_87, %dma_start3A_88] : memref<16x160x128xi32, #tpu.memory_space<hbm>> -> memref<1x40x128xi32, #tpu.memory_space<hbm>>
      %dma_start3A_90 = tpu.memref_squeeze %dma_start3A_89 : memref<1x40x128xi32, #tpu.memory_space<hbm>> -> memref<40x128xi32, #tpu.memory_space<hbm>>
      tpu.enqueue_dma source(%dma_start3A_90 : memref<40x128xi32, #tpu.memory_space<hbm>>) target(%arg10 : memref<40x128xi32, #tpu.memory_space<vmem>>) target_semaphore(%run_scoped3A : memref<!tpu.dma_semaphore, #tpu.memory_space<semaphore_mem>>)
      %dma_wait3A = arith.constant 40 : i32
      %dma_wait3A_91 = arith.constant 0 : i32
      %dma_wait3A_92 = tpu.memref_slice %arg3[%arg1, %dma_wait3A, %dma_wait3A_91] : memref<16x160x128xi32, #tpu.memory_space<hbm>> -> memref<1x40x128xi32, #tpu.memory_space<hbm>>
      %dma_wait3A_93 = tpu.memref_squeeze %dma_wait3A_92 : memref<1x40x128xi32, #tpu.memory_space<hbm>> -> memref<40x128xi32, #tpu.memory_space<hbm>>
      %dma_wait3A_94 = arith.constant 40 : i32
      %dma_wait3A_95 = arith.constant 0 : i32
      %dma_wait3A_96 = tpu.memref_slice %arg3[%arg1, %dma_wait3A_94, %dma_wait3A_95] : memref<16x160x128xi32, #tpu.memory_space<hbm>> -> memref<1x40x128xi32, #tpu.memory_space<hbm>>
      %dma_wait3A_97 = tpu.memref_squeeze %dma_wait3A_96 : memref<1x40x128xi32, #tpu.memory_space<hbm>> -> memref<40x128xi32, #tpu.memory_space<hbm>>
      tpu.wait_dma2 semaphore(%run_scoped3A : memref<!tpu.dma_semaphore, #tpu.memory_space<semaphore_mem>>) src(%dma_wait3A_97 : memref<40x128xi32, #tpu.memory_space<hbm>>) dst(%arg10 : memref<40x128xi32, #tpu.memory_space<vmem>>)
      tpu.yield
    }) : () -> ()
    "tpu.region"() ({
      %run_scoped3A = tpu.sem_alloc : memref<!tpu.dma_semaphore, #tpu.memory_space<semaphore_mem>>
      %dma_start3A_83 = arith.constant 40 : i32
      %dma_start3A_84 = arith.constant 0 : i32
      %dma_start3A_85 = tpu.memref_slice %arg4[%arg1, %dma_start3A_83, %dma_start3A_84] : memref<16x160x128xi32, #tpu.memory_space<hbm>> -> memref<1x40x128xi32, #tpu.memory_space<hbm>>
      %dma_start3A_86 = tpu.memref_squeeze %dma_start3A_85 : memref<1x40x128xi32, #tpu.memory_space<hbm>> -> memref<40x128xi32, #tpu.memory_space<hbm>>
      %dma_start3A_87 = arith.constant 40 : i32
      %dma_start3A_88 = arith.constant 0 : i32
      %dma_start3A_89 = tpu.memref_slice %arg4[%arg1, %dma_start3A_87, %dma_start3A_88] : memref<16x160x128xi32, #tpu.memory_space<hbm>> -> memref<1x40x128xi32, #tpu.memory_space<hbm>>
      %dma_start3A_90 = tpu.memref_squeeze %dma_start3A_89 : memref<1x40x128xi32, #tpu.memory_space<hbm>> -> memref<40x128xi32, #tpu.memory_space<hbm>>
      tpu.enqueue_dma source(%dma_start3A_90 : memref<40x128xi32, #tpu.memory_space<hbm>>) target(%arg11 : memref<40x128xi32, #tpu.memory_space<vmem>>) target_semaphore(%run_scoped3A : memref<!tpu.dma_semaphore, #tpu.memory_space<semaphore_mem>>)
      %dma_wait3A = arith.constant 40 : i32
      %dma_wait3A_91 = arith.constant 0 : i32
      %dma_wait3A_92 = tpu.memref_slice %arg4[%arg1, %dma_wait3A, %dma_wait3A_91] : memref<16x160x128xi32, #tpu.memory_space<hbm>> -> memref<1x40x128xi32, #tpu.memory_space<hbm>>
      %dma_wait3A_93 = tpu.memref_squeeze %dma_wait3A_92 : memref<1x40x128xi32, #tpu.memory_space<hbm>> -> memref<40x128xi32, #tpu.memory_space<hbm>>
      %dma_wait3A_94 = arith.constant 40 : i32
      %dma_wait3A_95 = arith.constant 0 : i32
      %dma_wait3A_96 = tpu.memref_slice %arg4[%arg1, %dma_wait3A_94, %dma_wait3A_95] : memref<16x160x128xi32, #tpu.memory_space<hbm>> -> memref<1x40x128xi32, #tpu.memory_space<hbm>>
      %dma_wait3A_97 = tpu.memref_squeeze %dma_wait3A_96 : memref<1x40x128xi32, #tpu.memory_space<hbm>> -> memref<40x128xi32, #tpu.memory_space<hbm>>
      tpu.wait_dma2 semaphore(%run_scoped3A : memref<!tpu.dma_semaphore, #tpu.memory_space<semaphore_mem>>) src(%dma_wait3A_97 : memref<40x128xi32, #tpu.memory_space<hbm>>) dst(%arg11 : memref<40x128xi32, #tpu.memory_space<vmem>>)
      tpu.yield
    }) : () -> ()
    %dma_start3A_18 = arith.constant 0 : i32
    %dma_start3A_19 = arith.constant 0 : i32
    %dma_start3A_20 = tpu.memref_slice %arg10[%dma_start3A_18, %dma_start3A_19] : memref<40x128xi32, #tpu.memory_space<vmem>> -> memref<1x128xi32, #tpu.memory_space<vmem>>
    %dma_start3A_21 = tpu.memref_squeeze %dma_start3A_20 : memref<1x128xi32, #tpu.memory_space<vmem>> -> memref<128xi32, #tpu.memory_space<vmem>>
    %dma_start3A_22 = arith.constant 0 : i32
    %dma_start3A_23 = arith.constant 0 : i32
    %dma_start3A_24 = tpu.memref_slice %arg8[%dma_start3A_22, %dma_start3A_23] : memref<10240x64xf32, #tpu.memory_space<vmem_shared>> -> memref<10240x64xf32, #tpu.memory_space<vmem_shared>>
    tpu.enqueue_indirect_dma source(%dma_start3A_24 : memref<10240x64xf32, #tpu.memory_space<vmem_shared>>) target(%arg12 : memref<128x64xf32, #tpu.memory_space<vmem>>) offsets(%dma_start3A_21 : memref<128xi32, #tpu.memory_space<vmem>>) semaphore(%arg14 : memref<!tpu.dma_semaphore, #tpu.memory_space<semaphore_mem>>)
    %dma_start3A_25 = arith.constant 1 : i32
    %dma_start3A_26 = arith.constant 0 : i32
    %dma_start3A_27 = tpu.memref_slice %arg10[%dma_start3A_25, %dma_start3A_26] : memref<40x128xi32, #tpu.memory_space<vmem>> -> memref<1x128xi32, #tpu.memory_space<vmem>>
    %dma_start3A_28 = tpu.memref_squeeze %dma_start3A_27 : memref<1x128xi32, #tpu.memory_space<vmem>> -> memref<128xi32, #tpu.memory_space<vmem>>
    %dma_start3A_29 = arith.constant 0 : i32
    %dma_start3A_30 = arith.constant 0 : i32
    %dma_start3A_31 = tpu.memref_slice %arg8[%dma_start3A_29, %dma_start3A_30] : memref<10240x64xf32, #tpu.memory_space<vmem_shared>> -> memref<10240x64xf32, #tpu.memory_space<vmem_shared>>
    tpu.enqueue_indirect_dma source(%dma_start3A_31 : memref<10240x64xf32, #tpu.memory_space<vmem_shared>>) target(%arg13 : memref<128x64xf32, #tpu.memory_space<vmem>>) offsets(%dma_start3A_28 : memref<128xi32, #tpu.memory_space<vmem>>) semaphore(%arg15 : memref<!tpu.dma_semaphore, #tpu.memory_space<semaphore_mem>>)
    %scan3A_32 = arith.constant 0 : i32
    %scan3A_33 = arith.constant 20 : i32
    %scan3A_34 = arith.addi %scan3A_32, %scan3A_33 : i32
    %scan3A_35 = arith.constant 1 : i32
    scf.for %scan3A_83 = %scan3A_32 to %scan3A_34 step %scan3A_35  : i32 {
      %mul3A_84 = arith.constant 2 : i32
      %mul3A_85 = arith.muli %scan3A_83, %mul3A_84 : i32
      %add3A = arith.constant 0 : i32
      %add3A_86 = arith.addi %add3A, %mul3A_85 : i32
      %add3A_87 = arith.constant 0 : i32
      %add3A_88 = arith.addi %add3A_86, %add3A_87 : i32
      %dma_wait3A = arith.constant 0 : i32
      %dma_wait3A_89 = tpu.memref_slice %arg10[%add3A_88, %dma_wait3A] : memref<40x128xi32, #tpu.memory_space<vmem>> -> memref<1x128xi32, #tpu.memory_space<vmem>>
      %dma_wait3A_90 = tpu.memref_squeeze %dma_wait3A_89 : memref<1x128xi32, #tpu.memory_space<vmem>> -> memref<128xi32, #tpu.memory_space<vmem>>
      %dma_wait3A_91 = arith.constant 0 : i32
      %dma_wait3A_92 = arith.constant 0 : i32
      %dma_wait3A_93 = tpu.memref_slice %arg8[%dma_wait3A_91, %dma_wait3A_92] : memref<10240x64xf32, #tpu.memory_space<vmem_shared>> -> memref<10240x64xf32, #tpu.memory_space<vmem_shared>>
      tpu.wait_indirect_dma semaphore(%arg14 : memref<!tpu.dma_semaphore, #tpu.memory_space<semaphore_mem>>) src(%dma_wait3A_93 : memref<10240x64xf32, #tpu.memory_space<vmem_shared>>) dst(%arg12 : memref<128x64xf32, #tpu.memory_space<vmem>>)
      %add3A_94 = arith.constant 0 : i32
      %add3A_95 = arith.addi %add3A_86, %add3A_94 : i32
      "tpu.region"() ({
        %run_scoped3A = tpu.sem_alloc : memref<!tpu.dma_semaphore, #tpu.memory_space<semaphore_mem>>
        %dma_start3A_123 = arith.constant 0 : i32
        %dma_start3A_124 = tpu.memref_slice %arg11[%add3A_95, %dma_start3A_123] : memref<40x128xi32, #tpu.memory_space<vmem>> -> memref<1x128xi32, #tpu.memory_space<vmem>>
        %dma_start3A_125 = tpu.memref_squeeze %dma_start3A_124 : memref<1x128xi32, #tpu.memory_space<vmem>> -> memref<128xi32, #tpu.memory_space<vmem>>
        %dma_start3A_126 = arith.constant 0 : i32
        %dma_start3A_127 = arith.constant 0 : i32
        %dma_start3A_128 = tpu.memref_slice %arg9[%dma_start3A_126, %dma_start3A_127] : memref<10240x64xf32, #tpu.memory_space<vmem_shared>> -> memref<10240x64xf32, #tpu.memory_space<vmem_shared>>
        tpu.enqueue_indirect_dma source(%arg12 : memref<128x64xf32, #tpu.memory_space<vmem>>) target(%dma_start3A_128 : memref<10240x64xf32, #tpu.memory_space<vmem_shared>>) offsets(%dma_start3A_125 : memref<128xi32, #tpu.memory_space<vmem>>) semaphore(%run_scoped3A : memref<!tpu.dma_semaphore, #tpu.memory_space<semaphore_mem>>) {add = true}
        %dma_wait3A_129 = arith.constant 0 : i32
        %dma_wait3A_130 = tpu.memref_slice %arg11[%add3A_95, %dma_wait3A_129] : memref<40x128xi32, #tpu.memory_space<vmem>> -> memref<1x128xi32, #tpu.memory_space<vmem>>
        %dma_wait3A_131 = tpu.memref_squeeze %dma_wait3A_130 : memref<1x128xi32, #tpu.memory_space<vmem>> -> memref<128xi32, #tpu.memory_space<vmem>>
        %dma_wait3A_132 = arith.constant 0 : i32
        %dma_wait3A_133 = arith.constant 0 : i32
        %dma_wait3A_134 = tpu.memref_slice %arg9[%dma_wait3A_132, %dma_wait3A_133] : memref<10240x64xf32, #tpu.memory_space<vmem_shared>> -> memref<10240x64xf32, #tpu.memory_space<vmem_shared>>
        tpu.wait_indirect_dma semaphore(%run_scoped3A : memref<!tpu.dma_semaphore, #tpu.memory_space<semaphore_mem>>) src(%arg12 : memref<128x64xf32, #tpu.memory_space<vmem>>) dst(%dma_wait3A_134 : memref<10240x64xf32, #tpu.memory_space<vmem_shared>>)
        tpu.yield
      }) : () -> ()
      %add3A_96 = arith.constant 0 : i32
      %add3A_97 = arith.addi %add3A_86, %add3A_96 : i32
      %add3A_98 = arith.constant 2 : i32
      %add3A_99 = arith.addi %add3A_97, %add3A_98 : i32
      %lt3A = arith.constant 40 : i32
      %lt3A_100 = arith.cmpi slt, %add3A_99, %lt3A : i32
      %convert_element_type3A_101 = arith.extui %lt3A_100 : i1 to i32
      %cond3A_102 = arith.constant 0 : i32
      %cond3A_103 = arith.cmpi ne, %convert_element_type3A_101, %cond3A_102 : i32
      scf.if %cond3A_103 {
        %add3A_123 = arith.constant 0 : i32
        %add3A_124 = arith.addi %add3A_86, %add3A_123 : i32
        %add3A_125 = arith.constant 2 : i32
        %add3A_126 = arith.addi %add3A_124, %add3A_125 : i32
        %dma_start3A_127 = arith.constant 0 : i32
        %dma_start3A_128 = tpu.memref_slice %arg10[%add3A_126, %dma_start3A_127] : memref<40x128xi32, #tpu.memory_space<vmem>> -> memref<1x128xi32, #tpu.memory_space<vmem>>
        %dma_start3A_129 = tpu.memref_squeeze %dma_start3A_128 : memref<1x128xi32, #tpu.memory_space<vmem>> -> memref<128xi32, #tpu.memory_space<vmem>>
        %dma_start3A_130 = arith.constant 0 : i32
        %dma_start3A_131 = arith.constant 0 : i32
        %dma_start3A_132 = tpu.memref_slice %arg8[%dma_start3A_130, %dma_start3A_131] : memref<10240x64xf32, #tpu.memory_space<vmem_shared>> -> memref<10240x64xf32, #tpu.memory_space<vmem_shared>>
        tpu.enqueue_indirect_dma source(%dma_start3A_132 : memref<10240x64xf32, #tpu.memory_space<vmem_shared>>) target(%arg12 : memref<128x64xf32, #tpu.memory_space<vmem>>) offsets(%dma_start3A_129 : memref<128xi32, #tpu.memory_space<vmem>>) semaphore(%arg14 : memref<!tpu.dma_semaphore, #tpu.memory_space<semaphore_mem>>)
      } else {
      }
      %add3A_104 = arith.constant 1 : i32
      %add3A_105 = arith.addi %add3A_86, %add3A_104 : i32
      %dma_wait3A_106 = arith.constant 0 : i32
      %dma_wait3A_107 = tpu.memref_slice %arg10[%add3A_105, %dma_wait3A_106] : memref<40x128xi32, #tpu.memory_space<vmem>> -> memref<1x128xi32, #tpu.memory_space<vmem>>
      %dma_wait3A_108 = tpu.memref_squeeze %dma_wait3A_107 : memref<1x128xi32, #tpu.memory_space<vmem>> -> memref<128xi32, #tpu.memory_space<vmem>>
      %dma_wait3A_109 = arith.constant 0 : i32
      %dma_wait3A_110 = arith.constant 0 : i32
      %dma_wait3A_111 = tpu.memref_slice %arg8[%dma_wait3A_109, %dma_wait3A_110] : memref<10240x64xf32, #tpu.memory_space<vmem_shared>> -> memref<10240x64xf32, #tpu.memory_space<vmem_shared>>
      tpu.wait_indirect_dma semaphore(%arg15 : memref<!tpu.dma_semaphore, #tpu.memory_space<semaphore_mem>>) src(%dma_wait3A_111 : memref<10240x64xf32, #tpu.memory_space<vmem_shared>>) dst(%arg13 : memref<128x64xf32, #tpu.memory_space<vmem>>)
      %add3A_112 = arith.constant 1 : i32
      %add3A_113 = arith.addi %add3A_86, %add3A_112 : i32
      "tpu.region"() ({
        %run_scoped3A = tpu.sem_alloc : memref<!tpu.dma_semaphore, #tpu.memory_space<semaphore_mem>>
        %dma_start3A_123 = arith.constant 0 : i32
        %dma_start3A_124 = tpu.memref_slice %arg11[%add3A_113, %dma_start3A_123] : memref<40x128xi32, #tpu.memory_space<vmem>> -> memref<1x128xi32, #tpu.memory_space<vmem>>
        %dma_start3A_125 = tpu.memref_squeeze %dma_start3A_124 : memref<1x128xi32, #tpu.memory_space<vmem>> -> memref<128xi32, #tpu.memory_space<vmem>>
        %dma_start3A_126 = arith.constant 0 : i32
        %dma_start3A_127 = arith.constant 0 : i32
        %dma_start3A_128 = tpu.memref_slice %arg9[%dma_start3A_126, %dma_start3A_127] : memref<10240x64xf32, #tpu.memory_space<vmem_shared>> -> memref<10240x64xf32, #tpu.memory_space<vmem_shared>>
        tpu.enqueue_indirect_dma source(%arg13 : memref<128x64xf32, #tpu.memory_space<vmem>>) target(%dma_start3A_128 : memref<10240x64xf32, #tpu.memory_space<vmem_shared>>) offsets(%dma_start3A_125 : memref<128xi32, #tpu.memory_space<vmem>>) semaphore(%run_scoped3A : memref<!tpu.dma_semaphore, #tpu.memory_space<semaphore_mem>>) {add = true}
        %dma_wait3A_129 = arith.constant 0 : i32
        %dma_wait3A_130 = tpu.memref_slice %arg11[%add3A_113, %dma_wait3A_129] : memref<40x128xi32, #tpu.memory_space<vmem>> -> memref<1x128xi32, #tpu.memory_space<vmem>>
        %dma_wait3A_131 = tpu.memref_squeeze %dma_wait3A_130 : memref<1x128xi32, #tpu.memory_space<vmem>> -> memref<128xi32, #tpu.memory_space<vmem>>
        %dma_wait3A_132 = arith.constant 0 : i32
        %dma_wait3A_133 = arith.constant 0 : i32
        %dma_wait3A_134 = tpu.memref_slice %arg9[%dma_wait3A_132, %dma_wait3A_133] : memref<10240x64xf32, #tpu.memory_space<vmem_shared>> -> memref<10240x64xf32, #tpu.memory_space<vmem_shared>>
        tpu.wait_indirect_dma semaphore(%run_scoped3A : memref<!tpu.dma_semaphore, #tpu.memory_space<semaphore_mem>>) src(%arg13 : memref<128x64xf32, #tpu.memory_space<vmem>>) dst(%dma_wait3A_134 : memref<10240x64xf32, #tpu.memory_space<vmem_shared>>)
        tpu.yield
      }) : () -> ()
      %add3A_114 = arith.constant 1 : i32
      %add3A_115 = arith.addi %add3A_86, %add3A_114 : i32
      %add3A_116 = arith.constant 2 : i32
      %add3A_117 = arith.addi %add3A_115, %add3A_116 : i32
      %lt3A_118 = arith.constant 40 : i32
      %lt3A_119 = arith.cmpi slt, %add3A_117, %lt3A_118 : i32
      %convert_element_type3A_120 = arith.extui %lt3A_119 : i1 to i32
      %cond3A_121 = arith.constant 0 : i32
      %cond3A_122 = arith.cmpi ne, %convert_element_type3A_120, %cond3A_121 : i32
      scf.if %cond3A_122 {
        %add3A_123 = arith.constant 1 : i32
        %add3A_124 = arith.addi %add3A_86, %add3A_123 : i32
        %add3A_125 = arith.constant 2 : i32
        %add3A_126 = arith.addi %add3A_124, %add3A_125 : i32
        %dma_start3A_127 = arith.constant 0 : i32
        %dma_start3A_128 = tpu.memref_slice %arg10[%add3A_126, %dma_start3A_127] : memref<40x128xi32, #tpu.memory_space<vmem>> -> memref<1x128xi32, #tpu.memory_space<vmem>>
        %dma_start3A_129 = tpu.memref_squeeze %dma_start3A_128 : memref<1x128xi32, #tpu.memory_space<vmem>> -> memref<128xi32, #tpu.memory_space<vmem>>
        %dma_start3A_130 = arith.constant 0 : i32
        %dma_start3A_131 = arith.constant 0 : i32
        %dma_start3A_132 = tpu.memref_slice %arg8[%dma_start3A_130, %dma_start3A_131] : memref<10240x64xf32, #tpu.memory_space<vmem_shared>> -> memref<10240x64xf32, #tpu.memory_space<vmem_shared>>
        tpu.enqueue_indirect_dma source(%dma_start3A_132 : memref<10240x64xf32, #tpu.memory_space<vmem_shared>>) target(%arg13 : memref<128x64xf32, #tpu.memory_space<vmem>>) offsets(%dma_start3A_129 : memref<128xi32, #tpu.memory_space<vmem>>) semaphore(%arg15 : memref<!tpu.dma_semaphore, #tpu.memory_space<semaphore_mem>>)
      } else {
      }
    }
    %scan3A_36 = arith.constant 20 : i32
    "tpu.region"() ({
      %run_scoped3A = tpu.sem_alloc : memref<!tpu.dma_semaphore, #tpu.memory_space<semaphore_mem>>
      %dma_start3A_83 = arith.constant 80 : i32
      %dma_start3A_84 = arith.constant 0 : i32
      %dma_start3A_85 = tpu.memref_slice %arg3[%arg1, %dma_start3A_83, %dma_start3A_84] : memref<16x160x128xi32, #tpu.memory_space<hbm>> -> memref<1x40x128xi32, #tpu.memory_space<hbm>>
      %dma_start3A_86 = tpu.memref_squeeze %dma_start3A_85 : memref<1x40x128xi32, #tpu.memory_space<hbm>> -> memref<40x128xi32, #tpu.memory_space<hbm>>
      %dma_start3A_87 = arith.constant 80 : i32
      %dma_start3A_88 = arith.constant 0 : i32
      %dma_start3A_89 = tpu.memref_slice %arg3[%arg1, %dma_start3A_87, %dma_start3A_88] : memref<16x160x128xi32, #tpu.memory_space<hbm>> -> memref<1x40x128xi32, #tpu.memory_space<hbm>>
      %dma_start3A_90 = tpu.memref_squeeze %dma_start3A_89 : memref<1x40x128xi32, #tpu.memory_space<hbm>> -> memref<40x128xi32, #tpu.memory_space<hbm>>
      tpu.enqueue_dma source(%dma_start3A_90 : memref<40x128xi32, #tpu.memory_space<hbm>>) target(%arg10 : memref<40x128xi32, #tpu.memory_space<vmem>>) target_semaphore(%run_scoped3A : memref<!tpu.dma_semaphore, #tpu.memory_space<semaphore_mem>>)
      %dma_wait3A = arith.constant 80 : i32
      %dma_wait3A_91 = arith.constant 0 : i32
      %dma_wait3A_92 = tpu.memref_slice %arg3[%arg1, %dma_wait3A, %dma_wait3A_91] : memref<16x160x128xi32, #tpu.memory_space<hbm>> -> memref<1x40x128xi32, #tpu.memory_space<hbm>>
      %dma_wait3A_93 = tpu.memref_squeeze %dma_wait3A_92 : memref<1x40x128xi32, #tpu.memory_space<hbm>> -> memref<40x128xi32, #tpu.memory_space<hbm>>
      %dma_wait3A_94 = arith.constant 80 : i32
      %dma_wait3A_95 = arith.constant 0 : i32
      %dma_wait3A_96 = tpu.memref_slice %arg3[%arg1, %dma_wait3A_94, %dma_wait3A_95] : memref<16x160x128xi32, #tpu.memory_space<hbm>> -> memref<1x40x128xi32, #tpu.memory_space<hbm>>
      %dma_wait3A_97 = tpu.memref_squeeze %dma_wait3A_96 : memref<1x40x128xi32, #tpu.memory_space<hbm>> -> memref<40x128xi32, #tpu.memory_space<hbm>>
      tpu.wait_dma2 semaphore(%run_scoped3A : memref<!tpu.dma_semaphore, #tpu.memory_space<semaphore_mem>>) src(%dma_wait3A_97 : memref<40x128xi32, #tpu.memory_space<hbm>>) dst(%arg10 : memref<40x128xi32, #tpu.memory_space<vmem>>)
      tpu.yield
    }) : () -> ()
    "tpu.region"() ({
      %run_scoped3A = tpu.sem_alloc : memref<!tpu.dma_semaphore, #tpu.memory_space<semaphore_mem>>
      %dma_start3A_83 = arith.constant 80 : i32
      %dma_start3A_84 = arith.constant 0 : i32
      %dma_start3A_85 = tpu.memref_slice %arg4[%arg1, %dma_start3A_83, %dma_start3A_84] : memref<16x160x128xi32, #tpu.memory_space<hbm>> -> memref<1x40x128xi32, #tpu.memory_space<hbm>>
      %dma_start3A_86 = tpu.memref_squeeze %dma_start3A_85 : memref<1x40x128xi32, #tpu.memory_space<hbm>> -> memref<40x128xi32, #tpu.memory_space<hbm>>
      %dma_start3A_87 = arith.constant 80 : i32
      %dma_start3A_88 = arith.constant 0 : i32
      %dma_start3A_89 = tpu.memref_slice %arg4[%arg1, %dma_start3A_87, %dma_start3A_88] : memref<16x160x128xi32, #tpu.memory_space<hbm>> -> memref<1x40x128xi32, #tpu.memory_space<hbm>>
      %dma_start3A_90 = tpu.memref_squeeze %dma_start3A_89 : memref<1x40x128xi32, #tpu.memory_space<hbm>> -> memref<40x128xi32, #tpu.memory_space<hbm>>
      tpu.enqueue_dma source(%dma_start3A_90 : memref<40x128xi32, #tpu.memory_space<hbm>>) target(%arg11 : memref<40x128xi32, #tpu.memory_space<vmem>>) target_semaphore(%run_scoped3A : memref<!tpu.dma_semaphore, #tpu.memory_space<semaphore_mem>>)
      %dma_wait3A = arith.constant 80 : i32
      %dma_wait3A_91 = arith.constant 0 : i32
      %dma_wait3A_92 = tpu.memref_slice %arg4[%arg1, %dma_wait3A, %dma_wait3A_91] : memref<16x160x128xi32, #tpu.memory_space<hbm>> -> memref<1x40x128xi32, #tpu.memory_space<hbm>>
      %dma_wait3A_93 = tpu.memref_squeeze %dma_wait3A_92 : memref<1x40x128xi32, #tpu.memory_space<hbm>> -> memref<40x128xi32, #tpu.memory_space<hbm>>
      %dma_wait3A_94 = arith.constant 80 : i32
      %dma_wait3A_95 = arith.constant 0 : i32
      %dma_wait3A_96 = tpu.memref_slice %arg4[%arg1, %dma_wait3A_94, %dma_wait3A_95] : memref<16x160x128xi32, #tpu.memory_space<hbm>> -> memref<1x40x128xi32, #tpu.memory_space<hbm>>
      %dma_wait3A_97 = tpu.memref_squeeze %dma_wait3A_96 : memref<1x40x128xi32, #tpu.memory_space<hbm>> -> memref<40x128xi32, #tpu.memory_space<hbm>>
      tpu.wait_dma2 semaphore(%run_scoped3A : memref<!tpu.dma_semaphore, #tpu.memory_space<semaphore_mem>>) src(%dma_wait3A_97 : memref<40x128xi32, #tpu.memory_space<hbm>>) dst(%arg11 : memref<40x128xi32, #tpu.memory_space<vmem>>)
      tpu.yield
    }) : () -> ()
    %dma_start3A_37 = arith.constant 0 : i32
    %dma_start3A_38 = arith.constant 0 : i32
    %dma_start3A_39 = tpu.memref_slice %arg10[%dma_start3A_37, %dma_start3A_38] : memref<40x128xi32, #tpu.memory_space<vmem>> -> memref<1x128xi32, #tpu.memory_space<vmem>>
    %dma_start3A_40 = tpu.memref_squeeze %dma_start3A_39 : memref<1x128xi32, #tpu.memory_space<vmem>> -> memref<128xi32, #tpu.memory_space<vmem>>
    %dma_start3A_41 = arith.constant 0 : i32
    %dma_start3A_42 = arith.constant 0 : i32
    %dma_start3A_43 = tpu.memref_slice %arg8[%dma_start3A_41, %dma_start3A_42] : memref<10240x64xf32, #tpu.memory_space<vmem_shared>> -> memref<10240x64xf32, #tpu.memory_space<vmem_shared>>
    tpu.enqueue_indirect_dma source(%dma_start3A_43 : memref<10240x64xf32, #tpu.memory_space<vmem_shared>>) target(%arg12 : memref<128x64xf32, #tpu.memory_space<vmem>>) offsets(%dma_start3A_40 : memref<128xi32, #tpu.memory_space<vmem>>) semaphore(%arg14 : memref<!tpu.dma_semaphore, #tpu.memory_space<semaphore_mem>>)
    %dma_start3A_44 = arith.constant 1 : i32
    %dma_start3A_45 = arith.constant 0 : i32
    %dma_start3A_46 = tpu.memref_slice %arg10[%dma_start3A_44, %dma_start3A_45] : memref<40x128xi32, #tpu.memory_space<vmem>> -> memref<1x128xi32, #tpu.memory_space<vmem>>
    %dma_start3A_47 = tpu.memref_squeeze %dma_start3A_46 : memref<1x128xi32, #tpu.memory_space<vmem>> -> memref<128xi32, #tpu.memory_space<vmem>>
    %dma_start3A_48 = arith.constant 0 : i32
    %dma_start3A_49 = arith.constant 0 : i32
    %dma_start3A_50 = tpu.memref_slice %arg8[%dma_start3A_48, %dma_start3A_49] : memref<10240x64xf32, #tpu.memory_space<vmem_shared>> -> memref<10240x64xf32, #tpu.memory_space<vmem_shared>>
    tpu.enqueue_indirect_dma source(%dma_start3A_50 : memref<10240x64xf32, #tpu.memory_space<vmem_shared>>) target(%arg13 : memref<128x64xf32, #tpu.memory_space<vmem>>) offsets(%dma_start3A_47 : memref<128xi32, #tpu.memory_space<vmem>>) semaphore(%arg15 : memref<!tpu.dma_semaphore, #tpu.memory_space<semaphore_mem>>)
    %scan3A_51 = arith.constant 0 : i32
    %scan3A_52 = arith.constant 20 : i32
    %scan3A_53 = arith.addi %scan3A_51, %scan3A_52 : i32
    %scan3A_54 = arith.constant 1 : i32
    scf.for %scan3A_83 = %scan3A_51 to %scan3A_53 step %scan3A_54  : i32 {
      %mul3A_84 = arith.constant 2 : i32
      %mul3A_85 = arith.muli %scan3A_83, %mul3A_84 : i32
      %add3A = arith.constant 0 : i32
      %add3A_86 = arith.addi %add3A, %mul3A_85 : i32
      %add3A_87 = arith.constant 0 : i32
      %add3A_88 = arith.addi %add3A_86, %add3A_87 : i32
      %dma_wait3A = arith.constant 0 : i32
      %dma_wait3A_89 = tpu.memref_slice %arg10[%add3A_88, %dma_wait3A] : memref<40x128xi32, #tpu.memory_space<vmem>> -> memref<1x128xi32, #tpu.memory_space<vmem>>
      %dma_wait3A_90 = tpu.memref_squeeze %dma_wait3A_89 : memref<1x128xi32, #tpu.memory_space<vmem>> -> memref<128xi32, #tpu.memory_space<vmem>>
      %dma_wait3A_91 = arith.constant 0 : i32
      %dma_wait3A_92 = arith.constant 0 : i32
      %dma_wait3A_93 = tpu.memref_slice %arg8[%dma_wait3A_91, %dma_wait3A_92] : memref<10240x64xf32, #tpu.memory_space<vmem_shared>> -> memref<10240x64xf32, #tpu.memory_space<vmem_shared>>
      tpu.wait_indirect_dma semaphore(%arg14 : memref<!tpu.dma_semaphore, #tpu.memory_space<semaphore_mem>>) src(%dma_wait3A_93 : memref<10240x64xf32, #tpu.memory_space<vmem_shared>>) dst(%arg12 : memref<128x64xf32, #tpu.memory_space<vmem>>)
      %add3A_94 = arith.constant 0 : i32
      %add3A_95 = arith.addi %add3A_86, %add3A_94 : i32
      "tpu.region"() ({
        %run_scoped3A = tpu.sem_alloc : memref<!tpu.dma_semaphore, #tpu.memory_space<semaphore_mem>>
        %dma_start3A_123 = arith.constant 0 : i32
        %dma_start3A_124 = tpu.memref_slice %arg11[%add3A_95, %dma_start3A_123] : memref<40x128xi32, #tpu.memory_space<vmem>> -> memref<1x128xi32, #tpu.memory_space<vmem>>
        %dma_start3A_125 = tpu.memref_squeeze %dma_start3A_124 : memref<1x128xi32, #tpu.memory_space<vmem>> -> memref<128xi32, #tpu.memory_space<vmem>>
        %dma_start3A_126 = arith.constant 0 : i32
        %dma_start3A_127 = arith.constant 0 : i32
        %dma_start3A_128 = tpu.memref_slice %arg9[%dma_start3A_126, %dma_start3A_127] : memref<10240x64xf32, #tpu.memory_space<vmem_shared>> -> memref<10240x64xf32, #tpu.memory_space<vmem_shared>>
        tpu.enqueue_indirect_dma source(%arg12 : memref<128x64xf32, #tpu.memory_space<vmem>>) target(%dma_start3A_128 : memref<10240x64xf32, #tpu.memory_space<vmem_shared>>) offsets(%dma_start3A_125 : memref<128xi32, #tpu.memory_space<vmem>>) semaphore(%run_scoped3A : memref<!tpu.dma_semaphore, #tpu.memory_space<semaphore_mem>>) {add = true}
        %dma_wait3A_129 = arith.constant 0 : i32
        %dma_wait3A_130 = tpu.memref_slice %arg11[%add3A_95, %dma_wait3A_129] : memref<40x128xi32, #tpu.memory_space<vmem>> -> memref<1x128xi32, #tpu.memory_space<vmem>>
        %dma_wait3A_131 = tpu.memref_squeeze %dma_wait3A_130 : memref<1x128xi32, #tpu.memory_space<vmem>> -> memref<128xi32, #tpu.memory_space<vmem>>
        %dma_wait3A_132 = arith.constant 0 : i32
        %dma_wait3A_133 = arith.constant 0 : i32
        %dma_wait3A_134 = tpu.memref_slice %arg9[%dma_wait3A_132, %dma_wait3A_133] : memref<10240x64xf32, #tpu.memory_space<vmem_shared>> -> memref<10240x64xf32, #tpu.memory_space<vmem_shared>>
        tpu.wait_indirect_dma semaphore(%run_scoped3A : memref<!tpu.dma_semaphore, #tpu.memory_space<semaphore_mem>>) src(%arg12 : memref<128x64xf32, #tpu.memory_space<vmem>>) dst(%dma_wait3A_134 : memref<10240x64xf32, #tpu.memory_space<vmem_shared>>)
        tpu.yield
      }) : () -> ()
      %add3A_96 = arith.constant 0 : i32
      %add3A_97 = arith.addi %add3A_86, %add3A_96 : i32
      %add3A_98 = arith.constant 2 : i32
      %add3A_99 = arith.addi %add3A_97, %add3A_98 : i32
      %lt3A = arith.constant 40 : i32
      %lt3A_100 = arith.cmpi slt, %add3A_99, %lt3A : i32
      %convert_element_type3A_101 = arith.extui %lt3A_100 : i1 to i32
      %cond3A_102 = arith.constant 0 : i32
      %cond3A_103 = arith.cmpi ne, %convert_element_type3A_101, %cond3A_102 : i32
      scf.if %cond3A_103 {
        %add3A_123 = arith.constant 0 : i32
        %add3A_124 = arith.addi %add3A_86, %add3A_123 : i32
        %add3A_125 = arith.constant 2 : i32
        %add3A_126 = arith.addi %add3A_124, %add3A_125 : i32
        %dma_start3A_127 = arith.constant 0 : i32
        %dma_start3A_128 = tpu.memref_slice %arg10[%add3A_126, %dma_start3A_127] : memref<40x128xi32, #tpu.memory_space<vmem>> -> memref<1x128xi32, #tpu.memory_space<vmem>>
        %dma_start3A_129 = tpu.memref_squeeze %dma_start3A_128 : memref<1x128xi32, #tpu.memory_space<vmem>> -> memref<128xi32, #tpu.memory_space<vmem>>
        %dma_start3A_130 = arith.constant 0 : i32
        %dma_start3A_131 = arith.constant 0 : i32
        %dma_start3A_132 = tpu.memref_slice %arg8[%dma_start3A_130, %dma_start3A_131] : memref<10240x64xf32, #tpu.memory_space<vmem_shared>> -> memref<10240x64xf32, #tpu.memory_space<vmem_shared>>
        tpu.enqueue_indirect_dma source(%dma_start3A_132 : memref<10240x64xf32, #tpu.memory_space<vmem_shared>>) target(%arg12 : memref<128x64xf32, #tpu.memory_space<vmem>>) offsets(%dma_start3A_129 : memref<128xi32, #tpu.memory_space<vmem>>) semaphore(%arg14 : memref<!tpu.dma_semaphore, #tpu.memory_space<semaphore_mem>>)
      } else {
      }
      %add3A_104 = arith.constant 1 : i32
      %add3A_105 = arith.addi %add3A_86, %add3A_104 : i32
      %dma_wait3A_106 = arith.constant 0 : i32
      %dma_wait3A_107 = tpu.memref_slice %arg10[%add3A_105, %dma_wait3A_106] : memref<40x128xi32, #tpu.memory_space<vmem>> -> memref<1x128xi32, #tpu.memory_space<vmem>>
      %dma_wait3A_108 = tpu.memref_squeeze %dma_wait3A_107 : memref<1x128xi32, #tpu.memory_space<vmem>> -> memref<128xi32, #tpu.memory_space<vmem>>
      %dma_wait3A_109 = arith.constant 0 : i32
      %dma_wait3A_110 = arith.constant 0 : i32
      %dma_wait3A_111 = tpu.memref_slice %arg8[%dma_wait3A_109, %dma_wait3A_110] : memref<10240x64xf32, #tpu.memory_space<vmem_shared>> -> memref<10240x64xf32, #tpu.memory_space<vmem_shared>>
      tpu.wait_indirect_dma semaphore(%arg15 : memref<!tpu.dma_semaphore, #tpu.memory_space<semaphore_mem>>) src(%dma_wait3A_111 : memref<10240x64xf32, #tpu.memory_space<vmem_shared>>) dst(%arg13 : memref<128x64xf32, #tpu.memory_space<vmem>>)
      %add3A_112 = arith.constant 1 : i32
      %add3A_113 = arith.addi %add3A_86, %add3A_112 : i32
      "tpu.region"() ({
        %run_scoped3A = tpu.sem_alloc : memref<!tpu.dma_semaphore, #tpu.memory_space<semaphore_mem>>
        %dma_start3A_123 = arith.constant 0 : i32
        %dma_start3A_124 = tpu.memref_slice %arg11[%add3A_113, %dma_start3A_123] : memref<40x128xi32, #tpu.memory_space<vmem>> -> memref<1x128xi32, #tpu.memory_space<vmem>>
        %dma_start3A_125 = tpu.memref_squeeze %dma_start3A_124 : memref<1x128xi32, #tpu.memory_space<vmem>> -> memref<128xi32, #tpu.memory_space<vmem>>
        %dma_start3A_126 = arith.constant 0 : i32
        %dma_start3A_127 = arith.constant 0 : i32
        %dma_start3A_128 = tpu.memref_slice %arg9[%dma_start3A_126, %dma_start3A_127] : memref<10240x64xf32, #tpu.memory_space<vmem_shared>> -> memref<10240x64xf32, #tpu.memory_space<vmem_shared>>
        tpu.enqueue_indirect_dma source(%arg13 : memref<128x64xf32, #tpu.memory_space<vmem>>) target(%dma_start3A_128 : memref<10240x64xf32, #tpu.memory_space<vmem_shared>>) offsets(%dma_start3A_125 : memref<128xi32, #tpu.memory_space<vmem>>) semaphore(%run_scoped3A : memref<!tpu.dma_semaphore, #tpu.memory_space<semaphore_mem>>) {add = true}
        %dma_wait3A_129 = arith.constant 0 : i32
        %dma_wait3A_130 = tpu.memref_slice %arg11[%add3A_113, %dma_wait3A_129] : memref<40x128xi32, #tpu.memory_space<vmem>> -> memref<1x128xi32, #tpu.memory_space<vmem>>
        %dma_wait3A_131 = tpu.memref_squeeze %dma_wait3A_130 : memref<1x128xi32, #tpu.memory_space<vmem>> -> memref<128xi32, #tpu.memory_space<vmem>>
        %dma_wait3A_132 = arith.constant 0 : i32
        %dma_wait3A_133 = arith.constant 0 : i32
        %dma_wait3A_134 = tpu.memref_slice %arg9[%dma_wait3A_132, %dma_wait3A_133] : memref<10240x64xf32, #tpu.memory_space<vmem_shared>> -> memref<10240x64xf32, #tpu.memory_space<vmem_shared>>
        tpu.wait_indirect_dma semaphore(%run_scoped3A : memref<!tpu.dma_semaphore, #tpu.memory_space<semaphore_mem>>) src(%arg13 : memref<128x64xf32, #tpu.memory_space<vmem>>) dst(%dma_wait3A_134 : memref<10240x64xf32, #tpu.memory_space<vmem_shared>>)
        tpu.yield
      }) : () -> ()
      %add3A_114 = arith.constant 1 : i32
      %add3A_115 = arith.addi %add3A_86, %add3A_114 : i32
      %add3A_116 = arith.constant 2 : i32
      %add3A_117 = arith.addi %add3A_115, %add3A_116 : i32
      %lt3A_118 = arith.constant 40 : i32
      %lt3A_119 = arith.cmpi slt, %add3A_117, %lt3A_118 : i32
      %convert_element_type3A_120 = arith.extui %lt3A_119 : i1 to i32
      %cond3A_121 = arith.constant 0 : i32
      %cond3A_122 = arith.cmpi ne, %convert_element_type3A_120, %cond3A_121 : i32
      scf.if %cond3A_122 {
        %add3A_123 = arith.constant 1 : i32
        %add3A_124 = arith.addi %add3A_86, %add3A_123 : i32
        %add3A_125 = arith.constant 2 : i32
        %add3A_126 = arith.addi %add3A_124, %add3A_125 : i32
        %dma_start3A_127 = arith.constant 0 : i32
        %dma_start3A_128 = tpu.memref_slice %arg10[%add3A_126, %dma_start3A_127] : memref<40x128xi32, #tpu.memory_space<vmem>> -> memref<1x128xi32, #tpu.memory_space<vmem>>
        %dma_start3A_129 = tpu.memref_squeeze %dma_start3A_128 : memref<1x128xi32, #tpu.memory_space<vmem>> -> memref<128xi32, #tpu.memory_space<vmem>>
        %dma_start3A_130 = arith.constant 0 : i32
        %dma_start3A_131 = arith.constant 0 : i32
        %dma_start3A_132 = tpu.memref_slice %arg8[%dma_start3A_130, %dma_start3A_131] : memref<10240x64xf32, #tpu.memory_space<vmem_shared>> -> memref<10240x64xf32, #tpu.memory_space<vmem_shared>>
        tpu.enqueue_indirect_dma source(%dma_start3A_132 : memref<10240x64xf32, #tpu.memory_space<vmem_shared>>) target(%arg13 : memref<128x64xf32, #tpu.memory_space<vmem>>) offsets(%dma_start3A_129 : memref<128xi32, #tpu.memory_space<vmem>>) semaphore(%arg15 : memref<!tpu.dma_semaphore, #tpu.memory_space<semaphore_mem>>)
      } else {
      }
    }
    %scan3A_55 = arith.constant 20 : i32
    "tpu.region"() ({
      %run_scoped3A = tpu.sem_alloc : memref<!tpu.dma_semaphore, #tpu.memory_space<semaphore_mem>>
      %dma_start3A_83 = arith.constant 120 : i32
      %dma_start3A_84 = arith.constant 0 : i32
      %dma_start3A_85 = tpu.memref_slice %arg3[%arg1, %dma_start3A_83, %dma_start3A_84] : memref<16x160x128xi32, #tpu.memory_space<hbm>> -> memref<1x40x128xi32, #tpu.memory_space<hbm>>
      %dma_start3A_86 = tpu.memref_squeeze %dma_start3A_85 : memref<1x40x128xi32, #tpu.memory_space<hbm>> -> memref<40x128xi32, #tpu.memory_space<hbm>>
      %dma_start3A_87 = arith.constant 120 : i32
      %dma_start3A_88 = arith.constant 0 : i32
      %dma_start3A_89 = tpu.memref_slice %arg3[%arg1, %dma_start3A_87, %dma_start3A_88] : memref<16x160x128xi32, #tpu.memory_space<hbm>> -> memref<1x40x128xi32, #tpu.memory_space<hbm>>
      %dma_start3A_90 = tpu.memref_squeeze %dma_start3A_89 : memref<1x40x128xi32, #tpu.memory_space<hbm>> -> memref<40x128xi32, #tpu.memory_space<hbm>>
      tpu.enqueue_dma source(%dma_start3A_90 : memref<40x128xi32, #tpu.memory_space<hbm>>) target(%arg10 : memref<40x128xi32, #tpu.memory_space<vmem>>) target_semaphore(%run_scoped3A : memref<!tpu.dma_semaphore, #tpu.memory_space<semaphore_mem>>)
      %dma_wait3A = arith.constant 120 : i32
      %dma_wait3A_91 = arith.constant 0 : i32
      %dma_wait3A_92 = tpu.memref_slice %arg3[%arg1, %dma_wait3A, %dma_wait3A_91] : memref<16x160x128xi32, #tpu.memory_space<hbm>> -> memref<1x40x128xi32, #tpu.memory_space<hbm>>
      %dma_wait3A_93 = tpu.memref_squeeze %dma_wait3A_92 : memref<1x40x128xi32, #tpu.memory_space<hbm>> -> memref<40x128xi32, #tpu.memory_space<hbm>>
      %dma_wait3A_94 = arith.constant 120 : i32
      %dma_wait3A_95 = arith.constant 0 : i32
      %dma_wait3A_96 = tpu.memref_slice %arg3[%arg1, %dma_wait3A_94, %dma_wait3A_95] : memref<16x160x128xi32, #tpu.memory_space<hbm>> -> memref<1x40x128xi32, #tpu.memory_space<hbm>>
      %dma_wait3A_97 = tpu.memref_squeeze %dma_wait3A_96 : memref<1x40x128xi32, #tpu.memory_space<hbm>> -> memref<40x128xi32, #tpu.memory_space<hbm>>
      tpu.wait_dma2 semaphore(%run_scoped3A : memref<!tpu.dma_semaphore, #tpu.memory_space<semaphore_mem>>) src(%dma_wait3A_97 : memref<40x128xi32, #tpu.memory_space<hbm>>) dst(%arg10 : memref<40x128xi32, #tpu.memory_space<vmem>>)
      tpu.yield
    }) : () -> ()
    "tpu.region"() ({
      %run_scoped3A = tpu.sem_alloc : memref<!tpu.dma_semaphore, #tpu.memory_space<semaphore_mem>>
      %dma_start3A_83 = arith.constant 120 : i32
      %dma_start3A_84 = arith.constant 0 : i32
      %dma_start3A_85 = tpu.memref_slice %arg4[%arg1, %dma_start3A_83, %dma_start3A_84] : memref<16x160x128xi32, #tpu.memory_space<hbm>> -> memref<1x40x128xi32, #tpu.memory_space<hbm>>
      %dma_start3A_86 = tpu.memref_squeeze %dma_start3A_85 : memref<1x40x128xi32, #tpu.memory_space<hbm>> -> memref<40x128xi32, #tpu.memory_space<hbm>>
      %dma_start3A_87 = arith.constant 120 : i32
      %dma_start3A_88 = arith.constant 0 : i32
      %dma_start3A_89 = tpu.memref_slice %arg4[%arg1, %dma_start3A_87, %dma_start3A_88] : memref<16x160x128xi32, #tpu.memory_space<hbm>> -> memref<1x40x128xi32, #tpu.memory_space<hbm>>
      %dma_start3A_90 = tpu.memref_squeeze %dma_start3A_89 : memref<1x40x128xi32, #tpu.memory_space<hbm>> -> memref<40x128xi32, #tpu.memory_space<hbm>>
      tpu.enqueue_dma source(%dma_start3A_90 : memref<40x128xi32, #tpu.memory_space<hbm>>) target(%arg11 : memref<40x128xi32, #tpu.memory_space<vmem>>) target_semaphore(%run_scoped3A : memref<!tpu.dma_semaphore, #tpu.memory_space<semaphore_mem>>)
      %dma_wait3A = arith.constant 120 : i32
      %dma_wait3A_91 = arith.constant 0 : i32
      %dma_wait3A_92 = tpu.memref_slice %arg4[%arg1, %dma_wait3A, %dma_wait3A_91] : memref<16x160x128xi32, #tpu.memory_space<hbm>> -> memref<1x40x128xi32, #tpu.memory_space<hbm>>
      %dma_wait3A_93 = tpu.memref_squeeze %dma_wait3A_92 : memref<1x40x128xi32, #tpu.memory_space<hbm>> -> memref<40x128xi32, #tpu.memory_space<hbm>>
      %dma_wait3A_94 = arith.constant 120 : i32
      %dma_wait3A_95 = arith.constant 0 : i32
      %dma_wait3A_96 = tpu.memref_slice %arg4[%arg1, %dma_wait3A_94, %dma_wait3A_95] : memref<16x160x128xi32, #tpu.memory_space<hbm>> -> memref<1x40x128xi32, #tpu.memory_space<hbm>>
      %dma_wait3A_97 = tpu.memref_squeeze %dma_wait3A_96 : memref<1x40x128xi32, #tpu.memory_space<hbm>> -> memref<40x128xi32, #tpu.memory_space<hbm>>
      tpu.wait_dma2 semaphore(%run_scoped3A : memref<!tpu.dma_semaphore, #tpu.memory_space<semaphore_mem>>) src(%dma_wait3A_97 : memref<40x128xi32, #tpu.memory_space<hbm>>) dst(%arg11 : memref<40x128xi32, #tpu.memory_space<vmem>>)
      tpu.yield
    }) : () -> ()
    %dma_start3A_56 = arith.constant 0 : i32
    %dma_start3A_57 = arith.constant 0 : i32
    %dma_start3A_58 = tpu.memref_slice %arg10[%dma_start3A_56, %dma_start3A_57] : memref<40x128xi32, #tpu.memory_space<vmem>> -> memref<1x128xi32, #tpu.memory_space<vmem>>
    %dma_start3A_59 = tpu.memref_squeeze %dma_start3A_58 : memref<1x128xi32, #tpu.memory_space<vmem>> -> memref<128xi32, #tpu.memory_space<vmem>>
    %dma_start3A_60 = arith.constant 0 : i32
    %dma_start3A_61 = arith.constant 0 : i32
    %dma_start3A_62 = tpu.memref_slice %arg8[%dma_start3A_60, %dma_start3A_61] : memref<10240x64xf32, #tpu.memory_space<vmem_shared>> -> memref<10240x64xf32, #tpu.memory_space<vmem_shared>>
    tpu.enqueue_indirect_dma source(%dma_start3A_62 : memref<10240x64xf32, #tpu.memory_space<vmem_shared>>) target(%arg12 : memref<128x64xf32, #tpu.memory_space<vmem>>) offsets(%dma_start3A_59 : memref<128xi32, #tpu.memory_space<vmem>>) semaphore(%arg14 : memref<!tpu.dma_semaphore, #tpu.memory_space<semaphore_mem>>)
    %dma_start3A_63 = arith.constant 1 : i32
    %dma_start3A_64 = arith.constant 0 : i32
    %dma_start3A_65 = tpu.memref_slice %arg10[%dma_start3A_63, %dma_start3A_64] : memref<40x128xi32, #tpu.memory_space<vmem>> -> memref<1x128xi32, #tpu.memory_space<vmem>>
    %dma_start3A_66 = tpu.memref_squeeze %dma_start3A_65 : memref<1x128xi32, #tpu.memory_space<vmem>> -> memref<128xi32, #tpu.memory_space<vmem>>
    %dma_start3A_67 = arith.constant 0 : i32
    %dma_start3A_68 = arith.constant 0 : i32
    %dma_start3A_69 = tpu.memref_slice %arg8[%dma_start3A_67, %dma_start3A_68] : memref<10240x64xf32, #tpu.memory_space<vmem_shared>> -> memref<10240x64xf32, #tpu.memory_space<vmem_shared>>
    tpu.enqueue_indirect_dma source(%dma_start3A_69 : memref<10240x64xf32, #tpu.memory_space<vmem_shared>>) target(%arg13 : memref<128x64xf32, #tpu.memory_space<vmem>>) offsets(%dma_start3A_66 : memref<128xi32, #tpu.memory_space<vmem>>) semaphore(%arg15 : memref<!tpu.dma_semaphore, #tpu.memory_space<semaphore_mem>>)
    %scan3A_70 = arith.constant 0 : i32
    %scan3A_71 = arith.constant 20 : i32
    %scan3A_72 = arith.addi %scan3A_70, %scan3A_71 : i32
    %scan3A_73 = arith.constant 1 : i32
    scf.for %scan3A_83 = %scan3A_70 to %scan3A_72 step %scan3A_73  : i32 {
      %mul3A_84 = arith.constant 2 : i32
      %mul3A_85 = arith.muli %scan3A_83, %mul3A_84 : i32
      %add3A = arith.constant 0 : i32
      %add3A_86 = arith.addi %add3A, %mul3A_85 : i32
      %add3A_87 = arith.constant 0 : i32
      %add3A_88 = arith.addi %add3A_86, %add3A_87 : i32
      %dma_wait3A = arith.constant 0 : i32
      %dma_wait3A_89 = tpu.memref_slice %arg10[%add3A_88, %dma_wait3A] : memref<40x128xi32, #tpu.memory_space<vmem>> -> memref<1x128xi32, #tpu.memory_space<vmem>>
      %dma_wait3A_90 = tpu.memref_squeeze %dma_wait3A_89 : memref<1x128xi32, #tpu.memory_space<vmem>> -> memref<128xi32, #tpu.memory_space<vmem>>
      %dma_wait3A_91 = arith.constant 0 : i32
      %dma_wait3A_92 = arith.constant 0 : i32
      %dma_wait3A_93 = tpu.memref_slice %arg8[%dma_wait3A_91, %dma_wait3A_92] : memref<10240x64xf32, #tpu.memory_space<vmem_shared>> -> memref<10240x64xf32, #tpu.memory_space<vmem_shared>>
      tpu.wait_indirect_dma semaphore(%arg14 : memref<!tpu.dma_semaphore, #tpu.memory_space<semaphore_mem>>) src(%dma_wait3A_93 : memref<10240x64xf32, #tpu.memory_space<vmem_shared>>) dst(%arg12 : memref<128x64xf32, #tpu.memory_space<vmem>>)
      %add3A_94 = arith.constant 0 : i32
      %add3A_95 = arith.addi %add3A_86, %add3A_94 : i32
      "tpu.region"() ({
        %run_scoped3A = tpu.sem_alloc : memref<!tpu.dma_semaphore, #tpu.memory_space<semaphore_mem>>
        %dma_start3A_123 = arith.constant 0 : i32
        %dma_start3A_124 = tpu.memref_slice %arg11[%add3A_95, %dma_start3A_123] : memref<40x128xi32, #tpu.memory_space<vmem>> -> memref<1x128xi32, #tpu.memory_space<vmem>>
        %dma_start3A_125 = tpu.memref_squeeze %dma_start3A_124 : memref<1x128xi32, #tpu.memory_space<vmem>> -> memref<128xi32, #tpu.memory_space<vmem>>
        %dma_start3A_126 = arith.constant 0 : i32
        %dma_start3A_127 = arith.constant 0 : i32
        %dma_start3A_128 = tpu.memref_slice %arg9[%dma_start3A_126, %dma_start3A_127] : memref<10240x64xf32, #tpu.memory_space<vmem_shared>> -> memref<10240x64xf32, #tpu.memory_space<vmem_shared>>
        tpu.enqueue_indirect_dma source(%arg12 : memref<128x64xf32, #tpu.memory_space<vmem>>) target(%dma_start3A_128 : memref<10240x64xf32, #tpu.memory_space<vmem_shared>>) offsets(%dma_start3A_125 : memref<128xi32, #tpu.memory_space<vmem>>) semaphore(%run_scoped3A : memref<!tpu.dma_semaphore, #tpu.memory_space<semaphore_mem>>) {add = true}
        %dma_wait3A_129 = arith.constant 0 : i32
        %dma_wait3A_130 = tpu.memref_slice %arg11[%add3A_95, %dma_wait3A_129] : memref<40x128xi32, #tpu.memory_space<vmem>> -> memref<1x128xi32, #tpu.memory_space<vmem>>
        %dma_wait3A_131 = tpu.memref_squeeze %dma_wait3A_130 : memref<1x128xi32, #tpu.memory_space<vmem>> -> memref<128xi32, #tpu.memory_space<vmem>>
        %dma_wait3A_132 = arith.constant 0 : i32
        %dma_wait3A_133 = arith.constant 0 : i32
        %dma_wait3A_134 = tpu.memref_slice %arg9[%dma_wait3A_132, %dma_wait3A_133] : memref<10240x64xf32, #tpu.memory_space<vmem_shared>> -> memref<10240x64xf32, #tpu.memory_space<vmem_shared>>
        tpu.wait_indirect_dma semaphore(%run_scoped3A : memref<!tpu.dma_semaphore, #tpu.memory_space<semaphore_mem>>) src(%arg12 : memref<128x64xf32, #tpu.memory_space<vmem>>) dst(%dma_wait3A_134 : memref<10240x64xf32, #tpu.memory_space<vmem_shared>>)
        tpu.yield
      }) : () -> ()
      %add3A_96 = arith.constant 0 : i32
      %add3A_97 = arith.addi %add3A_86, %add3A_96 : i32
      %add3A_98 = arith.constant 2 : i32
      %add3A_99 = arith.addi %add3A_97, %add3A_98 : i32
      %lt3A = arith.constant 40 : i32
      %lt3A_100 = arith.cmpi slt, %add3A_99, %lt3A : i32
      %convert_element_type3A_101 = arith.extui %lt3A_100 : i1 to i32
      %cond3A_102 = arith.constant 0 : i32
      %cond3A_103 = arith.cmpi ne, %convert_element_type3A_101, %cond3A_102 : i32
      scf.if %cond3A_103 {
        %add3A_123 = arith.constant 0 : i32
        %add3A_124 = arith.addi %add3A_86, %add3A_123 : i32
        %add3A_125 = arith.constant 2 : i32
        %add3A_126 = arith.addi %add3A_124, %add3A_125 : i32
        %dma_start3A_127 = arith.constant 0 : i32
        %dma_start3A_128 = tpu.memref_slice %arg10[%add3A_126, %dma_start3A_127] : memref<40x128xi32, #tpu.memory_space<vmem>> -> memref<1x128xi32, #tpu.memory_space<vmem>>
        %dma_start3A_129 = tpu.memref_squeeze %dma_start3A_128 : memref<1x128xi32, #tpu.memory_space<vmem>> -> memref<128xi32, #tpu.memory_space<vmem>>
        %dma_start3A_130 = arith.constant 0 : i32
        %dma_start3A_131 = arith.constant 0 : i32
        %dma_start3A_132 = tpu.memref_slice %arg8[%dma_start3A_130, %dma_start3A_131] : memref<10240x64xf32, #tpu.memory_space<vmem_shared>> -> memref<10240x64xf32, #tpu.memory_space<vmem_shared>>
        tpu.enqueue_indirect_dma source(%dma_start3A_132 : memref<10240x64xf32, #tpu.memory_space<vmem_shared>>) target(%arg12 : memref<128x64xf32, #tpu.memory_space<vmem>>) offsets(%dma_start3A_129 : memref<128xi32, #tpu.memory_space<vmem>>) semaphore(%arg14 : memref<!tpu.dma_semaphore, #tpu.memory_space<semaphore_mem>>)
      } else {
      }
      %add3A_104 = arith.constant 1 : i32
      %add3A_105 = arith.addi %add3A_86, %add3A_104 : i32
      %dma_wait3A_106 = arith.constant 0 : i32
      %dma_wait3A_107 = tpu.memref_slice %arg10[%add3A_105, %dma_wait3A_106] : memref<40x128xi32, #tpu.memory_space<vmem>> -> memref<1x128xi32, #tpu.memory_space<vmem>>
      %dma_wait3A_108 = tpu.memref_squeeze %dma_wait3A_107 : memref<1x128xi32, #tpu.memory_space<vmem>> -> memref<128xi32, #tpu.memory_space<vmem>>
      %dma_wait3A_109 = arith.constant 0 : i32
      %dma_wait3A_110 = arith.constant 0 : i32
      %dma_wait3A_111 = tpu.memref_slice %arg8[%dma_wait3A_109, %dma_wait3A_110] : memref<10240x64xf32, #tpu.memory_space<vmem_shared>> -> memref<10240x64xf32, #tpu.memory_space<vmem_shared>>
      tpu.wait_indirect_dma semaphore(%arg15 : memref<!tpu.dma_semaphore, #tpu.memory_space<semaphore_mem>>) src(%dma_wait3A_111 : memref<10240x64xf32, #tpu.memory_space<vmem_shared>>) dst(%arg13 : memref<128x64xf32, #tpu.memory_space<vmem>>)
      %add3A_112 = arith.constant 1 : i32
      %add3A_113 = arith.addi %add3A_86, %add3A_112 : i32
      "tpu.region"() ({
        %run_scoped3A = tpu.sem_alloc : memref<!tpu.dma_semaphore, #tpu.memory_space<semaphore_mem>>
        %dma_start3A_123 = arith.constant 0 : i32
        %dma_start3A_124 = tpu.memref_slice %arg11[%add3A_113, %dma_start3A_123] : memref<40x128xi32, #tpu.memory_space<vmem>> -> memref<1x128xi32, #tpu.memory_space<vmem>>
        %dma_start3A_125 = tpu.memref_squeeze %dma_start3A_124 : memref<1x128xi32, #tpu.memory_space<vmem>> -> memref<128xi32, #tpu.memory_space<vmem>>
        %dma_start3A_126 = arith.constant 0 : i32
        %dma_start3A_127 = arith.constant 0 : i32
        %dma_start3A_128 = tpu.memref_slice %arg9[%dma_start3A_126, %dma_start3A_127] : memref<10240x64xf32, #tpu.memory_space<vmem_shared>> -> memref<10240x64xf32, #tpu.memory_space<vmem_shared>>
        tpu.enqueue_indirect_dma source(%arg13 : memref<128x64xf32, #tpu.memory_space<vmem>>) target(%dma_start3A_128 : memref<10240x64xf32, #tpu.memory_space<vmem_shared>>) offsets(%dma_start3A_125 : memref<128xi32, #tpu.memory_space<vmem>>) semaphore(%run_scoped3A : memref<!tpu.dma_semaphore, #tpu.memory_space<semaphore_mem>>) {add = true}
        %dma_wait3A_129 = arith.constant 0 : i32
        %dma_wait3A_130 = tpu.memref_slice %arg11[%add3A_113, %dma_wait3A_129] : memref<40x128xi32, #tpu.memory_space<vmem>> -> memref<1x128xi32, #tpu.memory_space<vmem>>
        %dma_wait3A_131 = tpu.memref_squeeze %dma_wait3A_130 : memref<1x128xi32, #tpu.memory_space<vmem>> -> memref<128xi32, #tpu.memory_space<vmem>>
        %dma_wait3A_132 = arith.constant 0 : i32
        %dma_wait3A_133 = arith.constant 0 : i32
        %dma_wait3A_134 = tpu.memref_slice %arg9[%dma_wait3A_132, %dma_wait3A_133] : memref<10240x64xf32, #tpu.memory_space<vmem_shared>> -> memref<10240x64xf32, #tpu.memory_space<vmem_shared>>
        tpu.wait_indirect_dma semaphore(%run_scoped3A : memref<!tpu.dma_semaphore, #tpu.memory_space<semaphore_mem>>) src(%arg13 : memref<128x64xf32, #tpu.memory_space<vmem>>) dst(%dma_wait3A_134 : memref<10240x64xf32, #tpu.memory_space<vmem_shared>>)
        tpu.yield
      }) : () -> ()
      %add3A_114 = arith.constant 1 : i32
      %add3A_115 = arith.addi %add3A_86, %add3A_114 : i32
      %add3A_116 = arith.constant 2 : i32
      %add3A_117 = arith.addi %add3A_115, %add3A_116 : i32
      %lt3A_118 = arith.constant 40 : i32
      %lt3A_119 = arith.cmpi slt, %add3A_117, %lt3A_118 : i32
      %convert_element_type3A_120 = arith.extui %lt3A_119 : i1 to i32
      %cond3A_121 = arith.constant 0 : i32
      %cond3A_122 = arith.cmpi ne, %convert_element_type3A_120, %cond3A_121 : i32
      scf.if %cond3A_122 {
        %add3A_123 = arith.constant 1 : i32
        %add3A_124 = arith.addi %add3A_86, %add3A_123 : i32
        %add3A_125 = arith.constant 2 : i32
        %add3A_126 = arith.addi %add3A_124, %add3A_125 : i32
        %dma_start3A_127 = arith.constant 0 : i32
        %dma_start3A_128 = tpu.memref_slice %arg10[%add3A_126, %dma_start3A_127] : memref<40x128xi32, #tpu.memory_space<vmem>> -> memref<1x128xi32, #tpu.memory_space<vmem>>
        %dma_start3A_129 = tpu.memref_squeeze %dma_start3A_128 : memref<1x128xi32, #tpu.memory_space<vmem>> -> memref<128xi32, #tpu.memory_space<vmem>>
        %dma_start3A_130 = arith.constant 0 : i32
        %dma_start3A_131 = arith.constant 0 : i32
        %dma_start3A_132 = tpu.memref_slice %arg8[%dma_start3A_130, %dma_start3A_131] : memref<10240x64xf32, #tpu.memory_space<vmem_shared>> -> memref<10240x64xf32, #tpu.memory_space<vmem_shared>>
        tpu.enqueue_indirect_dma source(%dma_start3A_132 : memref<10240x64xf32, #tpu.memory_space<vmem_shared>>) target(%arg13 : memref<128x64xf32, #tpu.memory_space<vmem>>) offsets(%dma_start3A_129 : memref<128xi32, #tpu.memory_space<vmem>>) semaphore(%arg15 : memref<!tpu.dma_semaphore, #tpu.memory_space<semaphore_mem>>)
      } else {
      }
    }
    %scan3A_74 = arith.constant 20 : i32
    %barrier3A_75 = arith.constant 0 : index
    tpu.barrier barrier_id(%barrier3A_75)
    %eq3A = arith.constant 0 : i32
    %eq3A_76 = arith.cmpi eq, %arg0, %eq3A : i32
    %convert_element_type3A = arith.extui %eq3A_76 : i1 to i32
    %cond3A = arith.constant 0 : i32
    %cond3A_77 = arith.cmpi ne, %convert_element_type3A, %cond3A : i32
    scf.if %cond3A_77 {
      "tpu.region"() ({
        %run_scoped3A = tpu.sem_alloc : memref<!tpu.dma_semaphore, #tpu.memory_space<semaphore_mem>>
        %dma_start3A_83 = arith.constant 0 : i32
        %dma_start3A_84 = tpu.memref_slice %arg6[%mul3A_0, %dma_start3A_83] : memref<10240x64xf32, #tpu.memory_space<hbm>> -> memref<640x64xf32, #tpu.memory_space<hbm>>
        %dma_start3A_85 = arith.constant 0 : i32
        %dma_start3A_86 = tpu.memref_slice %arg9[%mul3A_0, %dma_start3A_85] : memref<10240x64xf32, #tpu.memory_space<vmem_shared>> -> memref<640x64xf32, #tpu.memory_space<vmem_shared>>
        tpu.enqueue_dma source(%dma_start3A_86 : memref<640x64xf32, #tpu.memory_space<vmem_shared>>) target(%dma_start3A_84 : memref<640x64xf32, #tpu.memory_space<hbm>>) target_semaphore(%run_scoped3A : memref<!tpu.dma_semaphore, #tpu.memory_space<semaphore_mem>>)
        %dma_wait3A = arith.constant 0 : i32
        %dma_wait3A_87 = tpu.memref_slice %arg6[%mul3A_0, %dma_wait3A] : memref<10240x64xf32, #tpu.memory_space<hbm>> -> memref<640x64xf32, #tpu.memory_space<hbm>>
        %dma_wait3A_88 = arith.constant 0 : i32
        %dma_wait3A_89 = tpu.memref_slice %arg9[%mul3A_0, %dma_wait3A_88] : memref<10240x64xf32, #tpu.memory_space<vmem_shared>> -> memref<640x64xf32, #tpu.memory_space<vmem_shared>>
        tpu.wait_dma2 semaphore(%run_scoped3A : memref<!tpu.dma_semaphore, #tpu.memory_space<semaphore_mem>>) src(%dma_wait3A_89 : memref<640x64xf32, #tpu.memory_space<vmem_shared>>) dst(%dma_wait3A_87 : memref<640x64xf32, #tpu.memory_space<hbm>>)
        tpu.yield
      }) : () -> ()
    } else {
    }
    %eq3A_78 = arith.constant 1 : i32
    %eq3A_79 = arith.cmpi eq, %arg0, %eq3A_78 : i32
    %convert_element_type3A_80 = arith.extui %eq3A_79 : i1 to i32
    %cond3A_81 = arith.constant 0 : i32
    %cond3A_82 = arith.cmpi ne, %convert_element_type3A_80, %cond3A_81 : i32
    scf.if %cond3A_82 {
      "tpu.region"() ({
        %run_scoped3A = tpu.sem_alloc : memref<!tpu.dma_semaphore, #tpu.memory_space<semaphore_mem>>
        %dma_start3A_83 = arith.constant 0 : i32
        %dma_start3A_84 = tpu.memref_slice %arg7[%mul3A_0, %dma_start3A_83] : memref<10240x64xf32, #tpu.memory_space<hbm>> -> memref<640x64xf32, #tpu.memory_space<hbm>>
        %dma_start3A_85 = arith.constant 0 : i32
        %dma_start3A_86 = tpu.memref_slice %arg9[%mul3A_0, %dma_start3A_85] : memref<10240x64xf32, #tpu.memory_space<vmem_shared>> -> memref<640x64xf32, #tpu.memory_space<vmem_shared>>
        tpu.enqueue_dma source(%dma_start3A_86 : memref<640x64xf32, #tpu.memory_space<vmem_shared>>) target(%dma_start3A_84 : memref<640x64xf32, #tpu.memory_space<hbm>>) target_semaphore(%run_scoped3A : memref<!tpu.dma_semaphore, #tpu.memory_space<semaphore_mem>>)
        %dma_wait3A = arith.constant 0 : i32
        %dma_wait3A_87 = tpu.memref_slice %arg7[%mul3A_0, %dma_wait3A] : memref<10240x64xf32, #tpu.memory_space<hbm>> -> memref<640x64xf32, #tpu.memory_space<hbm>>
        %dma_wait3A_88 = arith.constant 0 : i32
        %dma_wait3A_89 = tpu.memref_slice %arg9[%mul3A_0, %dma_wait3A_88] : memref<10240x64xf32, #tpu.memory_space<vmem_shared>> -> memref<640x64xf32, #tpu.memory_space<vmem_shared>>
        tpu.wait_dma2 semaphore(%run_scoped3A : memref<!tpu.dma_semaphore, #tpu.memory_space<semaphore_mem>>) src(%dma_wait3A_89 : memref<640x64xf32, #tpu.memory_space<vmem_shared>>) dst(%dma_wait3A_87 : memref<640x64xf32, #tpu.memory_space<hbm>>)
        tpu.yield
      }) : () -> ()
    } else {
    }
    return
  }
}

module attributes {stable_mosaic.version = 14 : i64} {
  func.func @_layer_body(%arg0: i32, %arg1: memref<1000x64xf32, #tpu.memory_space<vmem>>, %arg2: memref<1000x64xf32, #tpu.memory_space<vmem>>, %arg3: memref<1000x1xf32, #tpu.memory_space<vmem>>, %arg4: memref<1000x1xf32, #tpu.memory_space<vmem>>, %arg5: memref<2x1000x64xf32, #tpu.memory_space<vmem>>, %arg6: memref<128x64xf32, #tpu.memory_space<vmem>>, %arg7: memref<128x64xf32, #tpu.memory_space<vmem>>, %arg8: memref<1x128xf32, #tpu.memory_space<vmem>>, %arg9: memref<128x64xf32, #tpu.memory_space<vmem>>, %arg10: memref<128x64xf32, #tpu.memory_space<vmem>>, %arg11: memref<2x1000x64xf32, #tpu.memory_space<vmem>>) attributes {dimension_semantics = [#tpu.dimension_semantics<arbitrary>], iteration_bounds = array<i64: 10>, scalar_prefetch = 0 : i64, scratch_operands = 0 : i64, tpu.core_type = #tpu.core_type<tc>, window_params = [{transform_indices = @transform_0, window_bounds = array<i64: 1000, 64>}, {transform_indices = @transform_1, window_bounds = array<i64: 1000, 64>}, {transform_indices = @transform_2, window_bounds = array<i64: 1000, 1>}, {transform_indices = @transform_3, window_bounds = array<i64: 1000, 1>}, {transform_indices = @transform_4, window_bounds = array<i64: 2, 1000, 64>}, {pipeline_mode = #tpu.pipeline_mode<synchronous>, transform_indices = @transform_5, window_bounds = array<i64: 128, 64>}, {pipeline_mode = #tpu.pipeline_mode<synchronous>, transform_indices = @transform_6, window_bounds = array<i64: 128, 64>}, {pipeline_mode = #tpu.pipeline_mode<synchronous>, transform_indices = @transform_7, window_bounds = array<i64: 1, 128>}, {pipeline_mode = #tpu.pipeline_mode<synchronous>, transform_indices = @transform_8, window_bounds = array<i64: 128, 64>}, {pipeline_mode = #tpu.pipeline_mode<synchronous>, transform_indices = @transform_9, window_bounds = array<i64: 128, 64>}, {transform_indices = @transform_10, window_bounds = array<i64: 2, 1000, 64>}]} {
    %get3A = arith.constant 0 : index
    %get3A_0 = arith.constant 0 : index
    %get3A_1 = vector.load %arg3[%get3A, %get3A_0] : memref<1000x1xf32, #tpu.memory_space<vmem>>, vector<1000x1xf32>
    %get3A_2 = arith.constant 0 : index
    %get3A_3 = arith.constant 0 : index
    %get3A_4 = vector.load %arg4[%get3A_2, %get3A_3] : memref<1000x1xf32, #tpu.memory_space<vmem>>, vector<1000x1xf32>
    %add3A = arith.addf %get3A_1, %get3A_4 : vector<1000x1xf32>
    %max3A = arith.constant 1.000000e+00 : f32
    %max3A_5 = vector.broadcast %max3A : f32 to vector<1000x1xf32>
    %max3A_6 = arith.maximumf %add3A, %max3A_5 : vector<1000x1xf32>
    %get3A_7 = arith.constant 0 : index
    %get3A_8 = arith.constant 0 : index
    %get3A_9 = vector.load %arg1[%get3A_7, %get3A_8] : memref<1000x64xf32, #tpu.memory_space<vmem>>, vector<1000x64xf32>
    %div3A = vector.broadcast %max3A_6 : vector<1000x1xf32> to vector<1000x64xf32>
    %div3A_10 = arith.divf %get3A_9, %div3A : vector<1000x64xf32>
    %get3A_11 = arith.constant 0 : index
    %get3A_12 = arith.constant 0 : index
    %get3A_13 = vector.load %arg2[%get3A_11, %get3A_12] : memref<1000x64xf32, #tpu.memory_space<vmem>>, vector<1000x64xf32>
    %div3A_14 = vector.broadcast %max3A_6 : vector<1000x1xf32> to vector<1000x64xf32>
    %div3A_15 = arith.divf %get3A_13, %div3A_14 : vector<1000x64xf32>
    %stack3A = vector.shape_cast %div3A_10 : vector<1000x64xf32> to vector<1x1000x64xf32>
    %stack3A_16 = vector.shape_cast %div3A_15 : vector<1000x64xf32> to vector<1x1000x64xf32>
    %stack3A_17 = tpu.concatenate %stack3A, %stack3A_16 in 0 : vector<1x1000x64xf32>, vector<1x1000x64xf32> -> vector<2x1000x64xf32>
    %get3A_18 = arith.constant 0 : index
    %get3A_19 = arith.constant 0 : index
    %get3A_20 = vector.load %arg6[%get3A_18, %get3A_19] : memref<128x64xf32, #tpu.memory_space<vmem>>, vector<128x64xf32>
    %get3A_21 = arith.constant 0 : index
    %get3A_22 = arith.constant 0 : index
    %get3A_23 = vector.load %arg7[%get3A_21, %get3A_22] : memref<128x64xf32, #tpu.memory_space<vmem>>, vector<128x64xf32>
    %slice3A = vector.extract_strided_slice %stack3A_17 {offsets = [0, 0, 0], sizes = [1, 1000, 64], strides = [1, 1, 1]} : vector<2x1000x64xf32> to vector<1x1000x64xf32>
    %squeeze3A = vector.shape_cast %slice3A : vector<1x1000x64xf32> to vector<1000x64xf32>
    %slice3A_24 = vector.extract_strided_slice %stack3A_17 {offsets = [1, 0, 0], sizes = [1, 1000, 64], strides = [1, 1, 1]} : vector<2x1000x64xf32> to vector<1x1000x64xf32>
    %squeeze3A_25 = vector.shape_cast %slice3A_24 : vector<1x1000x64xf32> to vector<1000x64xf32>
    %dot_general3A = arith.constant dense<0.000000e+00> : vector<1000x128xf32>
    %dot_general3A_26 = tpu.matmul %squeeze3A, %get3A_20, %dot_general3A {dimension_numbers = #tpu.dot_dimension_numbers<[1], [1], [0], [0], [0, 0, 1, 0], [], []>, transpose_lhs_hint = false} : vector<1000x64xf32>, vector<128x64xf32>, vector<1000x128xf32> -> vector<1000x128xf32>
    %dot_general3A_27 = arith.constant dense<0.000000e+00> : vector<1000x128xf32>
    %dot_general3A_28 = tpu.matmul %squeeze3A_25, %get3A_23, %dot_general3A_27 {dimension_numbers = #tpu.dot_dimension_numbers<[1], [1], [0], [0], [0, 0, 1, 0], [], []>, transpose_lhs_hint = false} : vector<1000x64xf32>, vector<128x64xf32>, vector<1000x128xf32> -> vector<1000x128xf32>
    %add3A_29 = arith.addf %dot_general3A_26, %dot_general3A_28 : vector<1000x128xf32>
    %get3A_30 = arith.constant 0 : index
    %get3A_31 = arith.constant 0 : index
    %get3A_32 = vector.load %arg8[%get3A_30, %get3A_31] : memref<1x128xf32, #tpu.memory_space<vmem>>, vector<1x128xf32>
    %add3A_33 = vector.broadcast %get3A_32 : vector<1x128xf32> to vector<1000x128xf32>
    %add3A_34 = arith.addf %add3A_29, %add3A_33 : vector<1000x128xf32>
    %get3A_35 = arith.constant 0 : index
    %get3A_36 = arith.constant 0 : index
    %get3A_37 = arith.constant 0 : index
    %get3A_38 = vector.load %arg5[%get3A_35, %get3A_36, %get3A_37] : memref<2x1000x64xf32, #tpu.memory_space<vmem>>, vector<2x1000x64xf32>
    %get3A_39 = arith.constant 0 : index
    %get3A_40 = arith.constant 0 : index
    %get3A_41 = vector.load %arg9[%get3A_39, %get3A_40] : memref<128x64xf32, #tpu.memory_space<vmem>>, vector<128x64xf32>
    %get3A_42 = arith.constant 0 : index
    %get3A_43 = arith.constant 0 : index
    %get3A_44 = vector.load %arg10[%get3A_42, %get3A_43] : memref<128x64xf32, #tpu.memory_space<vmem>>, vector<128x64xf32>
    %slice3A_45 = vector.extract_strided_slice %get3A_38 {offsets = [0, 0, 0], sizes = [1, 1000, 64], strides = [1, 1, 1]} : vector<2x1000x64xf32> to vector<1x1000x64xf32>
    %squeeze3A_46 = vector.shape_cast %slice3A_45 : vector<1x1000x64xf32> to vector<1000x64xf32>
    %slice3A_47 = vector.extract_strided_slice %get3A_38 {offsets = [1, 0, 0], sizes = [1, 1000, 64], strides = [1, 1, 1]} : vector<2x1000x64xf32> to vector<1x1000x64xf32>
    %squeeze3A_48 = vector.shape_cast %slice3A_47 : vector<1x1000x64xf32> to vector<1000x64xf32>
    %dot_general3A_49 = arith.constant dense<0.000000e+00> : vector<1000x128xf32>
    %dot_general3A_50 = tpu.matmul %squeeze3A_46, %get3A_41, %dot_general3A_49 {dimension_numbers = #tpu.dot_dimension_numbers<[1], [1], [0], [0], [0, 0, 1, 0], [], []>, transpose_lhs_hint = false} : vector<1000x64xf32>, vector<128x64xf32>, vector<1000x128xf32> -> vector<1000x128xf32>
    %dot_general3A_51 = arith.constant dense<0.000000e+00> : vector<1000x128xf32>
    %dot_general3A_52 = tpu.matmul %squeeze3A_48, %get3A_44, %dot_general3A_51 {dimension_numbers = #tpu.dot_dimension_numbers<[1], [1], [0], [0], [0, 0, 1, 0], [], []>, transpose_lhs_hint = false} : vector<1000x64xf32>, vector<128x64xf32>, vector<1000x128xf32> -> vector<1000x128xf32>
    %add3A_53 = arith.addf %dot_general3A_50, %dot_general3A_52 : vector<1000x128xf32>
    %add3A_54 = arith.addf %add3A_34, %add3A_53 : vector<1000x128xf32>
    %max3A_55 = arith.constant 0.000000e+00 : f32
    %max3A_56 = vector.broadcast %max3A_55 : f32 to vector<1000x128xf32>
    %max3A_57 = arith.maximumf %add3A_54, %max3A_56 : vector<1000x128xf32>
    %slice3A_58 = vector.extract_strided_slice %max3A_57 {offsets = [0, 0], sizes = [1000, 64], strides = [1, 1]} : vector<1000x128xf32> to vector<1000x64xf32>
    %slice3A_59 = vector.extract_strided_slice %max3A_57 {offsets = [0, 64], sizes = [1000, 64], strides = [1, 1]} : vector<1000x128xf32> to vector<1000x64xf32>
    %stack3A_60 = vector.shape_cast %slice3A_58 : vector<1000x64xf32> to vector<1x1000x64xf32>
    %stack3A_61 = vector.shape_cast %slice3A_59 : vector<1000x64xf32> to vector<1x1000x64xf32>
    %stack3A_62 = tpu.concatenate %stack3A_60, %stack3A_61 in 0 : vector<1x1000x64xf32>, vector<1x1000x64xf32> -> vector<2x1000x64xf32>
    %swap3A = arith.constant 0 : index
    %swap3A_63 = arith.constant 0 : index
    %swap3A_64 = arith.constant 0 : index
    %swap3A_65 = vector.load %arg11[%swap3A, %swap3A_63, %swap3A_64] : memref<2x1000x64xf32, #tpu.memory_space<vmem>>, vector<2x1000x64xf32>
    tpu.vector_store %arg11[%swap3A, %swap3A_63, %swap3A_64], %stack3A_62 {strides = array<i32>} : memref<2x1000x64xf32, #tpu.memory_space<vmem>>, vector<2x1000x64xf32>,
    return
  }
  func.func @transform_0(%arg0: i32) -> (i32, i32) {
    %c0_i32 = arith.constant 0 : i32
    %c0_i32_0 = arith.constant 0 : i32
    return %arg0, %c0_i32 : i32, i32
  }
  func.func @transform_1(%arg0: i32) -> (i32, i32) {
    %c0_i32 = arith.constant 0 : i32
    %c0_i32_0 = arith.constant 0 : i32
    return %arg0, %c0_i32 : i32, i32
  }
  func.func @transform_2(%arg0: i32) -> (i32, i32) {
    %c0_i32 = arith.constant 0 : i32
    %c0_i32_0 = arith.constant 0 : i32
    return %arg0, %c0_i32 : i32, i32
  }
  func.func @transform_3(%arg0: i32) -> (i32, i32) {
    %c0_i32 = arith.constant 0 : i32
    %c0_i32_0 = arith.constant 0 : i32
    return %arg0, %c0_i32 : i32, i32
  }
  func.func @transform_4(%arg0: i32) -> (i32, i32, i32) {
    %c0_i32 = arith.constant 0 : i32
    %c0_i32_0 = arith.constant 0 : i32
    %c0_i32_1 = arith.constant 0 : i32
    return %c0_i32, %arg0, %c0_i32_0 : i32, i32, i32
  }
  func.func @transform_5(%arg0: i32) -> (i32, i32) {
    %c0_i32 = arith.constant 0 : i32
    %c0_i32_0 = arith.constant 0 : i32
    %c0_i32_1 = arith.constant 0 : i32
    return %c0_i32, %c0_i32_0 : i32, i32
  }
  func.func @transform_6(%arg0: i32) -> (i32, i32) {
    %c0_i32 = arith.constant 0 : i32
    %c0_i32_0 = arith.constant 0 : i32
    %c0_i32_1 = arith.constant 0 : i32
    return %c0_i32, %c0_i32_0 : i32, i32
  }
  func.func @transform_7(%arg0: i32) -> (i32, i32) {
    %c0_i32 = arith.constant 0 : i32
    %c0_i32_0 = arith.constant 0 : i32
    %c0_i32_1 = arith.constant 0 : i32
    return %c0_i32, %c0_i32_0 : i32, i32
  }
  func.func @transform_8(%arg0: i32) -> (i32, i32) {
    %c0_i32 = arith.constant 0 : i32
    %c0_i32_0 = arith.constant 0 : i32
    %c0_i32_1 = arith.constant 0 : i32
    return %c0_i32, %c0_i32_0 : i32, i32
  }
  func.func @transform_9(%arg0: i32) -> (i32, i32) {
    %c0_i32 = arith.constant 0 : i32
    %c0_i32_0 = arith.constant 0 : i32
    %c0_i32_1 = arith.constant 0 : i32
    return %c0_i32, %c0_i32_0 : i32, i32
  }
  func.func @transform_10(%arg0: i32) -> (i32, i32, i32) {
    %c0_i32 = arith.constant 0 : i32
    %c0_i32_0 = arith.constant 0 : i32
    %c0_i32_1 = arith.constant 0 : i32
    return %c0_i32, %arg0, %c0_i32_0 : i32, i32, i32
  }
}

module attributes {stable_mosaic.version = 14 : i64} {
  func.func @_layer2_body(%arg0: i32, %arg1: memref<1000x64xf32, #tpu.memory_space<vmem>>, %arg2: memref<1000x64xf32, #tpu.memory_space<vmem>>, %arg3: memref<1000x1xf32, #tpu.memory_space<vmem>>, %arg4: memref<1000x1xf32, #tpu.memory_space<vmem>>, %arg5: memref<2x1000x64xf32, #tpu.memory_space<vmem>>, %arg6: memref<128x64xf32, #tpu.memory_space<vmem>>, %arg7: memref<128x64xf32, #tpu.memory_space<vmem>>, %arg8: memref<1x128xf32, #tpu.memory_space<vmem>>, %arg9: memref<128x64xf32, #tpu.memory_space<vmem>>, %arg10: memref<128x64xf32, #tpu.memory_space<vmem>>, %arg11: memref<128x1xf32, #tpu.memory_space<vmem>>, %arg12: memref<1x1xf32, #tpu.memory_space<vmem>>, %arg13: memref<1000x1xf32, #tpu.memory_space<vmem>>) attributes {dimension_semantics = [#tpu.dimension_semantics<arbitrary>], iteration_bounds = array<i64: 10>, scalar_prefetch = 0 : i64, scratch_operands = 0 : i64, tpu.core_type = #tpu.core_type<tc>, window_params = [{transform_indices = @transform_0, window_bounds = array<i64: 1000, 64>}, {transform_indices = @transform_1, window_bounds = array<i64: 1000, 64>}, {transform_indices = @transform_2, window_bounds = array<i64: 1000, 1>}, {transform_indices = @transform_3, window_bounds = array<i64: 1000, 1>}, {transform_indices = @transform_4, window_bounds = array<i64: 2, 1000, 64>}, {pipeline_mode = #tpu.pipeline_mode<synchronous>, transform_indices = @transform_5, window_bounds = array<i64: 128, 64>}, {pipeline_mode = #tpu.pipeline_mode<synchronous>, transform_indices = @transform_6, window_bounds = array<i64: 128, 64>}, {pipeline_mode = #tpu.pipeline_mode<synchronous>, transform_indices = @transform_7, window_bounds = array<i64: 1, 128>}, {pipeline_mode = #tpu.pipeline_mode<synchronous>, transform_indices = @transform_8, window_bounds = array<i64: 128, 64>}, {pipeline_mode = #tpu.pipeline_mode<synchronous>, transform_indices = @transform_9, window_bounds = array<i64: 128, 64>}, {pipeline_mode = #tpu.pipeline_mode<synchronous>, transform_indices = @transform_10, window_bounds = array<i64: 128, 1>}, {pipeline_mode = #tpu.pipeline_mode<synchronous>, transform_indices = @transform_11, window_bounds = array<i64: 1, 1>}, {transform_indices = @transform_12, window_bounds = array<i64: 1000, 1>}]} {
    %get3A = arith.constant 0 : index
    %get3A_0 = arith.constant 0 : index
    %get3A_1 = vector.load %arg3[%get3A, %get3A_0] : memref<1000x1xf32, #tpu.memory_space<vmem>>, vector<1000x1xf32>
    %get3A_2 = arith.constant 0 : index
    %get3A_3 = arith.constant 0 : index
    %get3A_4 = vector.load %arg4[%get3A_2, %get3A_3] : memref<1000x1xf32, #tpu.memory_space<vmem>>, vector<1000x1xf32>
    %add3A = arith.addf %get3A_1, %get3A_4 : vector<1000x1xf32>
    %max3A = arith.constant 1.000000e+00 : f32
    %max3A_5 = vector.broadcast %max3A : f32 to vector<1000x1xf32>
    %max3A_6 = arith.maximumf %add3A, %max3A_5 : vector<1000x1xf32>
    %get3A_7 = arith.constant 0 : index
    %get3A_8 = arith.constant 0 : index
    %get3A_9 = vector.load %arg1[%get3A_7, %get3A_8] : memref<1000x64xf32, #tpu.memory_space<vmem>>, vector<1000x64xf32>
    %div3A = vector.broadcast %max3A_6 : vector<1000x1xf32> to vector<1000x64xf32>
    %div3A_10 = arith.divf %get3A_9, %div3A : vector<1000x64xf32>
    %get3A_11 = arith.constant 0 : index
    %get3A_12 = arith.constant 0 : index
    %get3A_13 = vector.load %arg2[%get3A_11, %get3A_12] : memref<1000x64xf32, #tpu.memory_space<vmem>>, vector<1000x64xf32>
    %div3A_14 = vector.broadcast %max3A_6 : vector<1000x1xf32> to vector<1000x64xf32>
    %div3A_15 = arith.divf %get3A_13, %div3A_14 : vector<1000x64xf32>
    %stack3A = vector.shape_cast %div3A_10 : vector<1000x64xf32> to vector<1x1000x64xf32>
    %stack3A_16 = vector.shape_cast %div3A_15 : vector<1000x64xf32> to vector<1x1000x64xf32>
    %stack3A_17 = tpu.concatenate %stack3A, %stack3A_16 in 0 : vector<1x1000x64xf32>, vector<1x1000x64xf32> -> vector<2x1000x64xf32>
    %get3A_18 = arith.constant 0 : index
    %get3A_19 = arith.constant 0 : index
    %get3A_20 = vector.load %arg6[%get3A_18, %get3A_19] : memref<128x64xf32, #tpu.memory_space<vmem>>, vector<128x64xf32>
    %get3A_21 = arith.constant 0 : index
    %get3A_22 = arith.constant 0 : index
    %get3A_23 = vector.load %arg7[%get3A_21, %get3A_22] : memref<128x64xf32, #tpu.memory_space<vmem>>, vector<128x64xf32>
    %slice3A = vector.extract_strided_slice %stack3A_17 {offsets = [0, 0, 0], sizes = [1, 1000, 64], strides = [1, 1, 1]} : vector<2x1000x64xf32> to vector<1x1000x64xf32>
    %squeeze3A = vector.shape_cast %slice3A : vector<1x1000x64xf32> to vector<1000x64xf32>
    %slice3A_24 = vector.extract_strided_slice %stack3A_17 {offsets = [1, 0, 0], sizes = [1, 1000, 64], strides = [1, 1, 1]} : vector<2x1000x64xf32> to vector<1x1000x64xf32>
    %squeeze3A_25 = vector.shape_cast %slice3A_24 : vector<1x1000x64xf32> to vector<1000x64xf32>
    %dot_general3A = arith.constant dense<0.000000e+00> : vector<1000x128xf32>
    %dot_general3A_26 = tpu.matmul %squeeze3A, %get3A_20, %dot_general3A {dimension_numbers = #tpu.dot_dimension_numbers<[1], [1], [0], [0], [0, 0, 1, 0], [], []>, transpose_lhs_hint = false} : vector<1000x64xf32>, vector<128x64xf32>, vector<1000x128xf32> -> vector<1000x128xf32>
    %dot_general3A_27 = arith.constant dense<0.000000e+00> : vector<1000x128xf32>
    %dot_general3A_28 = tpu.matmul %squeeze3A_25, %get3A_23, %dot_general3A_27 {dimension_numbers = #tpu.dot_dimension_numbers<[1], [1], [0], [0], [0, 0, 1, 0], [], []>, transpose_lhs_hint = false} : vector<1000x64xf32>, vector<128x64xf32>, vector<1000x128xf32> -> vector<1000x128xf32>
    %add3A_29 = arith.addf %dot_general3A_26, %dot_general3A_28 : vector<1000x128xf32>
    %get3A_30 = arith.constant 0 : index
    %get3A_31 = arith.constant 0 : index
    %get3A_32 = vector.load %arg8[%get3A_30, %get3A_31] : memref<1x128xf32, #tpu.memory_space<vmem>>, vector<1x128xf32>
    %add3A_33 = vector.broadcast %get3A_32 : vector<1x128xf32> to vector<1000x128xf32>
    %add3A_34 = arith.addf %add3A_29, %add3A_33 : vector<1000x128xf32>
    %get3A_35 = arith.constant 0 : index
    %get3A_36 = arith.constant 0 : index
    %get3A_37 = arith.constant 0 : index
    %get3A_38 = vector.load %arg5[%get3A_35, %get3A_36, %get3A_37] : memref<2x1000x64xf32, #tpu.memory_space<vmem>>, vector<2x1000x64xf32>
    %get3A_39 = arith.constant 0 : index
    %get3A_40 = arith.constant 0 : index
    %get3A_41 = vector.load %arg9[%get3A_39, %get3A_40] : memref<128x64xf32, #tpu.memory_space<vmem>>, vector<128x64xf32>
    %get3A_42 = arith.constant 0 : index
    %get3A_43 = arith.constant 0 : index
    %get3A_44 = vector.load %arg10[%get3A_42, %get3A_43] : memref<128x64xf32, #tpu.memory_space<vmem>>, vector<128x64xf32>
    %slice3A_45 = vector.extract_strided_slice %get3A_38 {offsets = [0, 0, 0], sizes = [1, 1000, 64], strides = [1, 1, 1]} : vector<2x1000x64xf32> to vector<1x1000x64xf32>
    %squeeze3A_46 = vector.shape_cast %slice3A_45 : vector<1x1000x64xf32> to vector<1000x64xf32>
    %slice3A_47 = vector.extract_strided_slice %get3A_38 {offsets = [1, 0, 0], sizes = [1, 1000, 64], strides = [1, 1, 1]} : vector<2x1000x64xf32> to vector<1x1000x64xf32>
    %squeeze3A_48 = vector.shape_cast %slice3A_47 : vector<1x1000x64xf32> to vector<1000x64xf32>
    %dot_general3A_49 = arith.constant dense<0.000000e+00> : vector<1000x128xf32>
    %dot_general3A_50 = tpu.matmul %squeeze3A_46, %get3A_41, %dot_general3A_49 {dimension_numbers = #tpu.dot_dimension_numbers<[1], [1], [0], [0], [0, 0, 1, 0], [], []>, transpose_lhs_hint = false} : vector<1000x64xf32>, vector<128x64xf32>, vector<1000x128xf32> -> vector<1000x128xf32>
    %dot_general3A_51 = arith.constant dense<0.000000e+00> : vector<1000x128xf32>
    %dot_general3A_52 = tpu.matmul %squeeze3A_48, %get3A_44, %dot_general3A_51 {dimension_numbers = #tpu.dot_dimension_numbers<[1], [1], [0], [0], [0, 0, 1, 0], [], []>, transpose_lhs_hint = false} : vector<1000x64xf32>, vector<128x64xf32>, vector<1000x128xf32> -> vector<1000x128xf32>
    %add3A_53 = arith.addf %dot_general3A_50, %dot_general3A_52 : vector<1000x128xf32>
    %add3A_54 = arith.addf %add3A_34, %add3A_53 : vector<1000x128xf32>
    %max3A_55 = arith.constant 0.000000e+00 : f32
    %max3A_56 = vector.broadcast %max3A_55 : f32 to vector<1000x128xf32>
    %max3A_57 = arith.maximumf %add3A_54, %max3A_56 : vector<1000x128xf32>
    %get3A_58 = arith.constant 0 : index
    %get3A_59 = arith.constant 0 : index
    %get3A_60 = vector.load %arg11[%get3A_58, %get3A_59] : memref<128x1xf32, #tpu.memory_space<vmem>>, vector<128x1xf32>
    %dot_general3A_61 = arith.constant dense<0.000000e+00> : vector<1000x1xf32>
    %dot_general3A_62 = tpu.matmul %max3A_57, %get3A_60, %dot_general3A_61 {dimension_numbers = #tpu.dot_dimension_numbers<[1], [0], [0], [1], [0, 0, 1, 1], [], []>, transpose_lhs_hint = false} : vector<1000x128xf32>, vector<128x1xf32>, vector<1000x1xf32> -> vector<1000x1xf32>
    %get3A_63 = arith.constant 0 : index
    %get3A_64 = arith.constant 0 : index
    %get3A_65 = vector.load %arg12[%get3A_63, %get3A_64] : memref<1x1xf32, #tpu.memory_space<vmem>>, vector<1x1xf32>
    %add3A_66 = vector.broadcast %get3A_65 : vector<1x1xf32> to vector<1000x1xf32>
    %add3A_67 = arith.addf %dot_general3A_62, %add3A_66 : vector<1000x1xf32>
    %swap3A = arith.constant 0 : index
    %swap3A_68 = arith.constant 0 : index
    %swap3A_69 = vector.load %arg13[%swap3A, %swap3A_68] : memref<1000x1xf32, #tpu.memory_space<vmem>>, vector<1000x1xf32>
    tpu.vector_store %arg13[%swap3A, %swap3A_68], %add3A_67 {strides = array<i32>} : memref<1000x1xf32, #tpu.memory_space<vmem>>, vector<1000x1xf32>,
    return
  }
  func.func @transform_0(%arg0: i32) -> (i32, i32) {
    %c0_i32 = arith.constant 0 : i32
    %c0_i32_0 = arith.constant 0 : i32
    return %arg0, %c0_i32 : i32, i32
  }
  func.func @transform_1(%arg0: i32) -> (i32, i32) {
    %c0_i32 = arith.constant 0 : i32
    %c0_i32_0 = arith.constant 0 : i32
    return %arg0, %c0_i32 : i32, i32
  }
  func.func @transform_2(%arg0: i32) -> (i32, i32) {
    %c0_i32 = arith.constant 0 : i32
    %c0_i32_0 = arith.constant 0 : i32
    return %arg0, %c0_i32 : i32, i32
  }
  func.func @transform_3(%arg0: i32) -> (i32, i32) {
    %c0_i32 = arith.constant 0 : i32
    %c0_i32_0 = arith.constant 0 : i32
    return %arg0, %c0_i32 : i32, i32
  }
  func.func @transform_4(%arg0: i32) -> (i32, i32, i32) {
    %c0_i32 = arith.constant 0 : i32
    %c0_i32_0 = arith.constant 0 : i32
    %c0_i32_1 = arith.constant 0 : i32
    return %c0_i32, %arg0, %c0_i32_0 : i32, i32, i32
  }
  func.func @transform_5(%arg0: i32) -> (i32, i32) {
    %c0_i32 = arith.constant 0 : i32
    %c0_i32_0 = arith.constant 0 : i32
    %c0_i32_1 = arith.constant 0 : i32
    return %c0_i32, %c0_i32_0 : i32, i32
  }
  func.func @transform_6(%arg0: i32) -> (i32, i32) {
    %c0_i32 = arith.constant 0 : i32
    %c0_i32_0 = arith.constant 0 : i32
    %c0_i32_1 = arith.constant 0 : i32
    return %c0_i32, %c0_i32_0 : i32, i32
  }
  func.func @transform_7(%arg0: i32) -> (i32, i32) {
    %c0_i32 = arith.constant 0 : i32
    %c0_i32_0 = arith.constant 0 : i32
    %c0_i32_1 = arith.constant 0 : i32
    return %c0_i32, %c0_i32_0 : i32, i32
  }
  func.func @transform_8(%arg0: i32) -> (i32, i32) {
    %c0_i32 = arith.constant 0 : i32
    %c0_i32_0 = arith.constant 0 : i32
    %c0_i32_1 = arith.constant 0 : i32
    return %c0_i32, %c0_i32_0 : i32, i32
  }
  func.func @transform_9(%arg0: i32) -> (i32, i32) {
    %c0_i32 = arith.constant 0 : i32
    %c0_i32_0 = arith.constant 0 : i32
    %c0_i32_1 = arith.constant 0 : i32
    return %c0_i32, %c0_i32_0 : i32, i32
  }
  func.func @transform_10(%arg0: i32) -> (i32, i32) {
    %c0_i32 = arith.constant 0 : i32
    %c0_i32_0 = arith.constant 0 : i32
    %c0_i32_1 = arith.constant 0 : i32
    return %c0_i32, %c0_i32_0 : i32, i32
  }
  func.func @transform_11(%arg0: i32) -> (i32, i32) {
    %c0_i32 = arith.constant 0 : i32
    %c0_i32_0 = arith.constant 0 : i32
    %c0_i32_1 = arith.constant 0 : i32
    return %c0_i32, %c0_i32_0 : i32, i32
  }
  func.func @transform_12(%arg0: i32) -> (i32, i32) {
    %c0_i32 = arith.constant 0 : i32
    %c0_i32_0 = arith.constant 0 : i32
    return %arg0, %c0_i32 : i32, i32
  }
}

</mosaic_0001>

<sc_bundles>
// kernel: kernel.10.cloned.1.call-start
scs
__scs_entry_jumppad:
0x0: {  	(pc) =	sbr.rel $0x88, $3  }
0x1: {  	(tag) =	ssettag $0x0;
	lr =	simm.s32 $0x1  }
0x2: {  	[smem:$0x3F97] =	sst lr;
	_ =	strace $0xD0000000  }
0x3: {  	_ = 	snop  }
0x4: {  	_ = 	snop  }
0x5: {  	_ = 	snop  }
0x6: {  	_ = 	snop  }
0x7: {  	_ = 	snop  }
__scs_overlays_trampoline_lowered:
0x8: {  	[smem:$0x3FA6] =	sst s0  }
0x9: {  	[smem:$0x3FA7] =	sst s1  }
0xa: {  	[smem:$0x3FA8] =	sst s2  }
0xb: {  	[smem:$0x3FA9] =	sst s3  }
0xc: {  	[smem:$0x3FAA] =	sst s4  }
0xd: {  	[smem:$0x3FAB] =	sst s5  }
0xe: {  	[smem:$0x3FAC] =	sst s6  }
0xf: {  	[smem:$0x3FAD] =	sst s7  }
0x10: {  	[smem:$0x3FAE] =	sst s8  }
0x11: {  	[smem:$0x3FAF] =	sst s9;
	s0 =	simm.s32 @!p0 $0x0  }
0x12: {  	s1 =	sld [smem:$0x3F95];
	s0 =	simm.s32 @p0 $0x1  }
0x13: {  	[smem:$0x3FB0] =	sst s0;
	s0 =	simm.s32 @!p1 $0x0  }
0x14: {  	s2 =	sld [smem:$0x3F94];
	s0 =	simm.s32 @p1 $0x1  }
0x15: {  	[smem:$0x3FB1] =	sst s0;
	s0 =	simm.s32 @!p2 $0x0  }
0x16: {  	s3 =	sld [smem:$0x3FDB];
	s0 =	simm.s32 @p2 $0x1  }
0x17: {  	s4 =	simm.s32 $0x1BF5;
	[smem:$0x3FB3] =	sst s0  }
0x18: {  	s0 =	sld [smem:$0x3F96];
	_ =	swait.ge [sflag:s4], $0x0  }
0x19: {  	s7 =	sld [smem:$0x3F97]  }
0x1a: {  	s8 =	sadd.s32 $0xFFFFE003, lr  }
0x1b: {  	s9 =	sadd.s32 $0xFFFFFEF7, lr;
	s5 =	simm.s32 $0xFFFFFFFF;
	p2 =	slt.u32 s8, $0xFFFFF086  }
0x1c: {  	p1 =	slt.u32 s9, $0xF7A;
	s5 =	simm.s32 @!p2 $0x0  }
0x1d: {  	s5 =	simm.s32 @p1 $0x1;
	p0 =	seq.s32 s7, s2  }
0x1e: {  	s7 =	smul.u32 @!p0 $0xF7A, s2;
	p2 =	seq.s32 @!p0 s5, $0x0  }
0x1f: {  	s9 =	smul.u32 $0xF7A, s1;
	s8 =	simm.s32 @!p0 $0x1BF5;
	p2 =	por !p2, p0  }
0x20: {  	[sflag:s8] =	ssyncset.s32 @!p0 $0xFFFFF086;
	s6 =	sadd.s32 @!p0 s3, s7;
	s7 =	simm.s32 @!p0 $0x108  }
0x21: {  	s3 =	sadd.s32 s3, s9;
	s6 =	sadd.s32 @!p0 $0x88, s6;
	s7 =	simm.s32 @p2 $0x1082  }
0x22: {  	[simem:s7], [sflag:s8] =	dma.local @!p0 [hbm:s6], $0xF7A  }
0x23: {  	s9 =	sor.u32 $0xD0000000, s2;
	s6 =	simm.s32 $0x108;
	_ =	swait.ge @!p0 [sflag:s8], $0x0  }
0x24: {  	s3 =	sadd.s32 $0x88, s3;
	s6 =	simm.s32 @!p1 $0x1082;
	[sflag:s4] =	ssyncset.s32 $0xFFFFF086  }
0x25: {  	[simem:s6], [sflag:s4] =	dma.local [hbm:s3], $0xF7A  }
0x26: {  	[smem:$0x3F97] =	sst s1;
	(tag) =	ssettag s2;
	_ =	strace s9  }
0x27: {  	s1 =	sld [smem:$0x3FA7]  }
0x28: {  	s2 =	sld [smem:$0x3FA8]  }
0x29: {  	s4 =	sld [smem:$0x3FAA]  }
0x2a: {  	p0 =	seq.s32 s5, $0x0;
	s5 =	sld [smem:$0x3FAB]  }
0x2b: {  	s6 =	sld [smem:$0x3FAC]  }
0x2c: {  	s7 =	sld [smem:$0x3FAD]  }
0x2d: {  	s3 =	simm.s32 $0x108;
	s8 =	sld [smem:$0x3FAE]  }
0x2e: {  	s3 =	simm.s32 @!p0 $0x1082;
	s9 =	sld [smem:$0x3FAF]  }
0x2f: {  	lr =	sadd.s32 s0, s3;
	s0 =	sld [smem:$0x3FA6]  }
0x30: {  	s3 =	sld [smem:$0x3FA9]  }
0x31: {  	[smem:$0x3FB2] =	sst s10  }
0x32: {  	s10 =	sld [smem:$0x3FB0];
	_ =	sdelay $0x3  }
0x33: {  	p0 =	seq.s32 s10, $0x1;
	s10 =	sld [smem:$0x3FB2];
	_ =	sdelay $0x3  }
0x34: {  	[smem:$0x3FB2] =	sst s10  }
0x35: {  	s10 =	sld [smem:$0x3FB1];
	_ =	sdelay $0x3  }
0x36: {  	p1 =	seq.s32 s10, $0x1;
	s10 =	sld [smem:$0x3FB2];
	_ =	sdelay $0x3  }
0x37: {  	[smem:$0x3FB2] =	sst s10  }
0x38: {  	s10 =	sld [smem:$0x3FB3]  }
0x39: {  	_ = 	snop;
	(pc) =	sbr.ind lr, $3  }
0x3a: {  	_ = 	snop  }
0x3b: {  	_ = 	snop  }
0x3c: {  	p2 =	seq.s32 s10, $0x1;
	s10 =	sld [smem:$0x3FB2]  }
0x3d: {  	_ =	shalt  }
0x3e: {  	_ =	shalt  }
0x3f: {  	_ =	shalt  }
0x40: {  	_ =	shalt  }
0x41: {  	_ =	shalt  }
0x42: {  	_ =	shalt  }
0x43: {  	_ =	shalt  }
0x44: {  	_ =	shalt  }
0x45: {  	_ =	shalt  }
0x46: {  	_ =	shalt  }
0x47: {  	_ =	shalt  }
0x48: {  	_ =	shalt  }
0x49: {  	_ =	shalt  }
0x4a: {  	_ =	shalt  }
0x4b: {  	_ =	shalt  }
0x4c: {  	_ =	shalt  }
0x4d: {  	_ =	shalt  }
0x4e: {  	_ =	shalt  }
0x4f: {  	_ =	shalt  }
0x50: {  	_ =	shalt  }
0x51: {  	_ =	shalt  }
0x52: {  	_ =	shalt  }
0x53: {  	_ =	shalt  }
0x54: {  	_ =	shalt  }
0x55: {  	_ =	shalt  }
0x56: {  	_ =	shalt  }
0x57: {  	_ =	shalt  }
0x58: {  	_ =	shalt  }
0x59: {  	_ =	shalt  }
0x5a: {  	_ =	shalt  }
0x5b: {  	_ =	shalt  }
0x5c: {  	_ =	shalt  }
0x5d: {  	_ =	shalt  }
0x5e: {  	_ =	shalt  }
0x5f: {  	_ =	shalt  }
0x60: {  	_ =	shalt  }
0x61: {  	_ =	shalt  }
0x62: {  	_ =	shalt  }
0x63: {  	_ =	shalt  }
0x64: {  	_ =	shalt  }
0x65: {  	_ =	shalt  }
0x66: {  	_ =	shalt  }
0x67: {  	_ =	shalt  }
0x68: {  	_ =	shalt  }
0x69: {  	_ =	shalt  }
0x6a: {  	_ =	shalt  }
0x6b: {  	_ =	shalt  }
0x6c: {  	_ =	shalt  }
0x6d: {  	_ =	shalt  }
0x6e: {  	_ =	shalt  }
0x6f: {  	_ =	shalt  }
0x70: {  	_ =	shalt  }
0x71: {  	_ =	shalt  }
0x72: {  	_ =	shalt  }
0x73: {  	_ =	shalt  }
0x74: {  	_ =	shalt  }
0x75: {  	_ =	shalt  }
0x76: {  	_ =	shalt  }
0x77: {  	_ =	shalt  }
0x78: {  	_ =	shalt  }
0x79: {  	_ =	shalt  }
0x7a: {  	_ =	shalt  }
0x7b: {  	_ =	shalt  }
0x7c: {  	_ =	shalt  }
0x7d: {  	_ =	shalt  }
0x7e: {  	_ =	shalt  }
0x7f: {  	_ =	shalt  }
0x80: {  	_ =	shalt  }
0x81: {  	_ =	shalt  }
0x82: {  	_ =	shalt  }
0x83: {  	_ =	shalt  }
0x84: {  	_ =	shalt  }
0x85: {  	_ =	shalt  }
0x86: {  	_ =	shalt  }
0x87: {  	_ =	shalt  }
.Lfunc_end0:
.L_simem_size_0:
called_computation.1_lowered:
.L_overlay_start_0:
0x88: {  	s2 =	sld [smem:$0x3FD9]  }
0x89: {  	s3 =	sld [smem:$0x3FFE];
	_ =	sdelay $0x1  }
0x8a: {  	s1 =	srdreg.scid  }
0x8b: {  	s0 =	sand.u32 $0x1, s1  }
0x8c: {  	s17 =	sshll.u32 s0, $0xA;
	s2 =	sadd.s32 s3, s2  }
0x8d: {  	s2 =	sadd.s32 s2, s17  }
0x8e: {  	[smem:$0x3FBE] =	sst s2  }
0x8f: {  	_ = 	snop  }
0x90: {  	(tm) =	ssettm $0x1  }
0x91: {  	s18 =	sld [smem:$0x3FFB];
	_ =	sdelay $0x3  }
0x92: {  	_ =	strace s18  }
0x93: {  	s2 =	sld [smem:$0x3FFC];
	_ =	sdelay $0x3  }
0x94: {  	_ =	strace s2  }
0x95: {  	s2 =	sld [smem:$0x3FFD];
	_ =	sdelay $0x3  }
0x96: {  	_ =	strace s2  }
0x97: {  	_ =	strace $0x8FFFFFFF  }
0x98: {  	s19 =	sld [smem:$0x3FDB];
	_ =	sdelay $0x1  }
0x99: {  	s20 =	simm.s32 $_scs_section_size  }
0x9a: {  	s4 =	simm.s32 $_size__tile_overlayer_lowered;
	s5 =	simm.s32 $_tile_overlayer_lowered  }
0x9b: {  	s6 =	simm.s32 $0x1BFF;
	s21 =	sshll.u32 s5, $0x1;
	s3 =	sadd.s32 s20, s19  }
0x9c: {  	s22 =	simm.s32 $0x0;
	s4 =	sshll.u32 s4, $0x1;
	s5 =	sadd.s32 s21, s3  }
0x9d: {  	[timem:s22], [sflag:s6] =	dma.local [hbm:s5], s4  }
0x9e: {  	_ =	swait.ge [sflag:s6], s4  }
0x9f: {  	s4 =	ssub.s32 $0x0, s4;
	[sflag:s6] =	ssyncset.done $0x0  }
0xa0: {  	[sflag:s6] =	ssyncadd.s32 s4;
	_ =	sdelay $0x1  }
0xa1: {  	s23 =	simm.s32 $0x1B8B  }
0xa2: {  	_ =	swait.ge [sflag:s23], $0x1  }
0xa3: {  	[sflag:s23] =	ssyncset.done $0x0  }
0xa4: {  	[sflag:s23] =	ssyncadd.s32 $0xFFFFFFFF  }
0xa5: {  	s4 =	sld [smem:$0x0]  }
0xa6: {  	s5 =	sand.u32 $0xFFFFFFFE, s1  }
0xa7: {  	p0 =	sne.s32 s1, s5  }
0xa8: {  	s5 =	sshll.u32 @p0 s5, $0xE  }
0xa9: {  	s5 =	sadd.s32 @p0 $0x11B8D, s5;
	s6 =	sshll.u32 @p0 s4, $0x11  }
0xaa: {  	s5 =	sor.u32 @p0 s6, s5  }
0xab: {  	[sflag:s5] =	ssyncadd.remote.s32 @p0 $0x1;
	_ =	sdelay $0x1  }
0xac: {  	s5 =	simm.s32 @p0 $0x1B8D  }
0xad: {  	_ =	swait.eq @p0 [sflag:s5], $0x1  }
0xae: {  	[sflag:s5] =	ssyncadd.s32 @p0 $0xFFFFFFFF  }
0xaf: {  	s6 =	sshll.u32 @!p0 s1, $0xE  }
0xb0: {  	s6 =	sor.u32 @!p0 $0x4000, s6;
	s5 =	simm.s32 @!p0 $0x1B8D  }
0xb1: {  	s4 =	sshll.u32 @!p0 s4, $0x11;
	s6 =	sadd.s32 @!p0 $0x11B8D, s6;
	_ =	swait.eq @!p0 [sflag:s5], $0x1  }
0xb2: {  	s4 =	sor.u32 @!p0 s4, s6;
	[sflag:s5] =	ssyncadd.s32 @!p0 $0xFFFFFFFF  }
0xb3: {  	s25 =	simm.s32 $0x1B8E;
	s24 =	sld [smem:$0x3FFE];
	[sflag:s4] =	ssyncadd.remote.s32 @!p0 $0x1  }
0xb4: {  	s26 =	simm.s32 $execute0_lowered;
	[smem:$0x3FD2] =	sst s25  }
0xb5: {  	s5 =	sshll.u32 s26, $0x1;
	_ =	strace $0x80000049;
	[dreg:$0x1] =	wrdreg $0xFFFFFFFF  }
0xb6: {  	s28 =	simm.s32 $_size_execute0_lowered;
	s3 =	sadd.s32 s3, s5;
	[dreg:$0x0] =	wrdreg $0x0  }
0xb7: {  	s5 =	sshll.u32 s28, $0x1;
	[dreg:$0x2] =	wrdreg s3  }
0xb8: {  	[dreg:$0x3] =	wrdreg s5  }
0xb9: {  	[dreg:$0x4] =	wrdreg $0xC0  }
0xba: {  	_ =	task [dreg:s22], $0x5FFFF  }
0xbb: {  	[dreg:$0x1] =	wrdreg $0xFFFFFFFF  }
0xbc: {  	[dreg:$0x0] =	wrdreg $0x60  }
0xbd: {  	[dreg:$0x2] =	wrdreg s24  }
0xbe: {  	[dreg:$0x3] =	wrdreg $0x0  }
0xbf: {  	[dreg:$0x4] =	wrdreg $0xA0000  }
0xc0: {  	[dreg:$0x5] =	wrdreg $0xA  }
0xc1: {  	_ =	task.clear_ibuf [dreg:s22], $0x6FFFF;
	_ =	strace $0x90000049  }
0xc2: {  	s29 =	simm.s32 $0xA;
	_ =	strace $0x8000004B  }
0xc3: {  	_ =	swait.ge [sflag:s29], $0x1  }
0xc4: {  	[sflag:s29] =	ssyncadd.s32 $0xFFFFFFFF  }
0xc5: {  	_ =	strace $0x9000004B  }
0xc6: {  	_ =	sfence  }
0xc7: {  	s30 =	sld [smem:$0x0];
	_ =	sdelay $0x2  }
0xc8: {  	s31 =	sshll.u32 s1, $0xD;
	s1 =	sshrl.u32 s1, $0x2  }
0xc9: {  	s4 =	sand.u32 $0x4000, s31;
	s1 =	sadd.s32 s1, s30  }
0xca: {  	s0 =	sor.u32 s4, s0;
	s1 =	sshll.u32 s1, $0x11  }
0xcb: {  	s0 =	sor.u32 s1, s0  }
0xcc: {  	s0 =	sadd.s32 $0x8F2B, s0  }
0xcd: {  	[sflag:s0] =	ssyncadd.remote.s32 $0x1  }
0xce: {  	_ =	sfence.sel $0xFFFF  }
0xcf: {  	[dreg:$0x0] =	wrdreg $0xFFFFFFFF;
	(pc) =	sbr.abs _section_cstart, $3  }
0xd0: {  	[dreg:$0x1] =	wrdreg $0xFFFFFFFF  }
0xd1: {  	_ =	task.clear_ibuf [dreg:s22], $0x2FFFF;
	_ =	strace $0x9FFFFFFF  }
0xd2: {  	(tm) =	ssettm $0x7FFFFFFF  }
0xd3: {  	_ =	shalt  }
tec
execute0_lowered:
.L_overlay_start_1:
0x0: {  	(tag) =	ssettag $0x1  }
0x1: {  	s0 =	rddreg [dreg:$0x0]  }
0x2: {  	s1 =	srdreg.scid;
	s2 =	rddreg [dreg:$0x1]  }
0x3: {  	s9 =	stileid.u32;
	s3 =	rddreg [dreg:$0x2];
	s6 =	simm.s32 $0x0  }
0x4: {  	s20 =	simm.s32 $0x3;
	s21 =	simm.s32 $0x14000;
	s22 =	simm.s32 $0x15400  }
0x5: {  	s28 =	simm.s32 $0x1;
	s29 =	simm.s32 $0x2;
	s30 =	simm.s32 $0x16700  }
0x6: {  	s31 =	simm.s32 $0x16780;
	s1 =	sand.u32 $0x1, s1;
	s4 =	smul.u32 $0x14000, s9  }
0x7: {  	[smem:$0x7FF] =	sst s6;
	s15 =	sadd.s32 $0xDC00, s0;
	s16 =	sadd.s32 $0x3200, s0  }
0x8: {  	s8 =	smul.u32 $0x5000, s9;
	s10 =	sadd.s32 $0x67C00, s0;
	s24 =	sshll.u32 s9, $0x6  }
0x9: {  	s5 =	smul.u32 $0x140000, s1;
	_ =	strace $0x8000004A;
	s23 =	ssub.s32 $0x2, s1  }
0xa: {  	[dreg:$0x4] =	wrdreg s10;
	p0 =	seq.s32 s1, $0x1;
	s1 =	simm.s32 $0x92400  }
0xb: {  	s7 =	sshrl.u32 s23, $0x1;
	s19 =	sadd.s32 s4, s2;
	s14 =	sshrl.u32 s8, $0x3  }
0xc: {  	s8 =	sadd.s32 s4, s3;
	s1 =	simm.s32 @!p0 $0x6A400;
	s5 =	sadd.s32 s4, s5  }
0xd: {  	s17 =	ssub.s32 s23, s7;
	s7 =	sor.u32 $0x1C03, s24;
	s9 =	sadd.s32 s15, s14  }
0xe: {  	s10 =	sadd.s32 s16, s14;
	s25 =	sadd.s32 $0x280, s14;
	s18 =	sadd.s32 $0x500, s14  }
0xf: {  	s26 =	sadd.s32 $0x780, s14;
	s4 =	sshrl.u32 s4, $0x3;
	s19 =	sshrl.u32 s19, $0x3  }
0x10: {  	s23 =	simm.s32 $0x80;
	s24 =	simm.s32 $0x16800;
	s5 =	sshrl.u32 s5, $0x3  }
0x11: {  	s11 =	sadd.s32 s15, s25;
	s12 =	sadd.s32 s16, s25;
	s13 =	sadd.s32 s15, s18  }
0x12: {  	s14 =	sadd.s32 s16, s18;
	s15 =	sadd.s32 s15, s26;
	s16 =	sadd.s32 s16, s26  }
0x13: {  	s17 =	smax.u32 s17, $0x1;
	s25 =	simm.s32 $0x14080;
	s5 =	sadd.s32 s5, s0  }
0x14: {  	s26 =	simm.s32 $0x1A800;
	s0 =	sadd.s32 s1, s0;
	s5 =	sadd.s32 $0x17C00, s5  }
0x15: {  	s1 =	simm.s32 $0x0;
	s18 =	sadd.s32 s0, s4;
	[dreg:$0x5] =	wrdreg s5  }
.LBB2_1:
0x16: {  	s0 =	rddreg [dreg:$0x5]  }
0x17: {  	[spmem:s19], [sflag:s7] =	dma.local [hbm:s0], $0x2800  }
0x18: {  	_ =	swait.ge [sflag:s20], $0x2800  }
0x19: {  	[sflag:s20] =	ssyncset.done $0x0  }
0x1a: {  	s0 =	sshrl.u32 s8, $0x3;
	s4 =	rddreg [dreg:$0x4];
	[sflag:s20] =	ssyncadd.s32 $0xFFFFD800  }
0x1b: {  	[spmem:s0], [sflag:s7] =	dma.local [hbm:s4], $0x2800  }
0x1c: {  	_ =	swait.ge [sflag:s20], $0x2800  }
0x1d: {  	[sflag:s20] =	ssyncset.done $0x0  }
0x1e: {  	[sflag:s20] =	ssyncadd.s32 $0xFFFFD800  }
0x1f: {  	s5 =	simm.s32 $0x0;
	[bflag:$0x0] =	sbarrier.arrive $0xFFFF  }
0x20: {  	[tilespmem:s21], [sflag:$0x3] =	stream.linear.gather [hbm4b:s9+s5], $0x1400, $0x38;
	[tilespmem:$0x1E800] =	vst v63  }
0x21: {  	_ =	swait.ge [sflag:s20], $0x1400  }
0x22: {  	[sflag:s20] =	ssyncset.done $0x0  }
0x23: {  	[sflag:s20] =	ssyncadd.s32 $0xFFFFEC00  }
0x24: {  	[tilespmem:s22], [sflag:$0x3] =	stream.linear.gather [hbm4b:s10+s5], $0x1400, $0x38;
	[tilespmem:$0x1E800] =	vst v63  }
0x25: {  	_ =	swait.ge [sflag:s20], $0x1400  }
0x26: {  	[sflag:s20] =	ssyncset.done $0x0  }
0x27: {  	[sflag:s20] =	ssyncadd.s32 $0xFFFFEC00  }
0x28: {  	[tilespmem:s24], [sflag:$0x1] =	stream.indirect.gather [spmem:s2], $0x40, s21, s23, $0xb8;
	[tilespmem:$0x1E800] =	vst v63  }
0x29: {  	_ = 	snop  }
0x2a: {  	[tilespmem:s26], [sflag:$0x2] =	stream.indirect.gather [spmem:s2], $0x40, s25, s23, $0xb8;
	[tilespmem:$0x1E800] =	vst v63  }
0x2b: {  	_ =	swait.ge [sflag:s28], $0x2000  }
0x2c: {  	[sflag:s28] =	ssyncset.done $0x0  }
0x2d: {  	s6 =	simm.s32 $0x15400;
	[sflag:s28] =	ssyncadd.s32 $0xFFFFE000  }
0x2e: {  	[spmem:s3] =	stream.indirect.scatter.add.f32 [tilespmem:s24], [sflag:$0x3], $0x40, s6, s23, $0xb8;
	[tilespmem:$0x1E800] =	vst v63  }
0x2f: {  	_ =	swait.ge [sflag:s20], $0x2000  }
0x30: {  	[sflag:s20] =	ssyncset.done $0x0  }
0x31: {  	s5 =	simm.s32 $0x14100;
	[sflag:s20] =	ssyncadd.s32 $0xFFFFE000  }
0x32: {  	[tilespmem:s24], [sflag:$0x1] =	stream.indirect.gather [spmem:s2], $0x40, s5, s23, $0xb8;
	[tilespmem:$0x1E800] =	vst v63  }
0x33: {  	_ =	swait.ge [sflag:s29], $0x2000  }
0x34: {  	[sflag:s29] =	ssyncset.done $0x0  }
0x35: {  	s6 =	simm.s32 $0x15480;
	[sflag:s29] =	ssyncadd.s32 $0xFFFFE000  }
0x36: {  	[spmem:s3] =	stream.indirect.scatter.add.f32 [tilespmem:s26], [sflag:$0x3], $0x40, s6, s23, $0xb8;
	[tilespmem:$0x1E800] =	vst v63  }
0x37: {  	_ =	swait.ge [sflag:s20], $0x2000  }
0x38: {  	[sflag:s20] =	ssyncset.done $0x0  }
0x39: {  	s4 =	simm.s32 $0x400;
	s5 =	simm.s32 $0x14180;
	[sflag:s20] =	ssyncadd.s32 $0xFFFFE000  }
.LBB2_2:
0x3a: {  	[tilespmem:s26], [sflag:$0x2] =	stream.indirect.gather [spmem:s2], $0x40, s5, s23, $0xb8;
	[tilespmem:$0x1E800] =	vst v63  }
0x3b: {  	s5 =	smov.u32 s4  }
0x3c: {  	p0 =	sne.s32 s4, $0x4800;
	s4 =	sadd.s32 $0x400, s4;
	_ =	swait.ge [sflag:s28], $0x2000  }
0x3d: {  	s5 =	sshra.s32 s5, $0x2;
	[sflag:s28] =	ssyncset.done $0x0  }
0x3e: {  	s6 =	sadd.s32 $0x15400, s5;
	[sflag:s28] =	ssyncadd.s32 $0xFFFFE000  }
0x3f: {  	[spmem:s3] =	stream.indirect.scatter.add.f32 [tilespmem:s24], [sflag:$0x3], $0x40, s6, s23, $0xb8;
	[tilespmem:$0x1E800] =	vst v63  }
0x40: {  	_ =	swait.ge [sflag:s20], $0x2000  }
0x41: {  	[sflag:s20] =	ssyncset.done $0x0  }
0x42: {  	s6 =	sadd.s32 $0x14100, s5;
	[sflag:s20] =	ssyncadd.s32 $0xFFFFE000  }
0x43: {  	[tilespmem:s24], [sflag:$0x1] =	stream.indirect.gather [spmem:s2], $0x40, s6, s23, $0xb8;
	[tilespmem:$0x1E800] =	vst v63  }
0x44: {  	_ =	swait.ge [sflag:s29], $0x2000  }
0x45: {  	[sflag:s29] =	ssyncset.done $0x0  }
.Ltmp0:
0x46: {  	s6 =	sadd.s32 $0x15480, s5;
	[sflag:s29] =	ssyncadd.s32 $0xFFFFE000;
	(pc) =	sbr.rel @p0 .LBB2_2-.Ltmp0, $4  }
0x47: {  	[spmem:s3] =	stream.indirect.scatter.add.f32 [tilespmem:s26], [sflag:$0x3], $0x40, s6, s23, $0xb8;
	[tilespmem:$0x1E800] =	vst v63  }
0x48: {  	_ =	swait.ge [sflag:s20], $0x2000  }
0x49: {  	[sflag:s20] =	ssyncset.done $0x0  }
0x4a: {  	s5 =	sadd.s32 $0x14180, s5;
	[sflag:s20] =	ssyncadd.s32 $0xFFFFE000  }
0x4b: {  	[tilespmem:s26], [sflag:$0x2] =	stream.indirect.gather [spmem:s2], $0x40, s5, s23, $0xb8;
	[tilespmem:$0x1E800] =	vst v63  }
0x4c: {  	_ =	swait.ge [sflag:s28], $0x2000  }
0x4d: {  	[sflag:s28] =	ssyncset.done $0x0  }
0x4e: {  	[sflag:s28] =	ssyncadd.s32 $0xFFFFE000  }
0x4f: {  	[spmem:s3] =	stream.indirect.scatter.add.f32 [tilespmem:s24], [sflag:$0x3], $0x40, s30, s23, $0xb8;
	[tilespmem:$0x1E800] =	vst v63  }
0x50: {  	_ =	swait.ge [sflag:s20], $0x2000  }
0x51: {  	[sflag:s20] =	ssyncset.done $0x0  }
0x52: {  	[sflag:s20] =	ssyncadd.s32 $0xFFFFE000  }
0x53: {  	_ =	swait.ge [sflag:s29], $0x2000  }
0x54: {  	[sflag:s29] =	ssyncset.done $0x0  }
0x55: {  	[sflag:s29] =	ssyncadd.s32 $0xFFFFE000  }
0x56: {  	[spmem:s3] =	stream.indirect.scatter.add.f32 [tilespmem:s26], [sflag:$0x3], $0x40, s31, s23, $0xb8;
	[tilespmem:$0x1E800] =	vst v63  }
0x57: {  	_ =	swait.ge [sflag:s20], $0x2000  }
0x58: {  	[sflag:s20] =	ssyncset.done $0x0  }
0x59: {  	s4 =	simm.s32 $0x0;
	[sflag:s20] =	ssyncadd.s32 $0xFFFFE000  }
0x5a: {  	[tilespmem:s21], [sflag:$0x3] =	stream.linear.gather [hbm4b:s11+s4], $0x1400, $0x38;
	[tilespmem:$0x1E800] =	vst v63  }
0x5b: {  	_ =	swait.ge [sflag:s20], $0x1400  }
0x5c: {  	[sflag:s20] =	ssyncset.done $0x0  }
0x5d: {  	[sflag:s20] =	ssyncadd.s32 $0xFFFFEC00  }
0x5e: {  	[tilespmem:s22], [sflag:$0x3] =	stream.linear.gather [hbm4b:s12+s4], $0x1400, $0x38;
	[tilespmem:$0x1E800] =	vst v63  }
0x5f: {  	_ =	swait.ge [sflag:s20], $0x1400  }
0x60: {  	[sflag:s20] =	ssyncset.done $0x0  }
0x61: {  	[sflag:s20] =	ssyncadd.s32 $0xFFFFEC00  }
0x62: {  	[tilespmem:s24], [sflag:$0x1] =	stream.indirect.gather [spmem:s2], $0x40, s21, s23, $0xb8;
	[tilespmem:$0x1E800] =	vst v63  }
0x63: {  	_ = 	snop  }
0x64: {  	[tilespmem:s26], [sflag:$0x2] =	stream.indirect.gather [spmem:s2], $0x40, s25, s23, $0xb8;
	[tilespmem:$0x1E800] =	vst v63  }
0x65: {  	_ =	swait.ge [sflag:s28], $0x2000  }
0x66: {  	[sflag:s28] =	ssyncset.done $0x0  }
0x67: {  	s6 =	simm.s32 $0x15400;
	[sflag:s28] =	ssyncadd.s32 $0xFFFFE000  }
0x68: {  	[spmem:s3] =	stream.indirect.scatter.add.f32 [tilespmem:s24], [sflag:$0x3], $0x40, s6, s23, $0xb8;
	[tilespmem:$0x1E800] =	vst v63  }
0x69: {  	_ =	swait.ge [sflag:s20], $0x2000  }
0x6a: {  	[sflag:s20] =	ssyncset.done $0x0  }
0x6b: {  	s5 =	simm.s32 $0x14100;
	[sflag:s20] =	ssyncadd.s32 $0xFFFFE000  }
0x6c: {  	[tilespmem:s24], [sflag:$0x1] =	stream.indirect.gather [spmem:s2], $0x40, s5, s23, $0xb8;
	[tilespmem:$0x1E800] =	vst v63  }
0x6d: {  	_ =	swait.ge [sflag:s29], $0x2000  }
0x6e: {  	[sflag:s29] =	ssyncset.done $0x0  }
0x6f: {  	s6 =	simm.s32 $0x15480;
	[sflag:s29] =	ssyncadd.s32 $0xFFFFE000  }
0x70: {  	[spmem:s3] =	stream.indirect.scatter.add.f32 [tilespmem:s26], [sflag:$0x3], $0x40, s6, s23, $0xb8;
	[tilespmem:$0x1E800] =	vst v63  }
0x71: {  	_ =	swait.ge [sflag:s20], $0x2000  }
0x72: {  	[sflag:s20] =	ssyncset.done $0x0  }
0x73: {  	s4 =	simm.s32 $0x400;
	s5 =	simm.s32 $0x14180;
	[sflag:s20] =	ssyncadd.s32 $0xFFFFE000  }
.LBB2_4:
0x74: {  	[tilespmem:s26], [sflag:$0x2] =	stream.indirect.gather [spmem:s2], $0x40, s5, s23, $0xb8;
	[tilespmem:$0x1E800] =	vst v63  }
0x75: {  	s5 =	smov.u32 s4  }
0x76: {  	p0 =	sne.s32 s4, $0x4800;
	s4 =	sadd.s32 $0x400, s4;
	_ =	swait.ge [sflag:s28], $0x2000  }
0x77: {  	s5 =	sshra.s32 s5, $0x2;
	[sflag:s28] =	ssyncset.done $0x0  }
0x78: {  	s6 =	sadd.s32 $0x15400, s5;
	[sflag:s28] =	ssyncadd.s32 $0xFFFFE000  }
0x79: {  	[spmem:s3] =	stream.indirect.scatter.add.f32 [tilespmem:s24], [sflag:$0x3], $0x40, s6, s23, $0xb8;
	[tilespmem:$0x1E800] =	vst v63  }
0x7a: {  	_ =	swait.ge [sflag:s20], $0x2000  }
0x7b: {  	[sflag:s20] =	ssyncset.done $0x0  }
0x7c: {  	s6 =	sadd.s32 $0x14100, s5;
	[sflag:s20] =	ssyncadd.s32 $0xFFFFE000  }
0x7d: {  	[tilespmem:s24], [sflag:$0x1] =	stream.indirect.gather [spmem:s2], $0x40, s6, s23, $0xb8;
	[tilespmem:$0x1E800] =	vst v63  }
0x7e: {  	_ =	swait.ge [sflag:s29], $0x2000  }
0x7f: {  	[sflag:s29] =	ssyncset.done $0x0  }
.Ltmp1:
0x80: {  	s6 =	sadd.s32 $0x15480, s5;
	[sflag:s29] =	ssyncadd.s32 $0xFFFFE000;
	(pc) =	sbr.rel @p0 .LBB2_4-.Ltmp1, $4  }
0x81: {  	[spmem:s3] =	stream.indirect.scatter.add.f32 [tilespmem:s26], [sflag:$0x3], $0x40, s6, s23, $0xb8;
	[tilespmem:$0x1E800] =	vst v63  }
0x82: {  	_ =	swait.ge [sflag:s20], $0x2000  }
0x83: {  	[sflag:s20] =	ssyncset.done $0x0  }
0x84: {  	s5 =	sadd.s32 $0x14180, s5;
	[sflag:s20] =	ssyncadd.s32 $0xFFFFE000  }
0x85: {  	[tilespmem:s26], [sflag:$0x2] =	stream.indirect.gather [spmem:s2], $0x40, s5, s23, $0xb8;
	[tilespmem:$0x1E800] =	vst v63  }
0x86: {  	_ =	swait.ge [sflag:s28], $0x2000  }
0x87: {  	[sflag:s28] =	ssyncset.done $0x0  }
0x88: {  	[sflag:s28] =	ssyncadd.s32 $0xFFFFE000  }
0x89: {  	[spmem:s3] =	stream.indirect.scatter.add.f32 [tilespmem:s24], [sflag:$0x3], $0x40, s30, s23, $0xb8;
	[tilespmem:$0x1E800] =	vst v63  }
0x8a: {  	_ =	swait.ge [sflag:s20], $0x2000  }
0x8b: {  	[sflag:s20] =	ssyncset.done $0x0  }
0x8c: {  	[sflag:s20] =	ssyncadd.s32 $0xFFFFE000  }
0x8d: {  	_ =	swait.ge [sflag:s29], $0x2000  }
0x8e: {  	[sflag:s29] =	ssyncset.done $0x0  }
0x8f: {  	[sflag:s29] =	ssyncadd.s32 $0xFFFFE000  }
0x90: {  	[spmem:s3] =	stream.indirect.scatter.add.f32 [tilespmem:s26], [sflag:$0x3], $0x40, s31, s23, $0xb8;
	[tilespmem:$0x1E800] =	vst v63  }
0x91: {  	_ =	swait.ge [sflag:s20], $0x2000  }
0x92: {  	[sflag:s20] =	ssyncset.done $0x0  }
0x93: {  	s4 =	simm.s32 $0x0;
	[sflag:s20] =	ssyncadd.s32 $0xFFFFE000  }
0x94: {  	[tilespmem:s21], [sflag:$0x3] =	stream.linear.gather [hbm4b:s13+s4], $0x1400, $0x38;
	[tilespmem:$0x1E800] =	vst v63  }
0x95: {  	_ =	swait.ge [sflag:s20], $0x1400  }
0x96: {  	[sflag:s20] =	ssyncset.done $0x0  }
0x97: {  	[sflag:s20] =	ssyncadd.s32 $0xFFFFEC00  }
0x98: {  	[tilespmem:s22], [sflag:$0x3] =	stream.linear.gather [hbm4b:s14+s4], $0x1400, $0x38;
	[tilespmem:$0x1E800] =	vst v63  }
0x99: {  	_ =	swait.ge [sflag:s20], $0x1400  }
0x9a: {  	[sflag:s20] =	ssyncset.done $0x0  }
0x9b: {  	[sflag:s20] =	ssyncadd.s32 $0xFFFFEC00  }
0x9c: {  	[tilespmem:s24], [sflag:$0x1] =	stream.indirect.gather [spmem:s2], $0x40, s21, s23, $0xb8;
	[tilespmem:$0x1E800] =	vst v63  }
0x9d: {  	_ = 	snop  }
0x9e: {  	[tilespmem:s26], [sflag:$0x2] =	stream.indirect.gather [spmem:s2], $0x40, s25, s23, $0xb8;
	[tilespmem:$0x1E800] =	vst v63  }
0x9f: {  	_ =	swait.ge [sflag:s28], $0x2000  }
0xa0: {  	[sflag:s28] =	ssyncset.done $0x0  }
0xa1: {  	s6 =	simm.s32 $0x15400;
	[sflag:s28] =	ssyncadd.s32 $0xFFFFE000  }
0xa2: {  	[spmem:s3] =	stream.indirect.scatter.add.f32 [tilespmem:s24], [sflag:$0x3], $0x40, s6, s23, $0xb8;
	[tilespmem:$0x1E800] =	vst v63  }
0xa3: {  	_ =	swait.ge [sflag:s20], $0x2000  }
0xa4: {  	[sflag:s20] =	ssyncset.done $0x0  }
0xa5: {  	s5 =	simm.s32 $0x14100;
	[sflag:s20] =	ssyncadd.s32 $0xFFFFE000  }
0xa6: {  	[tilespmem:s24], [sflag:$0x1] =	stream.indirect.gather [spmem:s2], $0x40, s5, s23, $0xb8;
	[tilespmem:$0x1E800] =	vst v63  }
0xa7: {  	_ =	swait.ge [sflag:s29], $0x2000  }
0xa8: {  	[sflag:s29] =	ssyncset.done $0x0  }
0xa9: {  	s6 =	simm.s32 $0x15480;
	[sflag:s29] =	ssyncadd.s32 $0xFFFFE000  }
0xaa: {  	[spmem:s3] =	stream.indirect.scatter.add.f32 [tilespmem:s26], [sflag:$0x3], $0x40, s6, s23, $0xb8;
	[tilespmem:$0x1E800] =	vst v63  }
0xab: {  	_ =	swait.ge [sflag:s20], $0x2000  }
0xac: {  	[sflag:s20] =	ssyncset.done $0x0  }
0xad: {  	s4 =	simm.s32 $0x400;
	s5 =	simm.s32 $0x14180;
	[sflag:s20] =	ssyncadd.s32 $0xFFFFE000  }
.LBB2_6:
0xae: {  	[tilespmem:s26], [sflag:$0x2] =	stream.indirect.gather [spmem:s2], $0x40, s5, s23, $0xb8;
	[tilespmem:$0x1E800] =	vst v63  }
0xaf: {  	s5 =	smov.u32 s4  }
0xb0: {  	p0 =	sne.s32 s4, $0x4800;
	s4 =	sadd.s32 $0x400, s4;
	_ =	swait.ge [sflag:s28], $0x2000  }
0xb1: {  	s5 =	sshra.s32 s5, $0x2;
	[sflag:s28] =	ssyncset.done $0x0  }
0xb2: {  	s6 =	sadd.s32 $0x15400, s5;
	[sflag:s28] =	ssyncadd.s32 $0xFFFFE000  }
0xb3: {  	[spmem:s3] =	stream.indirect.scatter.add.f32 [tilespmem:s24], [sflag:$0x3], $0x40, s6, s23, $0xb8;
	[tilespmem:$0x1E800] =	vst v63  }
0xb4: {  	_ =	swait.ge [sflag:s20], $0x2000  }
0xb5: {  	[sflag:s20] =	ssyncset.done $0x0  }
0xb6: {  	s6 =	sadd.s32 $0x14100, s5;
	[sflag:s20] =	ssyncadd.s32 $0xFFFFE000  }
0xb7: {  	[tilespmem:s24], [sflag:$0x1] =	stream.indirect.gather [spmem:s2], $0x40, s6, s23, $0xb8;
	[tilespmem:$0x1E800] =	vst v63  }
0xb8: {  	_ =	swait.ge [sflag:s29], $0x2000  }
0xb9: {  	[sflag:s29] =	ssyncset.done $0x0  }
.Ltmp2:
0xba: {  	s6 =	sadd.s32 $0x15480, s5;
	[sflag:s29] =	ssyncadd.s32 $0xFFFFE000;
	(pc) =	sbr.rel @p0 .LBB2_6-.Ltmp2, $4  }
0xbb: {  	[spmem:s3] =	stream.indirect.scatter.add.f32 [tilespmem:s26], [sflag:$0x3], $0x40, s6, s23, $0xb8;
	[tilespmem:$0x1E800] =	vst v63  }
0xbc: {  	_ =	swait.ge [sflag:s20], $0x2000  }
0xbd: {  	[sflag:s20] =	ssyncset.done $0x0  }
0xbe: {  	s5 =	sadd.s32 $0x14180, s5;
	[sflag:s20] =	ssyncadd.s32 $0xFFFFE000  }
0xbf: {  	[tilespmem:s26], [sflag:$0x2] =	stream.indirect.gather [spmem:s2], $0x40, s5, s23, $0xb8;
	[tilespmem:$0x1E800] =	vst v63  }
0xc0: {  	_ =	swait.ge [sflag:s28], $0x2000  }
0xc1: {  	[sflag:s28] =	ssyncset.done $0x0  }
0xc2: {  	[sflag:s28] =	ssyncadd.s32 $0xFFFFE000  }
0xc3: {  	[spmem:s3] =	stream.indirect.scatter.add.f32 [tilespmem:s24], [sflag:$0x3], $0x40, s30, s23, $0xb8;
	[tilespmem:$0x1E800] =	vst v63  }
0xc4: {  	_ =	swait.ge [sflag:s20], $0x2000  }
0xc5: {  	[sflag:s20] =	ssyncset.done $0x0  }
0xc6: {  	[sflag:s20] =	ssyncadd.s32 $0xFFFFE000  }
0xc7: {  	_ =	swait.ge [sflag:s29], $0x2000  }
0xc8: {  	[sflag:s29] =	ssyncset.done $0x0  }
0xc9: {  	[sflag:s29] =	ssyncadd.s32 $0xFFFFE000  }
0xca: {  	[spmem:s3] =	stream.indirect.scatter.add.f32 [tilespmem:s26], [sflag:$0x3], $0x40, s31, s23, $0xb8;
	[tilespmem:$0x1E800] =	vst v63  }
0xcb: {  	_ =	swait.ge [sflag:s20], $0x2000  }
0xcc: {  	[sflag:s20] =	ssyncset.done $0x0  }
0xcd: {  	s4 =	simm.s32 $0x0;
	[sflag:s20] =	ssyncadd.s32 $0xFFFFE000  }
0xce: {  	[tilespmem:s21], [sflag:$0x3] =	stream.linear.gather [hbm4b:s15+s4], $0x1400, $0x38;
	[tilespmem:$0x1E800] =	vst v63  }
0xcf: {  	_ =	swait.ge [sflag:s20], $0x1400  }
0xd0: {  	[sflag:s20] =	ssyncset.done $0x0  }
0xd1: {  	[sflag:s20] =	ssyncadd.s32 $0xFFFFEC00  }
0xd2: {  	[tilespmem:s22], [sflag:$0x3] =	stream.linear.gather [hbm4b:s16+s4], $0x1400, $0x38;
	[tilespmem:$0x1E800] =	vst v63  }
0xd3: {  	_ =	swait.ge [sflag:s20], $0x1400  }
0xd4: {  	[sflag:s20] =	ssyncset.done $0x0  }
0xd5: {  	[sflag:s20] =	ssyncadd.s32 $0xFFFFEC00  }
0xd6: {  	[tilespmem:s24], [sflag:$0x1] =	stream.indirect.gather [spmem:s2], $0x40, s21, s23, $0xb8;
	[tilespmem:$0x1E800] =	vst v63  }
0xd7: {  	_ = 	snop  }
0xd8: {  	[tilespmem:s26], [sflag:$0x2] =	stream.indirect.gather [spmem:s2], $0x40, s25, s23, $0xb8;
	[tilespmem:$0x1E800] =	vst v63  }
0xd9: {  	_ =	swait.ge [sflag:s28], $0x2000  }
0xda: {  	[sflag:s28] =	ssyncset.done $0x0  }
0xdb: {  	s6 =	simm.s32 $0x15400;
	[sflag:s28] =	ssyncadd.s32 $0xFFFFE000  }
0xdc: {  	[spmem:s3] =	stream.indirect.scatter.add.f32 [tilespmem:s24], [sflag:$0x3], $0x40, s6, s23, $0xb8;
	[tilespmem:$0x1E800] =	vst v63  }
0xdd: {  	_ =	swait.ge [sflag:s20], $0x2000  }
0xde: {  	[sflag:s20] =	ssyncset.done $0x0  }
0xdf: {  	s5 =	simm.s32 $0x14100;
	[sflag:s20] =	ssyncadd.s32 $0xFFFFE000  }
0xe0: {  	[tilespmem:s24], [sflag:$0x1] =	stream.indirect.gather [spmem:s2], $0x40, s5, s23, $0xb8;
	[tilespmem:$0x1E800] =	vst v63  }
0xe1: {  	_ =	swait.ge [sflag:s29], $0x2000  }
0xe2: {  	[sflag:s29] =	ssyncset.done $0x0  }
0xe3: {  	s6 =	simm.s32 $0x15480;
	[sflag:s29] =	ssyncadd.s32 $0xFFFFE000  }
0xe4: {  	[spmem:s3] =	stream.indirect.scatter.add.f32 [tilespmem:s26], [sflag:$0x3], $0x40, s6, s23, $0xb8;
	[tilespmem:$0x1E800] =	vst v63  }
0xe5: {  	_ =	swait.ge [sflag:s20], $0x2000  }
0xe6: {  	[sflag:s20] =	ssyncset.done $0x0  }
0xe7: {  	s4 =	simm.s32 $0x400;
	s5 =	simm.s32 $0x14180;
	[sflag:s20] =	ssyncadd.s32 $0xFFFFE000  }
.LBB2_8:
0xe8: {  	[tilespmem:s26], [sflag:$0x2] =	stream.indirect.gather [spmem:s2], $0x40, s5, s23, $0xb8;
	[tilespmem:$0x1E800] =	vst v63  }
0xe9: {  	s5 =	smov.u32 s4  }
0xea: {  	p0 =	sne.s32 s4, $0x4800;
	s4 =	sadd.s32 $0x400, s4;
	_ =	swait.ge [sflag:s28], $0x2000  }
0xeb: {  	s5 =	sshra.s32 s5, $0x2;
	[sflag:s28] =	ssyncset.done $0x0  }
0xec: {  	s6 =	sadd.s32 $0x15400, s5;
	[sflag:s28] =	ssyncadd.s32 $0xFFFFE000  }
0xed: {  	[spmem:s3] =	stream.indirect.scatter.add.f32 [tilespmem:s24], [sflag:$0x3], $0x40, s6, s23, $0xb8;
	[tilespmem:$0x1E800] =	vst v63  }
0xee: {  	_ =	swait.ge [sflag:s20], $0x2000  }
0xef: {  	[sflag:s20] =	ssyncset.done $0x0  }
0xf0: {  	s6 =	sadd.s32 $0x14100, s5;
	[sflag:s20] =	ssyncadd.s32 $0xFFFFE000  }
0xf1: {  	[tilespmem:s24], [sflag:$0x1] =	stream.indirect.gather [spmem:s2], $0x40, s6, s23, $0xb8;
	[tilespmem:$0x1E800] =	vst v63  }
0xf2: {  	_ =	swait.ge [sflag:s29], $0x2000  }
0xf3: {  	[sflag:s29] =	ssyncset.done $0x0  }
.Ltmp3:
0xf4: {  	s6 =	sadd.s32 $0x15480, s5;
	[sflag:s29] =	ssyncadd.s32 $0xFFFFE000;
	(pc) =	sbr.rel @p0 .LBB2_8-.Ltmp3, $4  }
0xf5: {  	[spmem:s3] =	stream.indirect.scatter.add.f32 [tilespmem:s26], [sflag:$0x3], $0x40, s6, s23, $0xb8;
	[tilespmem:$0x1E800] =	vst v63  }
0xf6: {  	_ =	swait.ge [sflag:s20], $0x2000  }
0xf7: {  	[sflag:s20] =	ssyncset.done $0x0  }
0xf8: {  	s5 =	sadd.s32 $0x14180, s5;
	[sflag:s20] =	ssyncadd.s32 $0xFFFFE000  }
0xf9: {  	[tilespmem:s26], [sflag:$0x2] =	stream.indirect.gather [spmem:s2], $0x40, s5, s23, $0xb8;
	[tilespmem:$0x1E800] =	vst v63  }
0xfa: {  	_ =	swait.ge [sflag:s28], $0x2000  }
0xfb: {  	[sflag:s28] =	ssyncset.done $0x0  }
0xfc: {  	[sflag:s28] =	ssyncadd.s32 $0xFFFFE000  }
0xfd: {  	[spmem:s3] =	stream.indirect.scatter.add.f32 [tilespmem:s24], [sflag:$0x3], $0x40, s30, s23, $0xb8;
	[tilespmem:$0x1E800] =	vst v63  }
0xfe: {  	_ =	swait.ge [sflag:s20], $0x2000  }
0xff: {  	[sflag:s20] =	ssyncset.done $0x0  }
0x100: {  	[sflag:s20] =	ssyncadd.s32 $0xFFFFE000  }
0x101: {  	_ =	swait.ge [sflag:s29], $0x2000  }
0x102: {  	[sflag:s29] =	ssyncset.done $0x0  }
0x103: {  	[sflag:s29] =	ssyncadd.s32 $0xFFFFE000  }
0x104: {  	[spmem:s3] =	stream.indirect.scatter.add.f32 [tilespmem:s26], [sflag:$0x3], $0x40, s31, s23, $0xb8;
	[tilespmem:$0x1E800] =	vst v63  }
0x105: {  	_ =	swait.ge [sflag:s20], $0x2000  }
0x106: {  	s1 =	sadd.s32 $0x1, s1;
	[sflag:s20] =	ssyncset.done $0x0  }
0x107: {  	p0 =	sne.s32 s1, s17;
	[sflag:s20] =	ssyncadd.s32 $0xFFFFE000  }
.Ltmp4:
0x108: {  	[bflag:$0x0] =	sbarrier.arrive $0xFFFF;
	(pc) =	sbr.rel @p0 .LBB2_1-.Ltmp4, $4  }
0x109: {  	[hbm:s18], [sflag:s7] =	dma.local [spmem:s0], $0x2800  }
0x10a: {  	_ =	swait.ge [sflag:s20], $0x2800  }
0x10b: {  	[sflag:s20] =	ssyncset.done $0x0  }
0x10c: {  	[sflag:s20] =	ssyncadd.s32 $0xFFFFD800  }
0x10d: {  	_ =	sfence.sel $0x180000  }
0x10e: {  	[bflag:$0x0] =	sbarrier.arrive $0xFFFF  }
0x10f: {  	_ =	strace $0x9000004A  }
0x110: {  	s0 =	stileid.u32;
	[bflag:$0x2] =	sbarrier.arrive $0xFFFF  }
0x111: {  	p0 =	sne.s32 s0, $0x0;
	s0 =	rddreg [dreg:$0x3]  }
0x112: {  	s0 =	sadd.s32 @!p0 $0x100000, s0  }
0x113: {  	[sflag:s0] =	ssyncadd.tile.s32 @!p0 $0x1;
	_ =	shalt  }
.Lfunc_end2:
_tile_overlayer_lowered:
.L_overlay_start_2:
0x114: {  	(tag) =	ssettag $0x2  }
0x115: {  	s0 =	rddreg [dreg:$0x0];
	s2 =	stileid.u32  }
0x116: {  	s1 =	rddreg [dreg:$0x1];
	p0 =	sne.s32 s2, $0x0  }
0x117: {  	s3 =	rddreg [dreg:$0x2];
	[bflag:$0x3] =	sbarrier.arrive $0xFFFF;
	s2 =	simm.s32 @!p0 $0x1C03  }
0x118: {  	[timem:s3], [sflag:s2] =	dma.local @!p0 [hbm:s0], s1  }
0x119: {  	s0 =	simm.s32 @!p0 $0x3  }
0x11a: {  	_ =	swait.ge @!p0 [sflag:s0], s1  }
0x11b: {  	s1 =	ssub.s32 @!p0 $0x0, s1;
	[sflag:s0] =	ssyncset.done @!p0 $0x0  }
0x11c: {  	[sflag:s0] =	ssyncadd.s32 @!p0 s1  }
0x11d: {  	[bflag:$0x3] =	sbarrier.arrive $0xFFFF  }
0x11e: {  	_ =	shalt  }

// kernel: kernel.13.cloned.1.call-start
scs
__scs_entry_jumppad:
0x0: {  	(pc) =	sbr.rel $0x88, $3  }
0x1: {  	(tag) =	ssettag $0x0;
	lr =	simm.s32 $0x1  }
0x2: {  	[smem:$0x3F97] =	sst lr;
	_ =	strace $0xD0000000  }
0x3: {  	_ = 	snop  }
0x4: {  	_ = 	snop  }
0x5: {  	_ = 	snop  }
0x6: {  	_ = 	snop  }
0x7: {  	_ = 	snop  }
__scs_overlays_trampoline_lowered:
0x8: {  	[smem:$0x3FA6] =	sst s0  }
0x9: {  	[smem:$0x3FA7] =	sst s1  }
0xa: {  	[smem:$0x3FA8] =	sst s2  }
0xb: {  	[smem:$0x3FA9] =	sst s3  }
0xc: {  	[smem:$0x3FAA] =	sst s4  }
0xd: {  	[smem:$0x3FAB] =	sst s5  }
0xe: {  	[smem:$0x3FAC] =	sst s6  }
0xf: {  	[smem:$0x3FAD] =	sst s7  }
0x10: {  	[smem:$0x3FAE] =	sst s8  }
0x11: {  	[smem:$0x3FAF] =	sst s9;
	s0 =	simm.s32 @!p0 $0x0  }
0x12: {  	s1 =	sld [smem:$0x3F95];
	s0 =	simm.s32 @p0 $0x1  }
0x13: {  	[smem:$0x3FB0] =	sst s0;
	s0 =	simm.s32 @!p1 $0x0  }
0x14: {  	s2 =	sld [smem:$0x3F94];
	s0 =	simm.s32 @p1 $0x1  }
0x15: {  	[smem:$0x3FB1] =	sst s0;
	s0 =	simm.s32 @!p2 $0x0  }
0x16: {  	s3 =	sld [smem:$0x3FDB];
	s0 =	simm.s32 @p2 $0x1  }
0x17: {  	s4 =	simm.s32 $0x1BF5;
	[smem:$0x3FB3] =	sst s0  }
0x18: {  	s0 =	sld [smem:$0x3F96];
	_ =	swait.ge [sflag:s4], $0x0  }
0x19: {  	s7 =	sld [smem:$0x3F97]  }
0x1a: {  	s8 =	sadd.s32 $0xFFFFE003, lr  }
0x1b: {  	s9 =	sadd.s32 $0xFFFFFEF7, lr;
	s5 =	simm.s32 $0xFFFFFFFF;
	p2 =	slt.u32 s8, $0xFFFFF086  }
0x1c: {  	p1 =	slt.u32 s9, $0xF7A;
	s5 =	simm.s32 @!p2 $0x0  }
0x1d: {  	s5 =	simm.s32 @p1 $0x1;
	p0 =	seq.s32 s7, s2  }
0x1e: {  	s7 =	smul.u32 @!p0 $0xF7A, s2;
	p2 =	seq.s32 @!p0 s5, $0x0  }
0x1f: {  	s9 =	smul.u32 $0xF7A, s1;
	s8 =	simm.s32 @!p0 $0x1BF5;
	p2 =	por !p2, p0  }
0x20: {  	[sflag:s8] =	ssyncset.s32 @!p0 $0xFFFFF086;
	s6 =	sadd.s32 @!p0 s3, s7;
	s7 =	simm.s32 @!p0 $0x108  }
0x21: {  	s3 =	sadd.s32 s3, s9;
	s6 =	sadd.s32 @!p0 $0x88, s6;
	s7 =	simm.s32 @p2 $0x1082  }
0x22: {  	[simem:s7], [sflag:s8] =	dma.local @!p0 [hbm:s6], $0xF7A  }
0x23: {  	s9 =	sor.u32 $0xD0000000, s2;
	s6 =	simm.s32 $0x108;
	_ =	swait.ge @!p0 [sflag:s8], $0x0  }
0x24: {  	s3 =	sadd.s32 $0x88, s3;
	s6 =	simm.s32 @!p1 $0x1082;
	[sflag:s4] =	ssyncset.s32 $0xFFFFF086  }
0x25: {  	[simem:s6], [sflag:s4] =	dma.local [hbm:s3], $0xF7A  }
0x26: {  	[smem:$0x3F97] =	sst s1;
	(tag) =	ssettag s2;
	_ =	strace s9  }
0x27: {  	s1 =	sld [smem:$0x3FA7]  }
0x28: {  	s2 =	sld [smem:$0x3FA8]  }
0x29: {  	s4 =	sld [smem:$0x3FAA]  }
0x2a: {  	p0 =	seq.s32 s5, $0x0;
	s5 =	sld [smem:$0x3FAB]  }
0x2b: {  	s6 =	sld [smem:$0x3FAC]  }
0x2c: {  	s7 =	sld [smem:$0x3FAD]  }
0x2d: {  	s3 =	simm.s32 $0x108;
	s8 =	sld [smem:$0x3FAE]  }
0x2e: {  	s3 =	simm.s32 @!p0 $0x1082;
	s9 =	sld [smem:$0x3FAF]  }
0x2f: {  	lr =	sadd.s32 s0, s3;
	s0 =	sld [smem:$0x3FA6]  }
0x30: {  	s3 =	sld [smem:$0x3FA9]  }
0x31: {  	[smem:$0x3FB2] =	sst s10  }
0x32: {  	s10 =	sld [smem:$0x3FB0];
	_ =	sdelay $0x3  }
0x33: {  	p0 =	seq.s32 s10, $0x1;
	s10 =	sld [smem:$0x3FB2];
	_ =	sdelay $0x3  }
0x34: {  	[smem:$0x3FB2] =	sst s10  }
0x35: {  	s10 =	sld [smem:$0x3FB1];
	_ =	sdelay $0x3  }
0x36: {  	p1 =	seq.s32 s10, $0x1;
	s10 =	sld [smem:$0x3FB2];
	_ =	sdelay $0x3  }
0x37: {  	[smem:$0x3FB2] =	sst s10  }
0x38: {  	s10 =	sld [smem:$0x3FB3]  }
0x39: {  	_ = 	snop;
	(pc) =	sbr.ind lr, $3  }
0x3a: {  	_ = 	snop  }
0x3b: {  	_ = 	snop  }
0x3c: {  	p2 =	seq.s32 s10, $0x1;
	s10 =	sld [smem:$0x3FB2]  }
0x3d: {  	_ =	shalt  }
0x3e: {  	_ =	shalt  }
0x3f: {  	_ =	shalt  }
0x40: {  	_ =	shalt  }
0x41: {  	_ =	shalt  }
0x42: {  	_ =	shalt  }
0x43: {  	_ =	shalt  }
0x44: {  	_ =	shalt  }
0x45: {  	_ =	shalt  }
0x46: {  	_ =	shalt  }
0x47: {  	_ =	shalt  }
0x48: {  	_ =	shalt  }
0x49: {  	_ =	shalt  }
0x4a: {  	_ =	shalt  }
0x4b: {  	_ =	shalt  }
0x4c: {  	_ =	shalt  }
0x4d: {  	_ =	shalt  }
0x4e: {  	_ =	shalt  }
0x4f: {  	_ =	shalt  }
0x50: {  	_ =	shalt  }
0x51: {  	_ =	shalt  }
0x52: {  	_ =	shalt  }
0x53: {  	_ =	shalt  }
0x54: {  	_ =	shalt  }
0x55: {  	_ =	shalt  }
0x56: {  	_ =	shalt  }
0x57: {  	_ =	shalt  }
0x58: {  	_ =	shalt  }
0x59: {  	_ =	shalt  }
0x5a: {  	_ =	shalt  }
0x5b: {  	_ =	shalt  }
0x5c: {  	_ =	shalt  }
0x5d: {  	_ =	shalt  }
0x5e: {  	_ =	shalt  }
0x5f: {  	_ =	shalt  }
0x60: {  	_ =	shalt  }
0x61: {  	_ =	shalt  }
0x62: {  	_ =	shalt  }
0x63: {  	_ =	shalt  }
0x64: {  	_ =	shalt  }
0x65: {  	_ =	shalt  }
0x66: {  	_ =	shalt  }
0x67: {  	_ =	shalt  }
0x68: {  	_ =	shalt  }
0x69: {  	_ =	shalt  }
0x6a: {  	_ =	shalt  }
0x6b: {  	_ =	shalt  }
0x6c: {  	_ =	shalt  }
0x6d: {  	_ =	shalt  }
0x6e: {  	_ =	shalt  }
0x6f: {  	_ =	shalt  }
0x70: {  	_ =	shalt  }
0x71: {  	_ =	shalt  }
0x72: {  	_ =	shalt  }
0x73: {  	_ =	shalt  }
0x74: {  	_ =	shalt  }
0x75: {  	_ =	shalt  }
0x76: {  	_ =	shalt  }
0x77: {  	_ =	shalt  }
0x78: {  	_ =	shalt  }
0x79: {  	_ =	shalt  }
0x7a: {  	_ =	shalt  }
0x7b: {  	_ =	shalt  }
0x7c: {  	_ =	shalt  }
0x7d: {  	_ =	shalt  }
0x7e: {  	_ =	shalt  }
0x7f: {  	_ =	shalt  }
0x80: {  	_ =	shalt  }
0x81: {  	_ =	shalt  }
0x82: {  	_ =	shalt  }
0x83: {  	_ =	shalt  }
0x84: {  	_ =	shalt  }
0x85: {  	_ =	shalt  }
0x86: {  	_ =	shalt  }
0x87: {  	_ =	shalt  }
.Lfunc_end0:
.L_simem_size_0:
called_computation.2_lowered:
.L_overlay_start_0:
0x88: {  	s2 =	sld [smem:$0x3FD9]  }
0x89: {  	s3 =	sld [smem:$0x3FFE];
	_ =	sdelay $0x1  }
0x8a: {  	s1 =	srdreg.scid  }
0x8b: {  	s0 =	sand.u32 $0x1, s1  }
0x8c: {  	s16 =	sshll.u32 s0, $0xA;
	s2 =	sadd.s32 s3, s2  }
0x8d: {  	s2 =	sadd.s32 s2, s16  }
0x8e: {  	[smem:$0x3FBE] =	sst s2  }
0x8f: {  	_ = 	snop  }
0x90: {  	(tm) =	ssettm $0x1  }
0x91: {  	s17 =	sld [smem:$0x3FFB];
	_ =	sdelay $0x3  }
0x92: {  	_ =	strace s17  }
0x93: {  	s2 =	sld [smem:$0x3FFC];
	_ =	sdelay $0x3  }
0x94: {  	_ =	strace s2  }
0x95: {  	s2 =	sld [smem:$0x3FFD];
	_ =	sdelay $0x3  }
0x96: {  	_ =	strace s2  }
0x97: {  	_ =	strace $0x8FFFFFFF  }
0x98: {  	s18 =	sld [smem:$0x3FDB];
	_ =	sdelay $0x1  }
0x99: {  	s19 =	simm.s32 $_scs_section_size  }
0x9a: {  	s4 =	simm.s32 $_size__tile_overlayer_lowered;
	s5 =	simm.s32 $_tile_overlayer_lowered  }
0x9b: {  	s22 =	simm.s32 $0x1BFF;
	s21 =	sshll.u32 s5, $0x1;
	s2 =	sadd.s32 s19, s18  }
0x9c: {  	s6 =	simm.s32 $0x0;
	s20 =	sshll.u32 s4, $0x1;
	s4 =	sadd.s32 s21, s2  }
0x9d: {  	[timem:s6], [sflag:s22] =	dma.local [hbm:s4], s20  }
0x9e: {  	_ =	swait.ge [sflag:s22], s20  }
0x9f: {  	s3 =	ssub.s32 $0x0, s20;
	[sflag:s22] =	ssyncset.done $0x0  }
0xa0: {  	[sflag:s22] =	ssyncadd.s32 s3;
	_ =	sdelay $0x1  }
0xa1: {  	s23 =	simm.s32 $0x1B8B  }
0xa2: {  	_ =	swait.ge [sflag:s23], $0x1  }
0xa3: {  	[sflag:s23] =	ssyncset.done $0x0  }
0xa4: {  	s25 =	simm.s32 $0x1B8E;
	s24 =	sld [smem:$0x3FFE];
	[sflag:s23] =	ssyncadd.s32 $0xFFFFFFFF  }
0xa5: {  	s26 =	simm.s32 $execute0_lowered;
	[smem:$0x3FD2] =	sst s25  }
0xa6: {  	s4 =	sshll.u32 s26, $0x1;
	_ =	strace $0x8000004C;
	[dreg:$0x1] =	wrdreg $0xFFFFFFFF  }
0xa7: {  	s28 =	simm.s32 $_size_execute0_lowered;
	s2 =	sadd.s32 s2, s4;
	[dreg:$0x0] =	wrdreg $0x0  }
0xa8: {  	s4 =	sshll.u32 s28, $0x1;
	[dreg:$0x2] =	wrdreg s2  }
0xa9: {  	[dreg:$0x3] =	wrdreg s4  }
0xaa: {  	[dreg:$0x4] =	wrdreg $0xC0  }
0xab: {  	_ =	task [dreg:s6], $0x5FFFF  }
0xac: {  	[dreg:$0x1] =	wrdreg $0xFFFFFFFF  }
0xad: {  	[dreg:$0x0] =	wrdreg $0x60  }
0xae: {  	[dreg:$0x2] =	wrdreg s24  }
0xaf: {  	[dreg:$0x3] =	wrdreg $0x0  }
0xb0: {  	[dreg:$0x4] =	wrdreg $0xA0000  }
0xb1: {  	[dreg:$0x5] =	wrdreg $0x9  }
0xb2: {  	_ =	task.clear_ibuf [dreg:s6], $0x6FFFF;
	_ =	strace $0x9000004C  }
0xb3: {  	s29 =	simm.s32 $0x9;
	_ =	strace $0x8000004E  }
0xb4: {  	_ =	swait.ge [sflag:s29], $0x1  }
0xb5: {  	[sflag:s29] =	ssyncadd.s32 $0xFFFFFFFF  }
0xb6: {  	_ =	strace $0x9000004E  }
0xb7: {  	_ =	sfence  }
0xb8: {  	s30 =	sld [smem:$0x0];
	_ =	sdelay $0x2  }
0xb9: {  	s31 =	sshll.u32 s1, $0xD;
	s1 =	sshrl.u32 s1, $0x2  }
0xba: {  	s3 =	sand.u32 $0x4000, s31;
	s1 =	sadd.s32 s1, s30  }
0xbb: {  	s0 =	sor.u32 s3, s0;
	s1 =	sshll.u32 s1, $0x11  }
0xbc: {  	s0 =	sor.u32 s1, s0  }
0xbd: {  	s0 =	sadd.s32 $0x8F2B, s0  }
0xbe: {  	[sflag:s0] =	ssyncadd.remote.s32 $0x1  }
0xbf: {  	_ =	sfence.sel $0xFFFF  }
0xc0: {  	[dreg:$0x0] =	wrdreg $0xFFFFFFFF;
	(pc) =	sbr.abs _section_cstart, $3  }
0xc1: {  	[dreg:$0x1] =	wrdreg $0xFFFFFFFF  }
0xc2: {  	_ =	task.clear_ibuf [dreg:s6], $0x2FFFF;
	_ =	strace $0x9FFFFFFF  }
0xc3: {  	(tm) =	ssettm $0x7FFFFFFF  }
tec
execute0_lowered:
.L_overlay_start_1:
0x0: {  	(tag) =	ssettag $0x1  }
0x1: {  	s0 =	rddreg [dreg:$0x0]  }
0x2: {  	s1 =	srdreg.scid;
	s2 =	rddreg [dreg:$0x1]  }
0x3: {  	s9 =	stileid.u32;
	s3 =	rddreg [dreg:$0x2];
	s6 =	simm.s32 $0x0  }
0x4: {  	s20 =	simm.s32 $0x3;
	s21 =	simm.s32 $0x14000;
	s22 =	simm.s32 $0x15400  }
0x5: {  	s28 =	simm.s32 $0x1;
	s29 =	simm.s32 $0x2;
	s30 =	simm.s32 $0x16700  }
0x6: {  	s31 =	simm.s32 $0x16780;
	s1 =	sand.u32 $0x1, s1;
	s4 =	smul.u32 $0x14000, s9  }
0x7: {  	[smem:$0x7FF] =	sst s6;
	s15 =	sadd.s32 $0xDC00, s0;
	s16 =	sadd.s32 $0x3200, s0  }
0x8: {  	s8 =	smul.u32 $0x5000, s9;
	s10 =	sadd.s32 $0x67C00, s0;
	s24 =	sshll.u32 s9, $0x6  }
0x9: {  	s5 =	smul.u32 $0x140000, s1;
	_ =	strace $0x8000004D;
	s23 =	ssub.s32 $0x2, s1  }
0xa: {  	[dreg:$0x4] =	wrdreg s10;
	p0 =	seq.s32 s1, $0x1;
	s1 =	simm.s32 $0x3FC00  }
0xb: {  	s7 =	sshrl.u32 s23, $0x1;
	s19 =	sadd.s32 s4, s2;
	s14 =	sshrl.u32 s8, $0x3  }
0xc: {  	s8 =	sadd.s32 s4, s3;
	s1 =	simm.s32 @!p0 $0x17C00;
	s5 =	sadd.s32 s4, s5  }
0xd: {  	s17 =	ssub.s32 s23, s7;
	s7 =	sor.u32 $0x1C03, s24;
	s9 =	sadd.s32 s15, s14  }
0xe: {  	s10 =	sadd.s32 s16, s14;
	s25 =	sadd.s32 $0x280, s14;
	s18 =	sadd.s32 $0x500, s14  }
0xf: {  	s26 =	sadd.s32 $0x780, s14;
	s4 =	sshrl.u32 s4, $0x3;
	s19 =	sshrl.u32 s19, $0x3  }
0x10: {  	s23 =	simm.s32 $0x80;
	s24 =	simm.s32 $0x16800;
	s5 =	sshrl.u32 s5, $0x3  }
0x11: {  	s11 =	sadd.s32 s15, s25;
	s12 =	sadd.s32 s16, s25;
	s13 =	sadd.s32 s15, s18  }
0x12: {  	s14 =	sadd.s32 s16, s18;
	s15 =	sadd.s32 s15, s26;
	s16 =	sadd.s32 s16, s26  }
0x13: {  	s17 =	smax.u32 s17, $0x1;
	s25 =	simm.s32 $0x14080;
	s5 =	sadd.s32 s5, s0  }
0x14: {  	s26 =	simm.s32 $0x1A800;
	s0 =	sadd.s32 s1, s0;
	s5 =	sadd.s32 $0x6A400, s5  }
0x15: {  	s1 =	simm.s32 $0x0;
	s18 =	sadd.s32 s0, s4;
	[dreg:$0x5] =	wrdreg s5  }
.LBB2_1:
0x16: {  	s0 =	rddreg [dreg:$0x5]  }
0x17: {  	[spmem:s19], [sflag:s7] =	dma.local [hbm:s0], $0x2800  }
0x18: {  	_ =	swait.ge [sflag:s20], $0x2800  }
0x19: {  	[sflag:s20] =	ssyncset.done $0x0  }
0x1a: {  	s0 =	sshrl.u32 s8, $0x3;
	s4 =	rddreg [dreg:$0x4];
	[sflag:s20] =	ssyncadd.s32 $0xFFFFD800  }
0x1b: {  	[spmem:s0], [sflag:s7] =	dma.local [hbm:s4], $0x2800  }
0x1c: {  	_ =	swait.ge [sflag:s20], $0x2800  }
0x1d: {  	[sflag:s20] =	ssyncset.done $0x0  }
0x1e: {  	[sflag:s20] =	ssyncadd.s32 $0xFFFFD800  }
0x1f: {  	s5 =	simm.s32 $0x0;
	[bflag:$0x0] =	sbarrier.arrive $0xFFFF  }
0x20: {  	[tilespmem:s21], [sflag:$0x3] =	stream.linear.gather [hbm4b:s9+s5], $0x1400, $0x38;
	[tilespmem:$0x1E800] =	vst v63  }
0x21: {  	_ =	swait.ge [sflag:s20], $0x1400  }
0x22: {  	[sflag:s20] =	ssyncset.done $0x0  }
0x23: {  	[sflag:s20] =	ssyncadd.s32 $0xFFFFEC00  }
0x24: {  	[tilespmem:s22], [sflag:$0x3] =	stream.linear.gather [hbm4b:s10+s5], $0x1400, $0x38;
	[tilespmem:$0x1E800] =	vst v63  }
0x25: {  	_ =	swait.ge [sflag:s20], $0x1400  }
0x26: {  	[sflag:s20] =	ssyncset.done $0x0  }
0x27: {  	[sflag:s20] =	ssyncadd.s32 $0xFFFFEC00  }
0x28: {  	[tilespmem:s24], [sflag:$0x1] =	stream.indirect.gather [spmem:s2], $0x40, s21, s23, $0xb8;
	[tilespmem:$0x1E800] =	vst v63  }
0x29: {  	_ = 	snop  }
0x2a: {  	[tilespmem:s26], [sflag:$0x2] =	stream.indirect.gather [spmem:s2], $0x40, s25, s23, $0xb8;
	[tilespmem:$0x1E800] =	vst v63  }
0x2b: {  	_ =	swait.ge [sflag:s28], $0x2000  }
0x2c: {  	[sflag:s28] =	ssyncset.done $0x0  }
0x2d: {  	s6 =	simm.s32 $0x15400;
	[sflag:s28] =	ssyncadd.s32 $0xFFFFE000  }
0x2e: {  	[spmem:s3] =	stream.indirect.scatter.add.f32 [tilespmem:s24], [sflag:$0x3], $0x40, s6, s23, $0xb8;
	[tilespmem:$0x1E800] =	vst v63  }
0x2f: {  	_ =	swait.ge [sflag:s20], $0x2000  }
0x30: {  	[sflag:s20] =	ssyncset.done $0x0  }
0x31: {  	s5 =	simm.s32 $0x14100;
	[sflag:s20] =	ssyncadd.s32 $0xFFFFE000  }
0x32: {  	[tilespmem:s24], [sflag:$0x1] =	stream.indirect.gather [spmem:s2], $0x40, s5, s23, $0xb8;
	[tilespmem:$0x1E800] =	vst v63  }
0x33: {  	_ =	swait.ge [sflag:s29], $0x2000  }
0x34: {  	[sflag:s29] =	ssyncset.done $0x0  }
0x35: {  	s6 =	simm.s32 $0x15480;
	[sflag:s29] =	ssyncadd.s32 $0xFFFFE000  }
0x36: {  	[spmem:s3] =	stream.indirect.scatter.add.f32 [tilespmem:s26], [sflag:$0x3], $0x40, s6, s23, $0xb8;
	[tilespmem:$0x1E800] =	vst v63  }
0x37: {  	_ =	swait.ge [sflag:s20], $0x2000  }
0x38: {  	[sflag:s20] =	ssyncset.done $0x0  }
0x39: {  	s4 =	simm.s32 $0x400;
	s5 =	simm.s32 $0x14180;
	[sflag:s20] =	ssyncadd.s32 $0xFFFFE000  }
.LBB2_2:
0x3a: {  	[tilespmem:s26], [sflag:$0x2] =	stream.indirect.gather [spmem:s2], $0x40, s5, s23, $0xb8;
	[tilespmem:$0x1E800] =	vst v63  }
0x3b: {  	s5 =	smov.u32 s4  }
0x3c: {  	p0 =	sne.s32 s4, $0x4800;
	s4 =	sadd.s32 $0x400, s4;
	_ =	swait.ge [sflag:s28], $0x2000  }
0x3d: {  	s5 =	sshra.s32 s5, $0x2;
	[sflag:s28] =	ssyncset.done $0x0  }
0x3e: {  	s6 =	sadd.s32 $0x15400, s5;
	[sflag:s28] =	ssyncadd.s32 $0xFFFFE000  }
0x3f: {  	[spmem:s3] =	stream.indirect.scatter.add.f32 [tilespmem:s24], [sflag:$0x3], $0x40, s6, s23, $0xb8;
	[tilespmem:$0x1E800] =	vst v63  }
0x40: {  	_ =	swait.ge [sflag:s20], $0x2000  }
0x41: {  	[sflag:s20] =	ssyncset.done $0x0  }
0x42: {  	s6 =	sadd.s32 $0x14100, s5;
	[sflag:s20] =	ssyncadd.s32 $0xFFFFE000  }
0x43: {  	[tilespmem:s24], [sflag:$0x1] =	stream.indirect.gather [spmem:s2], $0x40, s6, s23, $0xb8;
	[tilespmem:$0x1E800] =	vst v63  }
0x44: {  	_ =	swait.ge [sflag:s29], $0x2000  }
0x45: {  	[sflag:s29] =	ssyncset.done $0x0  }
.Ltmp0:
0x46: {  	s6 =	sadd.s32 $0x15480, s5;
	[sflag:s29] =	ssyncadd.s32 $0xFFFFE000;
	(pc) =	sbr.rel @p0 .LBB2_2-.Ltmp0, $4  }
0x47: {  	[spmem:s3] =	stream.indirect.scatter.add.f32 [tilespmem:s26], [sflag:$0x3], $0x40, s6, s23, $0xb8;
	[tilespmem:$0x1E800] =	vst v63  }
0x48: {  	_ =	swait.ge [sflag:s20], $0x2000  }
0x49: {  	[sflag:s20] =	ssyncset.done $0x0  }
0x4a: {  	s5 =	sadd.s32 $0x14180, s5;
	[sflag:s20] =	ssyncadd.s32 $0xFFFFE000  }
0x4b: {  	[tilespmem:s26], [sflag:$0x2] =	stream.indirect.gather [spmem:s2], $0x40, s5, s23, $0xb8;
	[tilespmem:$0x1E800] =	vst v63  }
0x4c: {  	_ =	swait.ge [sflag:s28], $0x2000  }
0x4d: {  	[sflag:s28] =	ssyncset.done $0x0  }
0x4e: {  	[sflag:s28] =	ssyncadd.s32 $0xFFFFE000  }
0x4f: {  	[spmem:s3] =	stream.indirect.scatter.add.f32 [tilespmem:s24], [sflag:$0x3], $0x40, s30, s23, $0xb8;
	[tilespmem:$0x1E800] =	vst v63  }
0x50: {  	_ =	swait.ge [sflag:s20], $0x2000  }
0x51: {  	[sflag:s20] =	ssyncset.done $0x0  }
0x52: {  	[sflag:s20] =	ssyncadd.s32 $0xFFFFE000  }
0x53: {  	_ =	swait.ge [sflag:s29], $0x2000  }
0x54: {  	[sflag:s29] =	ssyncset.done $0x0  }
0x55: {  	[sflag:s29] =	ssyncadd.s32 $0xFFFFE000  }
0x56: {  	[spmem:s3] =	stream.indirect.scatter.add.f32 [tilespmem:s26], [sflag:$0x3], $0x40, s31, s23, $0xb8;
	[tilespmem:$0x1E800] =	vst v63  }
0x57: {  	_ =	swait.ge [sflag:s20], $0x2000  }
0x58: {  	[sflag:s20] =	ssyncset.done $0x0  }
0x59: {  	s4 =	simm.s32 $0x0;
	[sflag:s20] =	ssyncadd.s32 $0xFFFFE000  }
0x5a: {  	[tilespmem:s21], [sflag:$0x3] =	stream.linear.gather [hbm4b:s11+s4], $0x1400, $0x38;
	[tilespmem:$0x1E800] =	vst v63  }
0x5b: {  	_ =	swait.ge [sflag:s20], $0x1400  }
0x5c: {  	[sflag:s20] =	ssyncset.done $0x0  }
0x5d: {  	[sflag:s20] =	ssyncadd.s32 $0xFFFFEC00  }
0x5e: {  	[tilespmem:s22], [sflag:$0x3] =	stream.linear.gather [hbm4b:s12+s4], $0x1400, $0x38;
	[tilespmem:$0x1E800] =	vst v63  }
0x5f: {  	_ =	swait.ge [sflag:s20], $0x1400  }
0x60: {  	[sflag:s20] =	ssyncset.done $0x0  }
0x61: {  	[sflag:s20] =	ssyncadd.s32 $0xFFFFEC00  }
0x62: {  	[tilespmem:s24], [sflag:$0x1] =	stream.indirect.gather [spmem:s2], $0x40, s21, s23, $0xb8;
	[tilespmem:$0x1E800] =	vst v63  }
0x63: {  	_ = 	snop  }
0x64: {  	[tilespmem:s26], [sflag:$0x2] =	stream.indirect.gather [spmem:s2], $0x40, s25, s23, $0xb8;
	[tilespmem:$0x1E800] =	vst v63  }
0x65: {  	_ =	swait.ge [sflag:s28], $0x2000  }
0x66: {  	[sflag:s28] =	ssyncset.done $0x0  }
0x67: {  	s6 =	simm.s32 $0x15400;
	[sflag:s28] =	ssyncadd.s32 $0xFFFFE000  }
0x68: {  	[spmem:s3] =	stream.indirect.scatter.add.f32 [tilespmem:s24], [sflag:$0x3], $0x40, s6, s23, $0xb8;
	[tilespmem:$0x1E800] =	vst v63  }
0x69: {  	_ =	swait.ge [sflag:s20], $0x2000  }
0x6a: {  	[sflag:s20] =	ssyncset.done $0x0  }
0x6b: {  	s5 =	simm.s32 $0x14100;
	[sflag:s20] =	ssyncadd.s32 $0xFFFFE000  }
0x6c: {  	[tilespmem:s24], [sflag:$0x1] =	stream.indirect.gather [spmem:s2], $0x40, s5, s23, $0xb8;
	[tilespmem:$0x1E800] =	vst v63  }
0x6d: {  	_ =	swait.ge [sflag:s29], $0x2000  }
0x6e: {  	[sflag:s29] =	ssyncset.done $0x0  }
0x6f: {  	s6 =	simm.s32 $0x15480;
	[sflag:s29] =	ssyncadd.s32 $0xFFFFE000  }
0x70: {  	[spmem:s3] =	stream.indirect.scatter.add.f32 [tilespmem:s26], [sflag:$0x3], $0x40, s6, s23, $0xb8;
	[tilespmem:$0x1E800] =	vst v63  }
0x71: {  	_ =	swait.ge [sflag:s20], $0x2000  }
0x72: {  	[sflag:s20] =	ssyncset.done $0x0  }
0x73: {  	s4 =	simm.s32 $0x400;
	s5 =	simm.s32 $0x14180;
	[sflag:s20] =	ssyncadd.s32 $0xFFFFE000  }
.LBB2_4:
0x74: {  	[tilespmem:s26], [sflag:$0x2] =	stream.indirect.gather [spmem:s2], $0x40, s5, s23, $0xb8;
	[tilespmem:$0x1E800] =	vst v63  }
0x75: {  	s5 =	smov.u32 s4  }
0x76: {  	p0 =	sne.s32 s4, $0x4800;
	s4 =	sadd.s32 $0x400, s4;
	_ =	swait.ge [sflag:s28], $0x2000  }
0x77: {  	s5 =	sshra.s32 s5, $0x2;
	[sflag:s28] =	ssyncset.done $0x0  }
0x78: {  	s6 =	sadd.s32 $0x15400, s5;
	[sflag:s28] =	ssyncadd.s32 $0xFFFFE000  }
0x79: {  	[spmem:s3] =	stream.indirect.scatter.add.f32 [tilespmem:s24], [sflag:$0x3], $0x40, s6, s23, $0xb8;
	[tilespmem:$0x1E800] =	vst v63  }
0x7a: {  	_ =	swait.ge [sflag:s20], $0x2000  }
0x7b: {  	[sflag:s20] =	ssyncset.done $0x0  }
0x7c: {  	s6 =	sadd.s32 $0x14100, s5;
	[sflag:s20] =	ssyncadd.s32 $0xFFFFE000  }
0x7d: {  	[tilespmem:s24], [sflag:$0x1] =	stream.indirect.gather [spmem:s2], $0x40, s6, s23, $0xb8;
	[tilespmem:$0x1E800] =	vst v63  }
0x7e: {  	_ =	swait.ge [sflag:s29], $0x2000  }
0x7f: {  	[sflag:s29] =	ssyncset.done $0x0  }
.Ltmp1:
0x80: {  	s6 =	sadd.s32 $0x15480, s5;
	[sflag:s29] =	ssyncadd.s32 $0xFFFFE000;
	(pc) =	sbr.rel @p0 .LBB2_4-.Ltmp1, $4  }
0x81: {  	[spmem:s3] =	stream.indirect.scatter.add.f32 [tilespmem:s26], [sflag:$0x3], $0x40, s6, s23, $0xb8;
	[tilespmem:$0x1E800] =	vst v63  }
0x82: {  	_ =	swait.ge [sflag:s20], $0x2000  }
0x83: {  	[sflag:s20] =	ssyncset.done $0x0  }
0x84: {  	s5 =	sadd.s32 $0x14180, s5;
	[sflag:s20] =	ssyncadd.s32 $0xFFFFE000  }
0x85: {  	[tilespmem:s26], [sflag:$0x2] =	stream.indirect.gather [spmem:s2], $0x40, s5, s23, $0xb8;
	[tilespmem:$0x1E800] =	vst v63  }
0x86: {  	_ =	swait.ge [sflag:s28], $0x2000  }
0x87: {  	[sflag:s28] =	ssyncset.done $0x0  }
0x88: {  	[sflag:s28] =	ssyncadd.s32 $0xFFFFE000  }
0x89: {  	[spmem:s3] =	stream.indirect.scatter.add.f32 [tilespmem:s24], [sflag:$0x3], $0x40, s30, s23, $0xb8;
	[tilespmem:$0x1E800] =	vst v63  }
0x8a: {  	_ =	swait.ge [sflag:s20], $0x2000  }
0x8b: {  	[sflag:s20] =	ssyncset.done $0x0  }
0x8c: {  	[sflag:s20] =	ssyncadd.s32 $0xFFFFE000  }
0x8d: {  	_ =	swait.ge [sflag:s29], $0x2000  }
0x8e: {  	[sflag:s29] =	ssyncset.done $0x0  }
0x8f: {  	[sflag:s29] =	ssyncadd.s32 $0xFFFFE000  }
0x90: {  	[spmem:s3] =	stream.indirect.scatter.add.f32 [tilespmem:s26], [sflag:$0x3], $0x40, s31, s23, $0xb8;
	[tilespmem:$0x1E800] =	vst v63  }
0x91: {  	_ =	swait.ge [sflag:s20], $0x2000  }
0x92: {  	[sflag:s20] =	ssyncset.done $0x0  }
0x93: {  	s4 =	simm.s32 $0x0;
	[sflag:s20] =	ssyncadd.s32 $0xFFFFE000  }
0x94: {  	[tilespmem:s21], [sflag:$0x3] =	stream.linear.gather [hbm4b:s13+s4], $0x1400, $0x38;
	[tilespmem:$0x1E800] =	vst v63  }
0x95: {  	_ =	swait.ge [sflag:s20], $0x1400  }
0x96: {  	[sflag:s20] =	ssyncset.done $0x0  }
0x97: {  	[sflag:s20] =	ssyncadd.s32 $0xFFFFEC00  }
0x98: {  	[tilespmem:s22], [sflag:$0x3] =	stream.linear.gather [hbm4b:s14+s4], $0x1400, $0x38;
	[tilespmem:$0x1E800] =	vst v63  }
0x99: {  	_ =	swait.ge [sflag:s20], $0x1400  }
0x9a: {  	[sflag:s20] =	ssyncset.done $0x0  }
0x9b: {  	[sflag:s20] =	ssyncadd.s32 $0xFFFFEC00  }
0x9c: {  	[tilespmem:s24], [sflag:$0x1] =	stream.indirect.gather [spmem:s2], $0x40, s21, s23, $0xb8;
	[tilespmem:$0x1E800] =	vst v63  }
0x9d: {  	_ = 	snop  }
0x9e: {  	[tilespmem:s26], [sflag:$0x2] =	stream.indirect.gather [spmem:s2], $0x40, s25, s23, $0xb8;
	[tilespmem:$0x1E800] =	vst v63  }
0x9f: {  	_ =	swait.ge [sflag:s28], $0x2000  }
0xa0: {  	[sflag:s28] =	ssyncset.done $0x0  }
0xa1: {  	s6 =	simm.s32 $0x15400;
	[sflag:s28] =	ssyncadd.s32 $0xFFFFE000  }
0xa2: {  	[spmem:s3] =	stream.indirect.scatter.add.f32 [tilespmem:s24], [sflag:$0x3], $0x40, s6, s23, $0xb8;
	[tilespmem:$0x1E800] =	vst v63  }
0xa3: {  	_ =	swait.ge [sflag:s20], $0x2000  }
0xa4: {  	[sflag:s20] =	ssyncset.done $0x0  }
0xa5: {  	s5 =	simm.s32 $0x14100;
	[sflag:s20] =	ssyncadd.s32 $0xFFFFE000  }
0xa6: {  	[tilespmem:s24], [sflag:$0x1] =	stream.indirect.gather [spmem:s2], $0x40, s5, s23, $0xb8;
	[tilespmem:$0x1E800] =	vst v63  }
0xa7: {  	_ =	swait.ge [sflag:s29], $0x2000  }
0xa8: {  	[sflag:s29] =	ssyncset.done $0x0  }
0xa9: {  	s6 =	simm.s32 $0x15480;
	[sflag:s29] =	ssyncadd.s32 $0xFFFFE000  }
0xaa: {  	[spmem:s3] =	stream.indirect.scatter.add.f32 [tilespmem:s26], [sflag:$0x3], $0x40, s6, s23, $0xb8;
	[tilespmem:$0x1E800] =	vst v63  }
0xab: {  	_ =	swait.ge [sflag:s20], $0x2000  }
0xac: {  	[sflag:s20] =	ssyncset.done $0x0  }
0xad: {  	s4 =	simm.s32 $0x400;
	s5 =	simm.s32 $0x14180;
	[sflag:s20] =	ssyncadd.s32 $0xFFFFE000  }
.LBB2_6:
0xae: {  	[tilespmem:s26], [sflag:$0x2] =	stream.indirect.gather [spmem:s2], $0x40, s5, s23, $0xb8;
	[tilespmem:$0x1E800] =	vst v63  }
0xaf: {  	s5 =	smov.u32 s4  }
0xb0: {  	p0 =	sne.s32 s4, $0x4800;
	s4 =	sadd.s32 $0x400, s4;
	_ =	swait.ge [sflag:s28], $0x2000  }
0xb1: {  	s5 =	sshra.s32 s5, $0x2;
	[sflag:s28] =	ssyncset.done $0x0  }
0xb2: {  	s6 =	sadd.s32 $0x15400, s5;
	[sflag:s28] =	ssyncadd.s32 $0xFFFFE000  }
0xb3: {  	[spmem:s3] =	stream.indirect.scatter.add.f32 [tilespmem:s24], [sflag:$0x3], $0x40, s6, s23, $0xb8;
	[tilespmem:$0x1E800] =	vst v63  }
0xb4: {  	_ =	swait.ge [sflag:s20], $0x2000  }
0xb5: {  	[sflag:s20] =	ssyncset.done $0x0  }
0xb6: {  	s6 =	sadd.s32 $0x14100, s5;
	[sflag:s20] =	ssyncadd.s32 $0xFFFFE000  }
0xb7: {  	[tilespmem:s24], [sflag:$0x1] =	stream.indirect.gather [spmem:s2], $0x40, s6, s23, $0xb8;
	[tilespmem:$0x1E800] =	vst v63  }
0xb8: {  	_ =	swait.ge [sflag:s29], $0x2000  }
0xb9: {  	[sflag:s29] =	ssyncset.done $0x0  }
.Ltmp2:
0xba: {  	s6 =	sadd.s32 $0x15480, s5;
	[sflag:s29] =	ssyncadd.s32 $0xFFFFE000;
	(pc) =	sbr.rel @p0 .LBB2_6-.Ltmp2, $4  }
0xbb: {  	[spmem:s3] =	stream.indirect.scatter.add.f32 [tilespmem:s26], [sflag:$0x3], $0x40, s6, s23, $0xb8;
	[tilespmem:$0x1E800] =	vst v63  }
0xbc: {  	_ =	swait.ge [sflag:s20], $0x2000  }
0xbd: {  	[sflag:s20] =	ssyncset.done $0x0  }
0xbe: {  	s5 =	sadd.s32 $0x14180, s5;
	[sflag:s20] =	ssyncadd.s32 $0xFFFFE000  }
0xbf: {  	[tilespmem:s26], [sflag:$0x2] =	stream.indirect.gather [spmem:s2], $0x40, s5, s23, $0xb8;
	[tilespmem:$0x1E800] =	vst v63  }
0xc0: {  	_ =	swait.ge [sflag:s28], $0x2000  }
0xc1: {  	[sflag:s28] =	ssyncset.done $0x0  }
0xc2: {  	[sflag:s28] =	ssyncadd.s32 $0xFFFFE000  }
0xc3: {  	[spmem:s3] =	stream.indirect.scatter.add.f32 [tilespmem:s24], [sflag:$0x3], $0x40, s30, s23, $0xb8;
	[tilespmem:$0x1E800] =	vst v63  }
0xc4: {  	_ =	swait.ge [sflag:s20], $0x2000  }
0xc5: {  	[sflag:s20] =	ssyncset.done $0x0  }
0xc6: {  	[sflag:s20] =	ssyncadd.s32 $0xFFFFE000  }
0xc7: {  	_ =	swait.ge [sflag:s29], $0x2000  }
0xc8: {  	[sflag:s29] =	ssyncset.done $0x0  }
0xc9: {  	[sflag:s29] =	ssyncadd.s32 $0xFFFFE000  }
0xca: {  	[spmem:s3] =	stream.indirect.scatter.add.f32 [tilespmem:s26], [sflag:$0x3], $0x40, s31, s23, $0xb8;
	[tilespmem:$0x1E800] =	vst v63  }
0xcb: {  	_ =	swait.ge [sflag:s20], $0x2000  }
0xcc: {  	[sflag:s20] =	ssyncset.done $0x0  }
0xcd: {  	s4 =	simm.s32 $0x0;
	[sflag:s20] =	ssyncadd.s32 $0xFFFFE000  }
0xce: {  	[tilespmem:s21], [sflag:$0x3] =	stream.linear.gather [hbm4b:s15+s4], $0x1400, $0x38;
	[tilespmem:$0x1E800] =	vst v63  }
0xcf: {  	_ =	swait.ge [sflag:s20], $0x1400  }
0xd0: {  	[sflag:s20] =	ssyncset.done $0x0  }
0xd1: {  	[sflag:s20] =	ssyncadd.s32 $0xFFFFEC00  }
0xd2: {  	[tilespmem:s22], [sflag:$0x3] =	stream.linear.gather [hbm4b:s16+s4], $0x1400, $0x38;
	[tilespmem:$0x1E800] =	vst v63  }
0xd3: {  	_ =	swait.ge [sflag:s20], $0x1400  }
0xd4: {  	[sflag:s20] =	ssyncset.done $0x0  }
0xd5: {  	[sflag:s20] =	ssyncadd.s32 $0xFFFFEC00  }
0xd6: {  	[tilespmem:s24], [sflag:$0x1] =	stream.indirect.gather [spmem:s2], $0x40, s21, s23, $0xb8;
	[tilespmem:$0x1E800] =	vst v63  }
0xd7: {  	_ = 	snop  }
0xd8: {  	[tilespmem:s26], [sflag:$0x2] =	stream.indirect.gather [spmem:s2], $0x40, s25, s23, $0xb8;
	[tilespmem:$0x1E800] =	vst v63  }
0xd9: {  	_ =	swait.ge [sflag:s28], $0x2000  }
0xda: {  	[sflag:s28] =	ssyncset.done $0x0  }
0xdb: {  	s6 =	simm.s32 $0x15400;
	[sflag:s28] =	ssyncadd.s32 $0xFFFFE000  }
0xdc: {  	[spmem:s3] =	stream.indirect.scatter.add.f32 [tilespmem:s24], [sflag:$0x3], $0x40, s6, s23, $0xb8;
	[tilespmem:$0x1E800] =	vst v63  }
0xdd: {  	_ =	swait.ge [sflag:s20], $0x2000  }
0xde: {  	[sflag:s20] =	ssyncset.done $0x0  }
0xdf: {  	s5 =	simm.s32 $0x14100;
	[sflag:s20] =	ssyncadd.s32 $0xFFFFE000  }
0xe0: {  	[tilespmem:s24], [sflag:$0x1] =	stream.indirect.gather [spmem:s2], $0x40, s5, s23, $0xb8;
	[tilespmem:$0x1E800] =	vst v63  }
0xe1: {  	_ =	swait.ge [sflag:s29], $0x2000  }
0xe2: {  	[sflag:s29] =	ssyncset.done $0x0  }
0xe3: {  	s6 =	simm.s32 $0x15480;
	[sflag:s29] =	ssyncadd.s32 $0xFFFFE000  }
0xe4: {  	[spmem:s3] =	stream.indirect.scatter.add.f32 [tilespmem:s26], [sflag:$0x3], $0x40, s6, s23, $0xb8;
	[tilespmem:$0x1E800] =	vst v63  }
0xe5: {  	_ =	swait.ge [sflag:s20], $0x2000  }
0xe6: {  	[sflag:s20] =	ssyncset.done $0x0  }
0xe7: {  	s4 =	simm.s32 $0x400;
	s5 =	simm.s32 $0x14180;
	[sflag:s20] =	ssyncadd.s32 $0xFFFFE000  }
.LBB2_8:
0xe8: {  	[tilespmem:s26], [sflag:$0x2] =	stream.indirect.gather [spmem:s2], $0x40, s5, s23, $0xb8;
	[tilespmem:$0x1E800] =	vst v63  }
0xe9: {  	s5 =	smov.u32 s4  }
0xea: {  	p0 =	sne.s32 s4, $0x4800;
	s4 =	sadd.s32 $0x400, s4;
	_ =	swait.ge [sflag:s28], $0x2000  }
0xeb: {  	s5 =	sshra.s32 s5, $0x2;
	[sflag:s28] =	ssyncset.done $0x0  }
0xec: {  	s6 =	sadd.s32 $0x15400, s5;
	[sflag:s28] =	ssyncadd.s32 $0xFFFFE000  }
0xed: {  	[spmem:s3] =	stream.indirect.scatter.add.f32 [tilespmem:s24], [sflag:$0x3], $0x40, s6, s23, $0xb8;
	[tilespmem:$0x1E800] =	vst v63  }
0xee: {  	_ =	swait.ge [sflag:s20], $0x2000  }
0xef: {  	[sflag:s20] =	ssyncset.done $0x0  }
0xf0: {  	s6 =	sadd.s32 $0x14100, s5;
	[sflag:s20] =	ssyncadd.s32 $0xFFFFE000  }
0xf1: {  	[tilespmem:s24], [sflag:$0x1] =	stream.indirect.gather [spmem:s2], $0x40, s6, s23, $0xb8;
	[tilespmem:$0x1E800] =	vst v63  }
0xf2: {  	_ =	swait.ge [sflag:s29], $0x2000  }
0xf3: {  	[sflag:s29] =	ssyncset.done $0x0  }
.Ltmp3:
0xf4: {  	s6 =	sadd.s32 $0x15480, s5;
	[sflag:s29] =	ssyncadd.s32 $0xFFFFE000;
	(pc) =	sbr.rel @p0 .LBB2_8-.Ltmp3, $4  }
0xf5: {  	[spmem:s3] =	stream.indirect.scatter.add.f32 [tilespmem:s26], [sflag:$0x3], $0x40, s6, s23, $0xb8;
	[tilespmem:$0x1E800] =	vst v63  }
0xf6: {  	_ =	swait.ge [sflag:s20], $0x2000  }
0xf7: {  	[sflag:s20] =	ssyncset.done $0x0  }
0xf8: {  	s5 =	sadd.s32 $0x14180, s5;
	[sflag:s20] =	ssyncadd.s32 $0xFFFFE000  }
0xf9: {  	[tilespmem:s26], [sflag:$0x2] =	stream.indirect.gather [spmem:s2], $0x40, s5, s23, $0xb8;
	[tilespmem:$0x1E800] =	vst v63  }
0xfa: {  	_ =	swait.ge [sflag:s28], $0x2000  }
0xfb: {  	[sflag:s28] =	ssyncset.done $0x0  }
0xfc: {  	[sflag:s28] =	ssyncadd.s32 $0xFFFFE000  }
0xfd: {  	[spmem:s3] =	stream.indirect.scatter.add.f32 [tilespmem:s24], [sflag:$0x3], $0x40, s30, s23, $0xb8;
	[tilespmem:$0x1E800] =	vst v63  }
0xfe: {  	_ =	swait.ge [sflag:s20], $0x2000  }
0xff: {  	[sflag:s20] =	ssyncset.done $0x0  }
0x100: {  	[sflag:s20] =	ssyncadd.s32 $0xFFFFE000  }
0x101: {  	_ =	swait.ge [sflag:s29], $0x2000  }
0x102: {  	[sflag:s29] =	ssyncset.done $0x0  }
0x103: {  	[sflag:s29] =	ssyncadd.s32 $0xFFFFE000  }
0x104: {  	[spmem:s3] =	stream.indirect.scatter.add.f32 [tilespmem:s26], [sflag:$0x3], $0x40, s31, s23, $0xb8;
	[tilespmem:$0x1E800] =	vst v63  }
0x105: {  	_ =	swait.ge [sflag:s20], $0x2000  }
0x106: {  	s1 =	sadd.s32 $0x1, s1;
	[sflag:s20] =	ssyncset.done $0x0  }
0x107: {  	p0 =	sne.s32 s1, s17;
	[sflag:s20] =	ssyncadd.s32 $0xFFFFE000  }
.Ltmp4:
0x108: {  	[bflag:$0x0] =	sbarrier.arrive $0xFFFF;
	(pc) =	sbr.rel @p0 .LBB2_1-.Ltmp4, $4  }
0x109: {  	[hbm:s18], [sflag:s7] =	dma.local [spmem:s0], $0x2800  }
0x10a: {  	_ =	swait.ge [sflag:s20], $0x2800  }
0x10b: {  	[sflag:s20] =	ssyncset.done $0x0  }
0x10c: {  	[sflag:s20] =	ssyncadd.s32 $0xFFFFD800  }
0x10d: {  	_ =	sfence.sel $0x180000  }
0x10e: {  	[bflag:$0x0] =	sbarrier.arrive $0xFFFF  }
0x10f: {  	_ =	strace $0x9000004D  }
0x110: {  	s0 =	stileid.u32;
	[bflag:$0x2] =	sbarrier.arrive $0xFFFF  }
0x111: {  	p0 =	sne.s32 s0, $0x0;
	s0 =	rddreg [dreg:$0x3]  }
0x112: {  	s0 =	sadd.s32 @!p0 $0x100000, s0  }
0x113: {  	[sflag:s0] =	ssyncadd.tile.s32 @!p0 $0x1;
	_ =	shalt  }
.Lfunc_end2:
_tile_overlayer_lowered:
.L_overlay_start_2:
0x114: {  	(tag) =	ssettag $0x2  }
0x115: {  	s0 =	rddreg [dreg:$0x0];
	s2 =	stileid.u32  }
0x116: {  	s1 =	rddreg [dreg:$0x1];
	p0 =	sne.s32 s2, $0x0  }
0x117: {  	s3 =	rddreg [dreg:$0x2];
	[bflag:$0x3] =	sbarrier.arrive $0xFFFF;
	s2 =	simm.s32 @!p0 $0x1C03  }
0x118: {  	[timem:s3], [sflag:s2] =	dma.local @!p0 [hbm:s0], s1  }
0x119: {  	s0 =	simm.s32 @!p0 $0x3  }
0x11a: {  	_ =	swait.ge @!p0 [sflag:s0], s1  }
0x11b: {  	s1 =	ssub.s32 @!p0 $0x0, s1;
	[sflag:s0] =	ssyncset.done @!p0 $0x0  }
0x11c: {  	[sflag:s0] =	ssyncadd.s32 @!p0 s1  }
0x11d: {  	[bflag:$0x3] =	sbarrier.arrive $0xFFFF  }
0x11e: {  	_ =	shalt  }

// kernel: kernel.7.cloned.1.call-start
scs
__scs_entry_jumppad:
0x0: {  	(pc) =	sbr.rel $0x88, $3  }
0x1: {  	(tag) =	ssettag $0x0;
	lr =	simm.s32 $0x1  }
0x2: {  	[smem:$0x3F97] =	sst lr;
	_ =	strace $0xD0000000  }
0x3: {  	_ = 	snop  }
0x4: {  	_ = 	snop  }
0x5: {  	_ = 	snop  }
0x6: {  	_ = 	snop  }
0x7: {  	_ = 	snop  }
__scs_overlays_trampoline_lowered:
0x8: {  	[smem:$0x3FA6] =	sst s0  }
0x9: {  	[smem:$0x3FA7] =	sst s1  }
0xa: {  	[smem:$0x3FA8] =	sst s2  }
0xb: {  	[smem:$0x3FA9] =	sst s3  }
0xc: {  	[smem:$0x3FAA] =	sst s4  }
0xd: {  	[smem:$0x3FAB] =	sst s5  }
0xe: {  	[smem:$0x3FAC] =	sst s6  }
0xf: {  	[smem:$0x3FAD] =	sst s7  }
0x10: {  	[smem:$0x3FAE] =	sst s8  }
0x11: {  	[smem:$0x3FAF] =	sst s9;
	s0 =	simm.s32 @!p0 $0x0  }
0x12: {  	s1 =	sld [smem:$0x3F95];
	s0 =	simm.s32 @p0 $0x1  }
0x13: {  	[smem:$0x3FB0] =	sst s0;
	s0 =	simm.s32 @!p1 $0x0  }
0x14: {  	s2 =	sld [smem:$0x3F94];
	s0 =	simm.s32 @p1 $0x1  }
0x15: {  	[smem:$0x3FB1] =	sst s0;
	s0 =	simm.s32 @!p2 $0x0  }
0x16: {  	s3 =	sld [smem:$0x3FDB];
	s0 =	simm.s32 @p2 $0x1  }
0x17: {  	s4 =	simm.s32 $0x1BF5;
	[smem:$0x3FB3] =	sst s0  }
0x18: {  	s0 =	sld [smem:$0x3F96];
	_ =	swait.ge [sflag:s4], $0x0  }
0x19: {  	s7 =	sld [smem:$0x3F97]  }
0x1a: {  	s8 =	sadd.s32 $0xFFFFE003, lr  }
0x1b: {  	s9 =	sadd.s32 $0xFFFFFEF7, lr;
	s5 =	simm.s32 $0xFFFFFFFF;
	p2 =	slt.u32 s8, $0xFFFFF086  }
0x1c: {  	p1 =	slt.u32 s9, $0xF7A;
	s5 =	simm.s32 @!p2 $0x0  }
0x1d: {  	s5 =	simm.s32 @p1 $0x1;
	p0 =	seq.s32 s7, s2  }
0x1e: {  	s7 =	smul.u32 @!p0 $0xF7A, s2;
	p2 =	seq.s32 @!p0 s5, $0x0  }
0x1f: {  	s9 =	smul.u32 $0xF7A, s1;
	s8 =	simm.s32 @!p0 $0x1BF5;
	p2 =	por !p2, p0  }
0x20: {  	[sflag:s8] =	ssyncset.s32 @!p0 $0xFFFFF086;
	s6 =	sadd.s32 @!p0 s3, s7;
	s7 =	simm.s32 @!p0 $0x108  }
0x21: {  	s3 =	sadd.s32 s3, s9;
	s6 =	sadd.s32 @!p0 $0x88, s6;
	s7 =	simm.s32 @p2 $0x1082  }
0x22: {  	[simem:s7], [sflag:s8] =	dma.local @!p0 [hbm:s6], $0xF7A  }
0x23: {  	s9 =	sor.u32 $0xD0000000, s2;
	s6 =	simm.s32 $0x108;
	_ =	swait.ge @!p0 [sflag:s8], $0x0  }
0x24: {  	s3 =	sadd.s32 $0x88, s3;
	s6 =	simm.s32 @!p1 $0x1082;
	[sflag:s4] =	ssyncset.s32 $0xFFFFF086  }
0x25: {  	[simem:s6], [sflag:s4] =	dma.local [hbm:s3], $0xF7A  }
0x26: {  	[smem:$0x3F97] =	sst s1;
	(tag) =	ssettag s2;
	_ =	strace s9  }
0x27: {  	s1 =	sld [smem:$0x3FA7]  }
0x28: {  	s2 =	sld [smem:$0x3FA8]  }
0x29: {  	s4 =	sld [smem:$0x3FAA]  }
0x2a: {  	p0 =	seq.s32 s5, $0x0;
	s5 =	sld [smem:$0x3FAB]  }
0x2b: {  	s6 =	sld [smem:$0x3FAC]  }
0x2c: {  	s7 =	sld [smem:$0x3FAD]  }
0x2d: {  	s3 =	simm.s32 $0x108;
	s8 =	sld [smem:$0x3FAE]  }
0x2e: {  	s3 =	simm.s32 @!p0 $0x1082;
	s9 =	sld [smem:$0x3FAF]  }
0x2f: {  	lr =	sadd.s32 s0, s3;
	s0 =	sld [smem:$0x3FA6]  }
0x30: {  	s3 =	sld [smem:$0x3FA9]  }
0x31: {  	[smem:$0x3FB2] =	sst s10  }
0x32: {  	s10 =	sld [smem:$0x3FB0];
	_ =	sdelay $0x3  }
0x33: {  	p0 =	seq.s32 s10, $0x1;
	s10 =	sld [smem:$0x3FB2];
	_ =	sdelay $0x3  }
0x34: {  	[smem:$0x3FB2] =	sst s10  }
0x35: {  	s10 =	sld [smem:$0x3FB1];
	_ =	sdelay $0x3  }
0x36: {  	p1 =	seq.s32 s10, $0x1;
	s10 =	sld [smem:$0x3FB2];
	_ =	sdelay $0x3  }
0x37: {  	[smem:$0x3FB2] =	sst s10  }
0x38: {  	s10 =	sld [smem:$0x3FB3]  }
0x39: {  	_ = 	snop;
	(pc) =	sbr.ind lr, $3  }
0x3a: {  	_ = 	snop  }
0x3b: {  	_ = 	snop  }
0x3c: {  	p2 =	seq.s32 s10, $0x1;
	s10 =	sld [smem:$0x3FB2]  }
0x3d: {  	_ =	shalt  }
0x3e: {  	_ =	shalt  }
0x3f: {  	_ =	shalt  }
0x40: {  	_ =	shalt  }
0x41: {  	_ =	shalt  }
0x42: {  	_ =	shalt  }
0x43: {  	_ =	shalt  }
0x44: {  	_ =	shalt  }
0x45: {  	_ =	shalt  }
0x46: {  	_ =	shalt  }
0x47: {  	_ =	shalt  }
0x48: {  	_ =	shalt  }
0x49: {  	_ =	shalt  }
0x4a: {  	_ =	shalt  }
0x4b: {  	_ =	shalt  }
0x4c: {  	_ =	shalt  }
0x4d: {  	_ =	shalt  }
0x4e: {  	_ =	shalt  }
0x4f: {  	_ =	shalt  }
0x50: {  	_ =	shalt  }
0x51: {  	_ =	shalt  }
0x52: {  	_ =	shalt  }
0x53: {  	_ =	shalt  }
0x54: {  	_ =	shalt  }
0x55: {  	_ =	shalt  }
0x56: {  	_ =	shalt  }
0x57: {  	_ =	shalt  }
0x58: {  	_ =	shalt  }
0x59: {  	_ =	shalt  }
0x5a: {  	_ =	shalt  }
0x5b: {  	_ =	shalt  }
0x5c: {  	_ =	shalt  }
0x5d: {  	_ =	shalt  }
0x5e: {  	_ =	shalt  }
0x5f: {  	_ =	shalt  }
0x60: {  	_ =	shalt  }
0x61: {  	_ =	shalt  }
0x62: {  	_ =	shalt  }
0x63: {  	_ =	shalt  }
0x64: {  	_ =	shalt  }
0x65: {  	_ =	shalt  }
0x66: {  	_ =	shalt  }
0x67: {  	_ =	shalt  }
0x68: {  	_ =	shalt  }
0x69: {  	_ =	shalt  }
0x6a: {  	_ =	shalt  }
0x6b: {  	_ =	shalt  }
0x6c: {  	_ =	shalt  }
0x6d: {  	_ =	shalt  }
0x6e: {  	_ =	shalt  }
0x6f: {  	_ =	shalt  }
0x70: {  	_ =	shalt  }
0x71: {  	_ =	shalt  }
0x72: {  	_ =	shalt  }
0x73: {  	_ =	shalt  }
0x74: {  	_ =	shalt  }
0x75: {  	_ =	shalt  }
0x76: {  	_ =	shalt  }
0x77: {  	_ =	shalt  }
0x78: {  	_ =	shalt  }
0x79: {  	_ =	shalt  }
0x7a: {  	_ =	shalt  }
0x7b: {  	_ =	shalt  }
0x7c: {  	_ =	shalt  }
0x7d: {  	_ =	shalt  }
0x7e: {  	_ =	shalt  }
0x7f: {  	_ =	shalt  }
0x80: {  	_ =	shalt  }
0x81: {  	_ =	shalt  }
0x82: {  	_ =	shalt  }
0x83: {  	_ =	shalt  }
0x84: {  	_ =	shalt  }
0x85: {  	_ =	shalt  }
0x86: {  	_ =	shalt  }
0x87: {  	_ =	shalt  }
.Lfunc_end0:
.L_simem_size_0:
called_computation_lowered:
.L_overlay_start_0:
0x88: {  	s2 =	sld [smem:$0x3FD9]  }
0x89: {  	s3 =	sld [smem:$0x3FFE];
	_ =	sdelay $0x1  }
0x8a: {  	s1 =	srdreg.scid  }
0x8b: {  	s0 =	sand.u32 $0x1, s1  }
0x8c: {  	s17 =	sshll.u32 s0, $0xA;
	s2 =	sadd.s32 s3, s2  }
0x8d: {  	s2 =	sadd.s32 s2, s17  }
0x8e: {  	[smem:$0x3FBE] =	sst s2  }
0x8f: {  	_ = 	snop  }
0x90: {  	s2 =	sld [smem:$0x3FD0];
	(tm) =	ssettm $0x1  }
0x91: {  	s18 =	sld [smem:$0x3FFB];
	_ =	sdelay $0x3  }
0x92: {  	_ =	strace s18  }
0x93: {  	s3 =	sld [smem:$0x3FFC];
	_ =	sdelay $0x3  }
0x94: {  	_ =	strace s3  }
0x95: {  	s3 =	sld [smem:$0x3FFD];
	_ =	sdelay $0x3  }
0x96: {  	_ =	strace s3  }
0x97: {  	_ =	strace $0x8FFFFFFF  }
0x98: {  	s19 =	sld [smem:$0x3FDB];
	_ =	sdelay $0x1  }
0x99: {  	s4 =	simm.s32 $_scs_section_size  }
0x9a: {  	s5 =	simm.s32 $_size__tile_overlayer_lowered;
	s6 =	simm.s32 $_tile_overlayer_lowered  }
0x9b: {  	s22 =	simm.s32 $0x1BFF;
	s21 =	sshll.u32 s6, $0x1;
	s3 =	sadd.s32 s4, s19  }
0x9c: {  	s7 =	simm.s32 $0x0;
	s20 =	sshll.u32 s5, $0x1;
	s5 =	sadd.s32 s21, s3  }
0x9d: {  	[timem:s7], [sflag:s22] =	dma.local [hbm:s5], s20  }
0x9e: {  	_ =	swait.ge [sflag:s22], s20  }
0x9f: {  	s4 =	ssub.s32 $0x0, s20;
	[sflag:s22] =	ssyncset.done $0x0  }
0xa0: {  	[sflag:s22] =	ssyncadd.s32 s4;
	_ =	sdelay $0x1  }
0xa1: {  	s23 =	simm.s32 $0x1B8B  }
0xa2: {  	_ =	swait.ge [sflag:s23], $0x1  }
0xa3: {  	[sflag:s23] =	ssyncset.done $0x0  }
0xa4: {  	s25 =	simm.s32 $0x1B8E;
	s24 =	sld [smem:$0x3FFE];
	[sflag:s23] =	ssyncadd.s32 $0xFFFFFFFF  }
0xa5: {  	s26 =	simm.s32 $execute0_lowered;
	[smem:$0x3FD2] =	sst s25  }
0xa6: {  	s5 =	sshll.u32 s26, $0x1;
	_ =	strace $0x80000046;
	[dreg:$0x1] =	wrdreg $0xFFFFFFFF  }
0xa7: {  	s28 =	simm.s32 $_size_execute0_lowered;
	s3 =	sadd.s32 s3, s5;
	[dreg:$0x0] =	wrdreg $0x0  }
0xa8: {  	s5 =	sshll.u32 s28, $0x1;
	[dreg:$0x2] =	wrdreg s3  }
0xa9: {  	[dreg:$0x3] =	wrdreg s5  }
0xaa: {  	[dreg:$0x4] =	wrdreg $0xC0  }
0xab: {  	_ =	task [dreg:s7], $0x5FFFF  }
0xac: {  	[dreg:$0x1] =	wrdreg $0xFFFFFFFF  }
0xad: {  	[dreg:$0x0] =	wrdreg $0x60  }
0xae: {  	[dreg:$0x2] =	wrdreg s24  }
0xaf: {  	[dreg:$0x3] =	wrdreg s2  }
0xb0: {  	[dreg:$0x4] =	wrdreg $0x0  }
0xb1: {  	[dreg:$0x5] =	wrdreg $0x9  }
0xb2: {  	_ =	task.clear_ibuf [dreg:s7], $0x6FFFF;
	_ =	strace $0x90000046  }
0xb3: {  	s29 =	simm.s32 $0x9;
	_ =	strace $0x80000048  }
0xb4: {  	_ =	swait.ge [sflag:s29], $0x1  }
0xb5: {  	[sflag:s29] =	ssyncadd.s32 $0xFFFFFFFF  }
0xb6: {  	_ =	strace $0x90000048  }
0xb7: {  	_ =	sfence  }
0xb8: {  	s30 =	sld [smem:$0x0];
	_ =	sdelay $0x2  }
0xb9: {  	s31 =	sshll.u32 s1, $0xD;
	s1 =	sshrl.u32 s1, $0x2  }
0xba: {  	s3 =	sand.u32 $0x4000, s31;
	s1 =	sadd.s32 s1, s30  }
0xbb: {  	s0 =	sor.u32 s3, s0;
	s1 =	sshll.u32 s1, $0x11  }
0xbc: {  	s0 =	sor.u32 s1, s0  }
0xbd: {  	s0 =	sadd.s32 $0x8F2B, s0  }
0xbe: {  	[sflag:s0] =	ssyncadd.remote.s32 $0x1  }
0xbf: {  	_ =	sfence.sel $0xFFFF  }
0xc0: {  	[dreg:$0x0] =	wrdreg $0xFFFFFFFF;
	(pc) =	sbr.abs _section_cstart, $3  }
0xc1: {  	[dreg:$0x1] =	wrdreg $0xFFFFFFFF  }
0xc2: {  	_ =	task.clear_ibuf [dreg:s7], $0x2FFFF;
	_ =	strace $0x9FFFFFFF  }
0xc3: {  	(tm) =	ssettm $0x7FFFFFFF  }
tec
execute0_lowered:
.L_overlay_start_1:
0x0: {  	(tag) =	ssettag $0x1  }
0x1: {  	s6 =	rddreg [dreg:$0x0]  }
0x2: {  	s1 =	srdreg.scid;
	s9 =	rddreg [dreg:$0x1]  }
0x3: {  	s0 =	stileid.u32;
	s2 =	rddreg [dreg:$0x2];
	s3 =	simm.s32 $0x0  }
0x4: {  	s14 =	simm.s32 $0x80;
	s7 =	sand.u32 $0x1, s1;
	s1 =	rddreg [dreg:$0x3]  }
0x5: {  	s15 =	simm.s32 $0x0;
	s29 =	sshll.u32 s0, $0x1;
	[smem:$0x7FF] =	sst s3  }
0x6: {  	s12 =	smul.u32 $0x280, s0;
	s5 =	sadd.s32 $0xD400, s6;
	s13 =	sadd.s32 $0xD600, s6  }
0x7: {  	s31 =	sshll.u32 s0, $0x6;
	s4 =	sor.u32 s7, s29;
	_ =	strace $0x80000047  }
0x8: {  	s10 =	ssub.s32 $0x2, s7;
	p0 =	seq.s32 s7, $0x1;
	s4 =	smul.u32 $0x500, s4  }
0x9: {  	s11 =	sshrl.u32 s10, $0x1;
	s30 =	sadd.s32 s12, s2;
	s12 =	sshrl.u32 s12, $0x3  }
0xa: {  	s9 =	smov.u32 @p0 s13;
	s13 =	simm.s32 $0x280;
	s10 =	ssub.s32 s10, s11  }
0xb: {  	s9 =	sadd.s32 s9, s12;
	s11 =	simm.s32 $0x1;
	s12 =	simm.s32 $0x2A80  }
0xc: {  	s8 =	sadd.s32 s4, s6;
	s4 =	sadd.s32 $0xD200, s6;
	s6 =	sor.u32 $0x1C01, s31  }
0xd: {  	s7 =	sadd.s32 $0x3200, s8;
	s8 =	smax.u32 s10, $0x1;
	s10 =	sshrl.u32 s30, $0x3  }
.LBB2_1:
0xe: {  	[spmem:s10], [sflag:s6] =	dma.local [hbm:s4], $0x50  }
0xf: {  	_ =	swait.ge [sflag:s11], $0x50  }
0x10: {  	[sflag:s11] =	ssyncset.done $0x0  }
0x11: {  	[sflag:s11] =	ssyncadd.s32 $0xFFFFFFB0  }
0x12: {  	[tilespmem:s12], [sflag:$0x1] =	stream.linear.gather [hbm4b:s5+s3], $0x80, $0x38;
	[tilespmem:$0x2B00] =	vst v63  }
0x13: {  	_ =	swait.ge [sflag:s11], $0x80  }
0x14: {  	[sflag:s11] =	ssyncset.done $0x0  }
0x15: {  	[sflag:s11] =	ssyncadd.s32 $0xFFFFFF80  }
0x16: {  	[tilespmem:s13], [sflag:$0x1] =	stream.linear.gather [hbm4b:s7+s3], $0x2800, $0x38;
	[tilespmem:$0x2B00] =	vst v63  }
0x17: {  	_ =	swait.ge [sflag:s11], $0x2800  }
0x18: {  	[sflag:s11] =	ssyncset.done $0x0  }
0x19: {  	[sflag:s11] =	ssyncadd.s32 $0xFFFFD800  }
0x1a: {  	s16 =	simm.s32 $0x280;
	[bflag:$0x0] =	sbarrier.arrive $0xFFFF  }
0x1b: {  	[spmem:s2] =	stream.indirect.scatter.add.f32 [tilespmem:s12], [sflag:$0x1], $0x1, s16, s14, $0xb8;
	[tilespmem:$0x2B00] =	vst v63  }
0x1c: {  	s16 =	simm.s32 $0x200;
	_ =	swait.ge [sflag:s11], $0x80  }
.LBB2_2:
0x1d: {  	s17 =	sshra.s32 s16, $0x2;
	[sflag:s11] =	ssyncset.done $0x0;
	p0 =	sne.s32 s16, $0x9E00  }
.Ltmp0:
0x1e: {  	s17 =	sadd.s32 $0x280, s17;
	[sflag:s11] =	ssyncadd.s32 $0xFFFFFF80;
	(pc) =	sbr.rel @p0 .LBB2_2-.Ltmp0, $3  }
0x1f: {  	[spmem:s2] =	stream.indirect.scatter.add.f32 [tilespmem:s12], [sflag:$0x1], $0x1, s17, s14, $0xb8;
	[tilespmem:$0x2B00] =	vst v63  }
0x20: {  	s16 =	sadd.s32 $0x200, s16;
	_ =	sdelay $0x1  }
0x21: {  	_ =	swait.ge [sflag:s11], $0x80  }
0x22: {  	[sflag:s11] =	ssyncset.done $0x0;
	s15 =	sadd.s32 $0x1, s15  }
0x23: {  	[sflag:s11] =	ssyncadd.s32 $0xFFFFFF80;
	p0 =	sne.s32 s15, s8  }
.Ltmp1:
0x24: {  	[bflag:$0x0] =	sbarrier.arrive $0xFFFF;
	(pc) =	sbr.rel @p0 .LBB2_1-.Ltmp1, $4  }
0x25: {  	[hbm:s9], [sflag:s6] =	dma.local [spmem:s10], $0x50  }
0x26: {  	_ =	swait.ge [sflag:s11], $0x50  }
0x27: {  	[sflag:s11] =	ssyncset.done $0x0  }
0x28: {  	[sflag:s11] =	ssyncadd.s32 $0xFFFFFFB0  }
0x29: {  	_ =	sfence.sel $0x180000  }
0x2a: {  	[bflag:$0x0] =	sbarrier.arrive $0xFFFF  }
0x2b: {  	p0 =	sne.s32 s0, $0x0;
	_ =	strace $0x90000047  }
0x2c: {  	s0 =	sadd.s32 @!p0 $0x100000, s1;
	[bflag:$0x2] =	sbarrier.arrive $0xFFFF  }
0x2d: {  	[sflag:s0] =	ssyncadd.tile.s32 @!p0 $0x1;
	_ =	shalt  }
.Lfunc_end2:
_tile_overlayer_lowered:
.L_overlay_start_2:
0x2e: {  	(tag) =	ssettag $0x2  }
0x2f: {  	s0 =	rddreg [dreg:$0x0];
	s2 =	stileid.u32  }
0x30: {  	s1 =	rddreg [dreg:$0x1];
	p0 =	sne.s32 s2, $0x0  }
0x31: {  	s3 =	rddreg [dreg:$0x2];
	[bflag:$0x3] =	sbarrier.arrive $0xFFFF;
	s2 =	simm.s32 @!p0 $0x1C01  }
0x32: {  	[timem:s3], [sflag:s2] =	dma.local @!p0 [hbm:s0], s1  }
0x33: {  	s0 =	simm.s32 @!p0 $0x1  }
0x34: {  	_ =	swait.ge @!p0 [sflag:s0], s1  }
0x35: {  	s1 =	ssub.s32 @!p0 $0x0, s1;
	[sflag:s0] =	ssyncset.done @!p0 $0x0  }
0x36: {  	[sflag:s0] =	ssyncadd.s32 @!p0 s1  }
0x37: {  	[bflag:$0x3] =	sbarrier.arrive $0xFFFF  }
0x38: {  	_ =	shalt  }

</sc_bundles>
